<compile_context>
chip_gen: v7x
topology: tpu7x:2x2x1
jax: 0.10.2.dev20260603
libtpu: 0.0.44.dev20260713+nightly
codegen_flags: <defaults>
</compile_context>

<pallas_src>
import jax
import jax.numpy as jnp
from jax import lax
from jax.experimental import pallas as pl
from jax.experimental.pallas import tpu as pltpu
from jax.experimental.pallas import tpu_sc as plsc

_N = 10000
_E = 160000
_D = 128
_R = 5
_NB = 8
_SUB = _D // _NB

_NC = 2
_NS = 16
_NW = _NC * _NS

_CHUNK = 128
_EPW = 5120
_NCHUNK = _EPW // _CHUNK
_E_PAD = _NW * _EPW
_GC = 64
_NSUB = 4
_NCH_TOT = _E_PAD // _GC
_CA = 120
_CB = (_NCH_TOT - 16 * _CA) // 16
_N_PAD = 10112
_RPT = _N_PAD // _NS



def _agg_body(table, gidx, zb128, agg_out, agg_sh, idx_v, rows_v, zb_v, *sems):
  c = lax.axis_index("c")
  s = lax.axis_index("s")

  start = jnp.where(c == 0, s * _CA, 16 * _CA + s * _CB)
  nch = jnp.where(c == 0, _CA, _CB)
  pltpu.sync_copy(gidx.at[pl.ds(start, _CA)], idx_v)
  pltpu.sync_copy(zb128, zb_v)

  base = s * _RPT

  def _zero(t, carry):
    pltpu.sync_copy(zb_v, agg_sh.at[pl.ds(base + t * 8, 8)])
    return carry

  lax.fori_loop(0, _RPT // 8, _zero, 0)
  plsc.subcore_barrier()

  sub = _GC // _NSUB

  def fire(j, b):
    for k in range(_NSUB):
      pltpu.async_copy(table.at[idx_v.at[j, 0, pl.ds(k * sub, sub)]],
                       rows_v.at[b, pl.ds(k * sub, sub)],
                       sems[b * _NSUB + k])

  def drain_scatter(j, b):
    for k in range(_NSUB):
      pltpu.make_async_copy(table.at[idx_v.at[j, 0, pl.ds(k * sub, sub)]],
                            rows_v.at[b, pl.ds(k * sub, sub)],
                            sems[b * _NSUB + k]).wait()
    pltpu.sync_copy(rows_v.at[b], agg_sh.at[idx_v.at[j, 1]], add=True)

  fire(0, 0)

  def _pair(p, carry):
    fire(2 * p + 1, 1)
    drain_scatter(2 * p, 0)

    @pl.when(2 * p + 2 < nch)
    def _():
      fire(2 * p + 2, 0)

    drain_scatter(2 * p + 1, 1)
    return carry

  lax.fori_loop(0, nch // 2, _pair, 0)
  plsc.subcore_barrier()

  pltpu.sync_copy(agg_sh.at[pl.ds(base, _RPT)],
                  agg_out.at[pl.ds(c * _N_PAD + base, _RPT)])


def _deg_body(dsti, zb128, ones128, deg_out, deg_sh, dst_v, ones_v, zb_v):
  c = lax.axis_index("c")
  s = lax.axis_index("s")
  wid = c * _NS + s
  pltpu.sync_copy(dsti.at[wid], dst_v)
  pltpu.sync_copy(zb128, zb_v)
  pltpu.sync_copy(ones128, ones_v)
  base = s * _RPT

  def _zero(t, carry):
    pltpu.sync_copy(zb_v, deg_sh.at[pl.ds(base + t * 8, 8)])
    return carry

  lax.fori_loop(0, _RPT // 8, _zero, 0)
  plsc.subcore_barrier()

  def _edge(j, carry):
    pltpu.sync_copy(ones_v, deg_sh.at[dst_v.at[j]], add=True)
    return carry

  lax.fori_loop(0, _NCHUNK, _edge, 0)
  plsc.subcore_barrier()
  pltpu.sync_copy(deg_sh.at[pl.ds(base, _RPT)],
                  deg_out.at[pl.ds(c * _N_PAD + base, _RPT)])


def _sc_mesh():
  return plsc.VectorSubcoreMesh(core_axis_name="c", subcore_axis_name="s",
                                num_cores=_NC, num_subcores=_NS)


_sc_cache = {}


def _get_agg():
  if "agg" not in _sc_cache:
    _sc_cache["agg"] = pl.kernel(
        _agg_body,
        out_type=[jax.ShapeDtypeStruct((_NC * _N_PAD, _D), jnp.float32)],
        mesh=_sc_mesh(),
        scratch_types=[
            pltpu.VMEM_SHARED((_N_PAD, _D), jnp.float32),
            pltpu.VMEM((_CA, 2, _GC), jnp.int32),
            pltpu.VMEM((2, _GC, _D), jnp.float32),
            pltpu.VMEM((8, _D), jnp.float32),
        ] + [pltpu.SemaphoreType.DMA] * (2 * _NSUB),
    )
  return _sc_cache["agg"]


def _get_deg():
  if "deg" not in _sc_cache:
    _sc_cache["deg"] = pl.kernel(
        _deg_body,
        out_type=[jax.ShapeDtypeStruct((_NC * _N_PAD, _D), jnp.float32)],
        mesh=_sc_mesh(),
        scratch_types=[
            pltpu.VMEM_SHARED((_N_PAD, _D), jnp.float32),
            pltpu.VMEM((_NCHUNK, _CHUNK), jnp.int32),
            pltpu.VMEM((_CHUNK, _D), jnp.float32),
            pltpu.VMEM((8, _D), jnp.float32),
        ],
    )
  return _sc_cache["deg"]



_BN = 1264


def _mm_body(x_ref, w_ref, o_ref):
  o_ref[...] = jnp.dot(x_ref[...], w_ref[...],
                       preferred_element_type=jnp.float32)


def _tc_table(h_pad, wcat):
  return pl.pallas_call(
      _mm_body,
      grid=(_N_PAD // _BN,),
      in_specs=[
          pl.BlockSpec((_BN, _D), lambda i: (i, 0)),
          pl.BlockSpec((_D, _R * _D), lambda i: (0, 0)),
      ],
      out_specs=pl.BlockSpec((_BN, _R * _D), lambda i: (i, 0)),
      out_shape=jax.ShapeDtypeStruct((_N_PAD, _R * _D), jnp.float32),
  )(h_pad, wcat)


def _layer_body(h_ref, a0_ref, a1_ref, d0_ref, d1_ref, lw_ref, b_ref,
                wc_ref, h1_ref, ht_ref):
  agg = a0_ref[...] + a1_ref[...]
  deg = d0_ref[:, 0:1] + d1_ref[:, 0:1]
  norm = jnp.where(deg > 0.0, 1.0 / jnp.maximum(deg, 1.0), 0.0)
  z = agg * norm + jnp.dot(h_ref[...], lw_ref[...],
                           preferred_element_type=jnp.float32) + b_ref[...]
  h1 = jnp.maximum(z, 0.0)
  h1_ref[...] = h1
  ht_ref[...] = jnp.dot(h1, wc_ref[...], preferred_element_type=jnp.float32)


def _tc_layer_mid(h_pad, a0, a1, d0, d1, loop_w, b, wcat_next):
  return pl.pallas_call(
      _layer_body,
      grid=(_N_PAD // _BN,),
      in_specs=[
          pl.BlockSpec((_BN, _D), lambda i: (i, 0)),
          pl.BlockSpec((_BN, _D), lambda i: (i, 0)),
          pl.BlockSpec((_BN, _D), lambda i: (i, 0)),
          pl.BlockSpec((_BN, _D), lambda i: (i, 0)),
          pl.BlockSpec((_BN, _D), lambda i: (i, 0)),
          pl.BlockSpec((_D, _D), lambda i: (0, 0)),
          pl.BlockSpec((1, _D), lambda i: (0, 0)),
          pl.BlockSpec((_D, _R * _D), lambda i: (0, 0)),
      ],
      out_specs=[
          pl.BlockSpec((_BN, _D), lambda i: (i, 0)),
          pl.BlockSpec((_BN, _R * _D), lambda i: (i, 0)),
      ],
      out_shape=[
          jax.ShapeDtypeStruct((_N_PAD, _D), jnp.float32),
          jax.ShapeDtypeStruct((_N_PAD, _R * _D), jnp.float32),
      ],
  )(h_pad, a0, a1, d0, d1, loop_w, b, wcat_next)


def _final_body(h_ref, a0_ref, a1_ref, d0_ref, d1_ref, lw_ref, b_ref, o_ref):
  agg = a0_ref[...] + a1_ref[...]
  deg = d0_ref[:, 0:1] + d1_ref[:, 0:1]
  norm = jnp.where(deg > 0.0, 1.0 / jnp.maximum(deg, 1.0), 0.0)
  o_ref[...] = agg * norm + jnp.dot(h_ref[...], lw_ref[...],
                                    preferred_element_type=jnp.float32) + b_ref[...]


def _tc_layer_final(h_pad, a0, a1, d0, d1, loop_w, b):
  return pl.pallas_call(
      _final_body,
      grid=(_N_PAD // _BN,),
      in_specs=[
          pl.BlockSpec((_BN, _D), lambda i: (i, 0)),
          pl.BlockSpec((_BN, _D), lambda i: (i, 0)),
          pl.BlockSpec((_BN, _D), lambda i: (i, 0)),
          pl.BlockSpec((_BN, _D), lambda i: (i, 0)),
          pl.BlockSpec((_BN, _D), lambda i: (i, 0)),
          pl.BlockSpec((_D, _D), lambda i: (0, 0)),
          pl.BlockSpec((1, _D), lambda i: (0, 0)),
      ],
      out_specs=pl.BlockSpec((_BN, _D), lambda i: (i, 0)),
      out_shape=jax.ShapeDtypeStruct((_N_PAD, _D), jnp.float32),
  )(h_pad, a0, a1, d0, d1, loop_w, b)


def _blockdiag_cat(W):
  Wd = jnp.zeros((_R, _D, _D), W.dtype)
  for b in range(_NB):
    Wd = Wd.at[:, b * _SUB:(b + 1) * _SUB, b * _SUB:(b + 1) * _SUB].set(W[:, b])
  return Wd.transpose(1, 0, 2).reshape(_D, _R * _D)


@jax.jit
def kernel(h, edge_index, e_feat, W0, loop_w0, b0, W1, loop_w1, b1):
  src = edge_index[0].astype(jnp.int32)
  dst = edge_index[1].astype(jnp.int32)
  ef = e_feat.astype(jnp.int32)

  pad = _E_PAD - _E
  gidx = jnp.pad(src * _R + ef, (0, pad)).reshape(_NCH_TOT, 1, _GC)
  dstp = jnp.pad(dst, (0, pad), constant_values=_N)
  dsti = dstp.reshape(_NCH_TOT, 1, _GC)
  gd = jnp.concatenate([gidx, dsti], axis=1)
  gd = jnp.pad(gd, ((0, _CA - _CB), (0, 0), (0, 0)))
  dsti3 = dstp.reshape(_NW, _NCHUNK, _CHUNK)

  zb128 = jnp.zeros((8, _D), jnp.float32)
  ones128 = jnp.ones((_CHUNK, _D), jnp.float32)

  h_pad = jnp.pad(h, ((0, _N_PAD - _N), (0, 0)))
  wcat0 = _blockdiag_cat(W0)
  wcat1 = _blockdiag_cat(W1)

  (degp,) = _get_deg()(dsti3, zb128, ones128)
  d0 = degp[:_N_PAD]
  d1 = degp[_N_PAD:]

  ht0 = _tc_table(h_pad, wcat0).reshape(_N_PAD * _R, _D)
  (aggp0,) = _get_agg()(ht0, gd, zb128)
  h1_pad, ht1 = _tc_layer_mid(h_pad, aggp0[:_N_PAD], aggp0[_N_PAD:], d0, d1,
                              loop_w0, b0.reshape(1, _D), wcat1)

  (aggp1,) = _get_agg()(ht1.reshape(_N_PAD * _R, _D), gd, zb128)
  out = _tc_layer_final(h1_pad, aggp1[:_N_PAD], aggp1[_N_PAD:], d0, d1,
                        loop_w1, b1.reshape(1, _D))
  return out[:_N]

# --- scband reference (transcript-rebuilt; emitter-appended) ---
"""Pipeline reference for scband-relation-gcn-377957122421 (READ-ONLY COPY).

The authoritative reference and input builder live on the scoring server;
editing this copy changes nothing except your own understanding.
"""

import jax, jax.numpy as jnp
import numpy as np

N = 10000
E = 160000
D = 128
NUM_RELS = 5
NUM_BASES = 8
SUB = D // NUM_BASES


def setup_inputs(seed: int = 0) -> dict:
    key = jax.random.key(seed)
    ks = jax.random.split(key, 12)
    h = jax.random.normal(ks[0], (N, D), dtype=jnp.float32)
    edge_index = jax.random.randint(ks[1], (2, E), 0, N)
    e_feat = jax.random.randint(ks[2], (E,), 0, NUM_RELS)
    scale = 1.0 / np.sqrt(D)
    W0 = jax.random.normal(ks[3], (NUM_RELS, NUM_BASES, SUB, SUB), dtype=jnp.float32) * scale
    loop_w0 = jax.random.normal(ks[4], (D, D), dtype=jnp.float32) * scale
    b0 = jnp.zeros((D,), dtype=jnp.float32)
    W1 = jax.random.normal(ks[5], (NUM_RELS, NUM_BASES, SUB, SUB), dtype=jnp.float32) * scale
    loop_w1 = jax.random.normal(ks[6], (D, D), dtype=jnp.float32) * scale
    b1 = jnp.zeros((D,), dtype=jnp.float32)
    return {"h": h, "edge_index": edge_index, "e_feat": e_feat,
            "W0": W0, "loop_w0": loop_w0, "b0": b0,
            "W1": W1, "loop_w1": loop_w1, "b1": b1}


def _rgcn_bdd_layer(h, src, dst, e_feat, edge_norm, W, loop_w, b, apply_act):
    # gather source-node features and view as block-diagonal blocks
    h_src = h[src].reshape(E, NUM_BASES, SUB)
    # block-diagonal-decomposition message: per relation weight, selected by e_feat
    msg = jnp.zeros((E, NUM_BASES, SUB), dtype=jnp.float32)
    for r in range(NUM_RELS):
        mr = jnp.einsum('ebi,bio->ebo', h_src, W[r])
        msg = msg + jnp.where((e_feat == r)[:, None, None], mr, 0.0)
    msg = msg.reshape(E, D) * edge_norm  # dst-degree norm applied per edge
    # scatter-add aggregation to destination nodes
    agg = jnp.zeros((N, D), dtype=jnp.float32).at[dst].add(msg)
    out = agg + h @ loop_w + b  # self-loop + bias (DGL RelGraphConv)
    if apply_act:
        out = jax.nn.relu(out)
    return out


def reference(h, edge_index, e_feat, W0, loop_w0, b0, W1, loop_w1, b1):
    src = edge_index[0]
    dst = edge_index[1]
    # comp_deg_norm: 1/in_degree, inf -> 0
    in_deg = jnp.zeros((N,), dtype=jnp.float32).at[dst].add(1.0)
    node_norm = jnp.where(in_deg > 0, 1.0 / jnp.maximum(in_deg, 1.0), 0.0)
    # node_norm_to_edge_norm: norm of dst node per edge
    edge_norm = node_norm[dst][:, None]
    h = _rgcn_bdd_layer(h, src, dst, e_feat, edge_norm, W0, loop_w0, b0, True)
    h = _rgcn_bdd_layer(h, src, dst, e_feat, edge_norm, W1, loop_w1, b1, False)
    return h

if __name__ == "__main__":
    import jax
    _d = setup_inputs()
    print(jax.jit(kernel)(*tuple(_d.values())))

</pallas_src>

<mosaic_0001>
#map = affine_map<(d0, d1) -> (0, 0, 0)>
#map1 = affine_map<(d0, d1) -> (0, 0)>
module attributes {stable_mosaic.version = 14 : i64} {
  func.func @_deg_body(%arg0: i32, %arg1: i32, %arg2: memref<32x40x128xi32, #tpu.memory_space<hbm>>, %arg3: memref<8x128xf32, #tpu.memory_space<hbm>>, %arg4: memref<128x128xf32, #tpu.memory_space<hbm>>, %arg5: memref<20224x128xf32, #tpu.memory_space<hbm>>, %arg6: memref<10112x128xf32, #tpu.memory_space<vmem_shared>>, %arg7: memref<40x128xi32, #tpu.memory_space<vmem>>, %arg8: memref<128x128xf32, #tpu.memory_space<vmem>>, %arg9: memref<8x128xf32, #tpu.memory_space<vmem>>) attributes {dimension_semantics = [#tpu.dimension_semantics<core_parallel>, #tpu.dimension_semantics<subcore_parallel>], iteration_bounds = array<i64: 2, 16>, scalar_prefetch = 0 : i64, scratch_operands = 4 : i64, tpu.core_type = #tpu.core_type<sc_vector_subcore>, window_params = [{transform_indices = #map}, {transform_indices = #map1}, {transform_indices = #map1}, {transform_indices = #map1}]} {
    %mul3A = arith.constant 16 : i32
    %mul3A_0 = arith.muli %arg0, %mul3A : i32
    %add3A = arith.addi %mul3A_0, %arg1 : i32
    "tpu.region"() ({
      %run_scoped3A = tpu.sem_alloc : memref<!tpu.dma_semaphore, #tpu.memory_space<semaphore_mem>>
      %dma_start3A = arith.constant 0 : i32
      %dma_start3A_18 = arith.constant 0 : i32
      %dma_start3A_19 = tpu.memref_slice %arg2[%add3A, %dma_start3A, %dma_start3A_18] : memref<32x40x128xi32, #tpu.memory_space<hbm>> -> memref<1x40x128xi32, #tpu.memory_space<hbm>>
      %dma_start3A_20 = tpu.memref_squeeze %dma_start3A_19 : memref<1x40x128xi32, #tpu.memory_space<hbm>> -> memref<40x128xi32, #tpu.memory_space<hbm>>
      %dma_start3A_21 = arith.constant 0 : i32
      %dma_start3A_22 = arith.constant 0 : i32
      %dma_start3A_23 = tpu.memref_slice %arg2[%add3A, %dma_start3A_21, %dma_start3A_22] : memref<32x40x128xi32, #tpu.memory_space<hbm>> -> memref<1x40x128xi32, #tpu.memory_space<hbm>>
      %dma_start3A_24 = tpu.memref_squeeze %dma_start3A_23 : memref<1x40x128xi32, #tpu.memory_space<hbm>> -> memref<40x128xi32, #tpu.memory_space<hbm>>
      tpu.enqueue_dma source(%dma_start3A_24 : memref<40x128xi32, #tpu.memory_space<hbm>>) target(%arg7 : memref<40x128xi32, #tpu.memory_space<vmem>>) target_semaphore(%run_scoped3A : memref<!tpu.dma_semaphore, #tpu.memory_space<semaphore_mem>>)
      %dma_wait3A = arith.constant 0 : i32
      %dma_wait3A_25 = arith.constant 0 : i32
      %dma_wait3A_26 = tpu.memref_slice %arg2[%add3A, %dma_wait3A, %dma_wait3A_25] : memref<32x40x128xi32, #tpu.memory_space<hbm>> -> memref<1x40x128xi32, #tpu.memory_space<hbm>>
      %dma_wait3A_27 = tpu.memref_squeeze %dma_wait3A_26 : memref<1x40x128xi32, #tpu.memory_space<hbm>> -> memref<40x128xi32, #tpu.memory_space<hbm>>
      %dma_wait3A_28 = arith.constant 0 : i32
      %dma_wait3A_29 = arith.constant 0 : i32
      %dma_wait3A_30 = tpu.memref_slice %arg2[%add3A, %dma_wait3A_28, %dma_wait3A_29] : memref<32x40x128xi32, #tpu.memory_space<hbm>> -> memref<1x40x128xi32, #tpu.memory_space<hbm>>
      %dma_wait3A_31 = tpu.memref_squeeze %dma_wait3A_30 : memref<1x40x128xi32, #tpu.memory_space<hbm>> -> memref<40x128xi32, #tpu.memory_space<hbm>>
      tpu.wait_dma2 semaphore(%run_scoped3A : memref<!tpu.dma_semaphore, #tpu.memory_space<semaphore_mem>>) src(%dma_wait3A_31 : memref<40x128xi32, #tpu.memory_space<hbm>>) dst(%arg7 : memref<40x128xi32, #tpu.memory_space<vmem>>)
      tpu.yield
    }) : () -> ()
    "tpu.region"() ({
      %run_scoped3A = tpu.sem_alloc : memref<!tpu.dma_semaphore, #tpu.memory_space<semaphore_mem>>
      tpu.enqueue_dma source(%arg3 : memref<8x128xf32, #tpu.memory_space<hbm>>) target(%arg9 : memref<8x128xf32, #tpu.memory_space<vmem>>) target_semaphore(%run_scoped3A : memref<!tpu.dma_semaphore, #tpu.memory_space<semaphore_mem>>)
      tpu.wait_dma2 semaphore(%run_scoped3A : memref<!tpu.dma_semaphore, #tpu.memory_space<semaphore_mem>>) src(%arg3 : memref<8x128xf32, #tpu.memory_space<hbm>>) dst(%arg9 : memref<8x128xf32, #tpu.memory_space<vmem>>)
      tpu.yield
    }) : () -> ()
    "tpu.region"() ({
      %run_scoped3A = tpu.sem_alloc : memref<!tpu.dma_semaphore, #tpu.memory_space<semaphore_mem>>
      tpu.enqueue_dma source(%arg4 : memref<128x128xf32, #tpu.memory_space<hbm>>) target(%arg8 : memref<128x128xf32, #tpu.memory_space<vmem>>) target_semaphore(%run_scoped3A : memref<!tpu.dma_semaphore, #tpu.memory_space<semaphore_mem>>)
      tpu.wait_dma2 semaphore(%run_scoped3A : memref<!tpu.dma_semaphore, #tpu.memory_space<semaphore_mem>>) src(%arg4 : memref<128x128xf32, #tpu.memory_space<hbm>>) dst(%arg8 : memref<128x128xf32, #tpu.memory_space<vmem>>)
      tpu.yield
    }) : () -> ()
    %mul3A_1 = arith.constant 632 : i32
    %mul3A_2 = arith.muli %arg1, %mul3A_1 : i32
    %scan3A = arith.constant 0 : i32
    %scan3A_3 = arith.constant 0 : i32
    %scan3A_4 = arith.constant 79 : i32
    %scan3A_5 = arith.addi %scan3A_3, %scan3A_4 : i32
    %scan3A_6 = arith.constant 1 : i32
    scf.for %scan3A_18 = %scan3A_3 to %scan3A_5 step %scan3A_6  : i32 {
      %mul3A_19 = arith.constant 8 : i32
      %mul3A_20 = arith.muli %scan3A_18, %mul3A_19 : i32
      %add3A_21 = arith.addi %mul3A_2, %mul3A_20 : i32
      "tpu.region"() ({
        %run_scoped3A = tpu.sem_alloc : memref<!tpu.dma_semaphore, #tpu.memory_space<semaphore_mem>>
        %dma_start3A = arith.constant 0 : i32
        %dma_start3A_22 = tpu.memref_slice %arg6[%add3A_21, %dma_start3A] : memref<10112x128xf32, #tpu.memory_space<vmem_shared>> -> memref<8x128xf32, #tpu.memory_space<vmem_shared>>
        %dma_start3A_23 = arith.constant 0 : i32
        %dma_start3A_24 = tpu.memref_slice %arg6[%add3A_21, %dma_start3A_23] : memref<10112x128xf32, #tpu.memory_space<vmem_shared>> -> memref<8x128xf32, #tpu.memory_space<vmem_shared>>
        tpu.enqueue_dma source(%arg9 : memref<8x128xf32, #tpu.memory_space<vmem>>) target(%dma_start3A_24 : memref<8x128xf32, #tpu.memory_space<vmem_shared>>) target_semaphore(%run_scoped3A : memref<!tpu.dma_semaphore, #tpu.memory_space<semaphore_mem>>)
        %dma_wait3A = arith.constant 0 : i32
        %dma_wait3A_25 = tpu.memref_slice %arg6[%add3A_21, %dma_wait3A] : memref<10112x128xf32, #tpu.memory_space<vmem_shared>> -> memref<8x128xf32, #tpu.memory_space<vmem_shared>>
        %dma_wait3A_26 = arith.constant 0 : i32
        %dma_wait3A_27 = tpu.memref_slice %arg6[%add3A_21, %dma_wait3A_26] : memref<10112x128xf32, #tpu.memory_space<vmem_shared>> -> memref<8x128xf32, #tpu.memory_space<vmem_shared>>
        tpu.wait_dma2 semaphore(%run_scoped3A : memref<!tpu.dma_semaphore, #tpu.memory_space<semaphore_mem>>) src(%arg9 : memref<8x128xf32, #tpu.memory_space<vmem>>) dst(%dma_wait3A_27 : memref<8x128xf32, #tpu.memory_space<vmem_shared>>)
        tpu.yield
      }) : () -> ()
    }
    %scan3A_7 = arith.constant 79 : i32
    %barrier3A = arith.constant 0 : index
    tpu.barrier barrier_id(%barrier3A)
    %scan3A_8 = arith.constant 0 : i32
    %scan3A_9 = arith.constant 0 : i32
    %scan3A_10 = arith.constant 40 : i32
    %scan3A_11 = arith.addi %scan3A_9, %scan3A_10 : i32
    %scan3A_12 = arith.constant 1 : i32
    scf.for %scan3A_18 = %scan3A_9 to %scan3A_11 step %scan3A_12  : i32 {
      "tpu.region"() ({
        %run_scoped3A = tpu.sem_alloc : memref<!tpu.dma_semaphore, #tpu.memory_space<semaphore_mem>>
        %dma_start3A = arith.constant 0 : i32
        %dma_start3A_19 = tpu.memref_slice %arg7[%scan3A_18, %dma_start3A] : memref<40x128xi32, #tpu.memory_space<vmem>> -> memref<1x128xi32, #tpu.memory_space<vmem>>
        %dma_start3A_20 = tpu.memref_squeeze %dma_start3A_19 : memref<1x128xi32, #tpu.memory_space<vmem>> -> memref<128xi32, #tpu.memory_space<vmem>>
        %dma_start3A_21 = arith.constant 0 : i32
        %dma_start3A_22 = arith.constant 0 : i32
        %dma_start3A_23 = tpu.memref_slice %arg6[%dma_start3A_21, %dma_start3A_22] : memref<10112x128xf32, #tpu.memory_space<vmem_shared>> -> memref<10112x128xf32, #tpu.memory_space<vmem_shared>>
        tpu.enqueue_indirect_dma source(%arg8 : memref<128x128xf32, #tpu.memory_space<vmem>>) target(%dma_start3A_23 : memref<10112x128xf32, #tpu.memory_space<vmem_shared>>) offsets(%dma_start3A_20 : memref<128xi32, #tpu.memory_space<vmem>>) semaphore(%run_scoped3A : memref<!tpu.dma_semaphore, #tpu.memory_space<semaphore_mem>>) {add = true}
        %dma_wait3A = arith.constant 0 : i32
        %dma_wait3A_24 = tpu.memref_slice %arg7[%scan3A_18, %dma_wait3A] : memref<40x128xi32, #tpu.memory_space<vmem>> -> memref<1x128xi32, #tpu.memory_space<vmem>>
        %dma_wait3A_25 = tpu.memref_squeeze %dma_wait3A_24 : memref<1x128xi32, #tpu.memory_space<vmem>> -> memref<128xi32, #tpu.memory_space<vmem>>
        %dma_wait3A_26 = arith.constant 0 : i32
        %dma_wait3A_27 = arith.constant 0 : i32
        %dma_wait3A_28 = tpu.memref_slice %arg6[%dma_wait3A_26, %dma_wait3A_27] : memref<10112x128xf32, #tpu.memory_space<vmem_shared>> -> memref<10112x128xf32, #tpu.memory_space<vmem_shared>>
        tpu.wait_indirect_dma semaphore(%run_scoped3A : memref<!tpu.dma_semaphore, #tpu.memory_space<semaphore_mem>>) src(%arg8 : memref<128x128xf32, #tpu.memory_space<vmem>>) dst(%dma_wait3A_28 : memref<10112x128xf32, #tpu.memory_space<vmem_shared>>)
        tpu.yield
      }) : () -> ()
    }
    %scan3A_13 = arith.constant 40 : i32
    %barrier3A_14 = arith.constant 0 : index
    tpu.barrier barrier_id(%barrier3A_14)
    %mul3A_15 = arith.constant 10112 : i32
    %mul3A_16 = arith.muli %arg0, %mul3A_15 : i32
    %add3A_17 = arith.addi %mul3A_16, %mul3A_2 : i32
    "tpu.region"() ({
      %run_scoped3A = tpu.sem_alloc : memref<!tpu.dma_semaphore, #tpu.memory_space<semaphore_mem>>
      %dma_start3A = arith.constant 0 : i32
      %dma_start3A_18 = tpu.memref_slice %arg5[%add3A_17, %dma_start3A] : memref<20224x128xf32, #tpu.memory_space<hbm>> -> memref<632x128xf32, #tpu.memory_space<hbm>>
      %dma_start3A_19 = arith.constant 0 : i32
      %dma_start3A_20 = tpu.memref_slice %arg6[%mul3A_2, %dma_start3A_19] : memref<10112x128xf32, #tpu.memory_space<vmem_shared>> -> memref<632x128xf32, #tpu.memory_space<vmem_shared>>
      tpu.enqueue_dma source(%dma_start3A_20 : memref<632x128xf32, #tpu.memory_space<vmem_shared>>) target(%dma_start3A_18 : memref<632x128xf32, #tpu.memory_space<hbm>>) target_semaphore(%run_scoped3A : memref<!tpu.dma_semaphore, #tpu.memory_space<semaphore_mem>>)
      %dma_wait3A = arith.constant 0 : i32
      %dma_wait3A_21 = tpu.memref_slice %arg5[%add3A_17, %dma_wait3A] : memref<20224x128xf32, #tpu.memory_space<hbm>> -> memref<632x128xf32, #tpu.memory_space<hbm>>
      %dma_wait3A_22 = arith.constant 0 : i32
      %dma_wait3A_23 = tpu.memref_slice %arg6[%mul3A_2, %dma_wait3A_22] : memref<10112x128xf32, #tpu.memory_space<vmem_shared>> -> memref<632x128xf32, #tpu.memory_space<vmem_shared>>
      tpu.wait_dma2 semaphore(%run_scoped3A : memref<!tpu.dma_semaphore, #tpu.memory_space<semaphore_mem>>) src(%dma_wait3A_23 : memref<632x128xf32, #tpu.memory_space<vmem_shared>>) dst(%dma_wait3A_21 : memref<632x128xf32, #tpu.memory_space<hbm>>)
      tpu.yield
    }) : () -> ()
    return
  }
}

#map = affine_map<(d0, d1) -> (0, 0)>
#map1 = affine_map<(d0, d1) -> (0, 0, 0)>
module attributes {stable_mosaic.version = 14 : i64} {
  func.func @_agg_body(%arg0: i32, %arg1: i32, %arg2: memref<50560x128xf32, #tpu.memory_space<hbm>>, %arg3: memref<2640x2x64xi32, #tpu.memory_space<hbm>>, %arg4: memref<8x128xf32, #tpu.memory_space<hbm>>, %arg5: memref<20224x128xf32, #tpu.memory_space<hbm>>, %arg6: memref<10112x128xf32, #tpu.memory_space<vmem_shared>>, %arg7: memref<120x2x64xi32, #tpu.memory_space<vmem>>, %arg8: memref<2x64x128xf32, #tpu.memory_space<vmem>>, %arg9: memref<8x128xf32, #tpu.memory_space<vmem>>, %arg10: memref<!tpu.dma_semaphore, #tpu.memory_space<semaphore_mem>>, %arg11: memref<!tpu.dma_semaphore, #tpu.memory_space<semaphore_mem>>, %arg12: memref<!tpu.dma_semaphore, #tpu.memory_space<semaphore_mem>>, %arg13: memref<!tpu.dma_semaphore, #tpu.memory_space<semaphore_mem>>, %arg14: memref<!tpu.dma_semaphore, #tpu.memory_space<semaphore_mem>>, %arg15: memref<!tpu.dma_semaphore, #tpu.memory_space<semaphore_mem>>, %arg16: memref<!tpu.dma_semaphore, #tpu.memory_space<semaphore_mem>>, %arg17: memref<!tpu.dma_semaphore, #tpu.memory_space<semaphore_mem>>) attributes {dimension_semantics = [#tpu.dimension_semantics<core_parallel>, #tpu.dimension_semantics<subcore_parallel>], iteration_bounds = array<i64: 2, 16>, scalar_prefetch = 0 : i64, scratch_operands = 12 : i64, tpu.core_type = #tpu.core_type<sc_vector_subcore>, window_params = [{transform_indices = #map}, {transform_indices = #map1}, {transform_indices = #map}, {transform_indices = #map}]} {
    %eq3A = arith.constant 0 : i32
    %eq3A_0 = arith.cmpi eq, %arg0, %eq3A : i32
    %mul3A = arith.constant 120 : i32
    %mul3A_1 = arith.muli %arg1, %mul3A : i32
    %mul3A_2 = arith.constant 40 : i32
    %mul3A_3 = arith.muli %arg1, %mul3A_2 : i32
    %add3A = arith.constant 1920 : i32
    %add3A_4 = arith.addi %add3A, %mul3A_3 : i32
    %select_n3A = arith.select %eq3A_0, %mul3A_1, %add3A_4 : i32
    %eq3A_5 = arith.constant 0 : i32
    %eq3A_6 = arith.cmpi eq, %arg0, %eq3A_5 : i32
    %jit3A = arith.constant 120 : i32
    %jit3A_7 = arith.constant 40 : i32
    %select_n3A_8 = arith.select %eq3A_6, %jit3A, %jit3A_7 : i32
    "tpu.region"() ({
      %run_scoped3A = tpu.sem_alloc : memref<!tpu.dma_semaphore, #tpu.memory_space<semaphore_mem>>
      %dma_start3A_98 = arith.constant 0 : i32
      %dma_start3A_99 = arith.constant 0 : i32
      %dma_start3A_100 = tpu.memref_slice %arg3[%select_n3A, %dma_start3A_98, %dma_start3A_99] : memref<2640x2x64xi32, #tpu.memory_space<hbm>> -> memref<120x2x64xi32, #tpu.memory_space<hbm>>
      %dma_start3A_101 = arith.constant 0 : i32
      %dma_start3A_102 = arith.constant 0 : i32
      %dma_start3A_103 = tpu.memref_slice %arg3[%select_n3A, %dma_start3A_101, %dma_start3A_102] : memref<2640x2x64xi32, #tpu.memory_space<hbm>> -> memref<120x2x64xi32, #tpu.memory_space<hbm>>
      tpu.enqueue_dma source(%dma_start3A_103 : memref<120x2x64xi32, #tpu.memory_space<hbm>>) target(%arg7 : memref<120x2x64xi32, #tpu.memory_space<vmem>>) target_semaphore(%run_scoped3A : memref<!tpu.dma_semaphore, #tpu.memory_space<semaphore_mem>>)
      %dma_wait3A = arith.constant 0 : i32
      %dma_wait3A_104 = arith.constant 0 : i32
      %dma_wait3A_105 = tpu.memref_slice %arg3[%select_n3A, %dma_wait3A, %dma_wait3A_104] : memref<2640x2x64xi32, #tpu.memory_space<hbm>> -> memref<120x2x64xi32, #tpu.memory_space<hbm>>
      %dma_wait3A_106 = arith.constant 0 : i32
      %dma_wait3A_107 = arith.constant 0 : i32
      %dma_wait3A_108 = tpu.memref_slice %arg3[%select_n3A, %dma_wait3A_106, %dma_wait3A_107] : memref<2640x2x64xi32, #tpu.memory_space<hbm>> -> memref<120x2x64xi32, #tpu.memory_space<hbm>>
      tpu.wait_dma2 semaphore(%run_scoped3A : memref<!tpu.dma_semaphore, #tpu.memory_space<semaphore_mem>>) src(%dma_wait3A_108 : memref<120x2x64xi32, #tpu.memory_space<hbm>>) dst(%arg7 : memref<120x2x64xi32, #tpu.memory_space<vmem>>)
      tpu.yield
    }) : () -> ()
    "tpu.region"() ({
      %run_scoped3A = tpu.sem_alloc : memref<!tpu.dma_semaphore, #tpu.memory_space<semaphore_mem>>
      tpu.enqueue_dma source(%arg4 : memref<8x128xf32, #tpu.memory_space<hbm>>) target(%arg9 : memref<8x128xf32, #tpu.memory_space<vmem>>) target_semaphore(%run_scoped3A : memref<!tpu.dma_semaphore, #tpu.memory_space<semaphore_mem>>)
      tpu.wait_dma2 semaphore(%run_scoped3A : memref<!tpu.dma_semaphore, #tpu.memory_space<semaphore_mem>>) src(%arg4 : memref<8x128xf32, #tpu.memory_space<hbm>>) dst(%arg9 : memref<8x128xf32, #tpu.memory_space<vmem>>)
      tpu.yield
    }) : () -> ()
    %mul3A_9 = arith.constant 632 : i32
    %mul3A_10 = arith.muli %arg1, %mul3A_9 : i32
    %scan3A = arith.constant 0 : i32
    %scan3A_11 = arith.constant 0 : i32
    %scan3A_12 = arith.constant 79 : i32
    %scan3A_13 = arith.addi %scan3A_11, %scan3A_12 : i32
    %scan3A_14 = arith.constant 1 : i32
    scf.for %scan3A_98 = %scan3A_11 to %scan3A_13 step %scan3A_14  : i32 {
      %mul3A_99 = arith.constant 8 : i32
      %mul3A_100 = arith.muli %scan3A_98, %mul3A_99 : i32
      %add3A_101 = arith.addi %mul3A_10, %mul3A_100 : i32
      "tpu.region"() ({
        %run_scoped3A = tpu.sem_alloc : memref<!tpu.dma_semaphore, #tpu.memory_space<semaphore_mem>>
        %dma_start3A_102 = arith.constant 0 : i32
        %dma_start3A_103 = tpu.memref_slice %arg6[%add3A_101, %dma_start3A_102] : memref<10112x128xf32, #tpu.memory_space<vmem_shared>> -> memref<8x128xf32, #tpu.memory_space<vmem_shared>>
        %dma_start3A_104 = arith.constant 0 : i32
        %dma_start3A_105 = tpu.memref_slice %arg6[%add3A_101, %dma_start3A_104] : memref<10112x128xf32, #tpu.memory_space<vmem_shared>> -> memref<8x128xf32, #tpu.memory_space<vmem_shared>>
        tpu.enqueue_dma source(%arg9 : memref<8x128xf32, #tpu.memory_space<vmem>>) target(%dma_start3A_105 : memref<8x128xf32, #tpu.memory_space<vmem_shared>>) target_semaphore(%run_scoped3A : memref<!tpu.dma_semaphore, #tpu.memory_space<semaphore_mem>>)
        %dma_wait3A = arith.constant 0 : i32
        %dma_wait3A_106 = tpu.memref_slice %arg6[%add3A_101, %dma_wait3A] : memref<10112x128xf32, #tpu.memory_space<vmem_shared>> -> memref<8x128xf32, #tpu.memory_space<vmem_shared>>
        %dma_wait3A_107 = arith.constant 0 : i32
        %dma_wait3A_108 = tpu.memref_slice %arg6[%add3A_101, %dma_wait3A_107] : memref<10112x128xf32, #tpu.memory_space<vmem_shared>> -> memref<8x128xf32, #tpu.memory_space<vmem_shared>>
        tpu.wait_dma2 semaphore(%run_scoped3A : memref<!tpu.dma_semaphore, #tpu.memory_space<semaphore_mem>>) src(%arg9 : memref<8x128xf32, #tpu.memory_space<vmem>>) dst(%dma_wait3A_108 : memref<8x128xf32, #tpu.memory_space<vmem_shared>>)
        tpu.yield
      }) : () -> ()
    }
    %scan3A_15 = arith.constant 79 : i32
    %barrier3A = arith.constant 0 : index
    tpu.barrier barrier_id(%barrier3A)
    %dma_start3A = arith.constant 0 : i32
    %dma_start3A_16 = arith.constant 0 : i32
    %dma_start3A_17 = arith.constant 0 : i32
    %dma_start3A_18 = arith.constant 0 : i32
    %dma_start3A_19 = arith.constant 0 : i32
    %dma_start3A_20 = tpu.memref_slice %arg8[%dma_start3A_17, %dma_start3A_18, %dma_start3A_19] : memref<2x64x128xf32, #tpu.memory_space<vmem>> -> memref<1x16x128xf32, #tpu.memory_space<vmem>>
    %dma_start3A_21 = tpu.memref_squeeze %dma_start3A_20 : memref<1x16x128xf32, #tpu.memory_space<vmem>> -> memref<16x128xf32, #tpu.memory_space<vmem>>
    %dma_start3A_22 = arith.constant 0 : i32
    %dma_start3A_23 = tpu.memref_slice %arg7[%dma_start3A, %dma_start3A_16, %dma_start3A_22] : memref<120x2x64xi32, #tpu.memory_space<vmem>> -> memref<1x1x16xi32, #tpu.memory_space<vmem>>
    %dma_start3A_24 = tpu.memref_squeeze %dma_start3A_23 : memref<1x1x16xi32, #tpu.memory_space<vmem>> -> memref<16xi32, #tpu.memory_space<vmem>>
    %dma_start3A_25 = arith.constant 0 : i32
    %dma_start3A_26 = arith.constant 0 : i32
    %dma_start3A_27 = tpu.memref_slice %arg2[%dma_start3A_25, %dma_start3A_26] : memref<50560x128xf32, #tpu.memory_space<hbm>> -> memref<50560x128xf32, #tpu.memory_space<hbm>>
    tpu.enqueue_indirect_dma source(%dma_start3A_27 : memref<50560x128xf32, #tpu.memory_space<hbm>>) target(%dma_start3A_21 : memref<16x128xf32, #tpu.memory_space<vmem>>) offsets(%dma_start3A_24 : memref<16xi32, #tpu.memory_space<vmem>>) semaphore(%arg10 : memref<!tpu.dma_semaphore, #tpu.memory_space<semaphore_mem>>)
    %dma_start3A_28 = arith.constant 0 : i32
    %dma_start3A_29 = arith.constant 0 : i32
    %dma_start3A_30 = arith.constant 0 : i32
    %dma_start3A_31 = arith.constant 16 : i32
    %dma_start3A_32 = arith.constant 0 : i32
    %dma_start3A_33 = tpu.memref_slice %arg8[%dma_start3A_30, %dma_start3A_31, %dma_start3A_32] : memref<2x64x128xf32, #tpu.memory_space<vmem>> -> memref<1x16x128xf32, #tpu.memory_space<vmem>>
    %dma_start3A_34 = tpu.memref_squeeze %dma_start3A_33 : memref<1x16x128xf32, #tpu.memory_space<vmem>> -> memref<16x128xf32, #tpu.memory_space<vmem>>
    %dma_start3A_35 = arith.constant 16 : i32
    %dma_start3A_36 = tpu.memref_slice %arg7[%dma_start3A_28, %dma_start3A_29, %dma_start3A_35] : memref<120x2x64xi32, #tpu.memory_space<vmem>> -> memref<1x1x16xi32, #tpu.memory_space<vmem>>
    %dma_start3A_37 = tpu.memref_squeeze %dma_start3A_36 : memref<1x1x16xi32, #tpu.memory_space<vmem>> -> memref<16xi32, #tpu.memory_space<vmem>>
    %dma_start3A_38 = arith.constant 0 : i32
    %dma_start3A_39 = arith.constant 0 : i32
    %dma_start3A_40 = tpu.memref_slice %arg2[%dma_start3A_38, %dma_start3A_39] : memref<50560x128xf32, #tpu.memory_space<hbm>> -> memref<50560x128xf32, #tpu.memory_space<hbm>>
    tpu.enqueue_indirect_dma source(%dma_start3A_40 : memref<50560x128xf32, #tpu.memory_space<hbm>>) target(%dma_start3A_34 : memref<16x128xf32, #tpu.memory_space<vmem>>) offsets(%dma_start3A_37 : memref<16xi32, #tpu.memory_space<vmem>>) semaphore(%arg11 : memref<!tpu.dma_semaphore, #tpu.memory_space<semaphore_mem>>)
    %dma_start3A_41 = arith.constant 0 : i32
    %dma_start3A_42 = arith.constant 0 : i32
    %dma_start3A_43 = arith.constant 0 : i32
    %dma_start3A_44 = arith.constant 32 : i32
    %dma_start3A_45 = arith.constant 0 : i32
    %dma_start3A_46 = tpu.memref_slice %arg8[%dma_start3A_43, %dma_start3A_44, %dma_start3A_45] : memref<2x64x128xf32, #tpu.memory_space<vmem>> -> memref<1x16x128xf32, #tpu.memory_space<vmem>>
    %dma_start3A_47 = tpu.memref_squeeze %dma_start3A_46 : memref<1x16x128xf32, #tpu.memory_space<vmem>> -> memref<16x128xf32, #tpu.memory_space<vmem>>
    %dma_start3A_48 = arith.constant 32 : i32
    %dma_start3A_49 = tpu.memref_slice %arg7[%dma_start3A_41, %dma_start3A_42, %dma_start3A_48] : memref<120x2x64xi32, #tpu.memory_space<vmem>> -> memref<1x1x16xi32, #tpu.memory_space<vmem>>
    %dma_start3A_50 = tpu.memref_squeeze %dma_start3A_49 : memref<1x1x16xi32, #tpu.memory_space<vmem>> -> memref<16xi32, #tpu.memory_space<vmem>>
    %dma_start3A_51 = arith.constant 0 : i32
    %dma_start3A_52 = arith.constant 0 : i32
    %dma_start3A_53 = tpu.memref_slice %arg2[%dma_start3A_51, %dma_start3A_52] : memref<50560x128xf32, #tpu.memory_space<hbm>> -> memref<50560x128xf32, #tpu.memory_space<hbm>>
    tpu.enqueue_indirect_dma source(%dma_start3A_53 : memref<50560x128xf32, #tpu.memory_space<hbm>>) target(%dma_start3A_47 : memref<16x128xf32, #tpu.memory_space<vmem>>) offsets(%dma_start3A_50 : memref<16xi32, #tpu.memory_space<vmem>>) semaphore(%arg12 : memref<!tpu.dma_semaphore, #tpu.memory_space<semaphore_mem>>)
    %dma_start3A_54 = arith.constant 0 : i32
    %dma_start3A_55 = arith.constant 0 : i32
    %dma_start3A_56 = arith.constant 0 : i32
    %dma_start3A_57 = arith.constant 48 : i32
    %dma_start3A_58 = arith.constant 0 : i32
    %dma_start3A_59 = tpu.memref_slice %arg8[%dma_start3A_56, %dma_start3A_57, %dma_start3A_58] : memref<2x64x128xf32, #tpu.memory_space<vmem>> -> memref<1x16x128xf32, #tpu.memory_space<vmem>>
    %dma_start3A_60 = tpu.memref_squeeze %dma_start3A_59 : memref<1x16x128xf32, #tpu.memory_space<vmem>> -> memref<16x128xf32, #tpu.memory_space<vmem>>
    %dma_start3A_61 = arith.constant 48 : i32
    %dma_start3A_62 = tpu.memref_slice %arg7[%dma_start3A_54, %dma_start3A_55, %dma_start3A_61] : memref<120x2x64xi32, #tpu.memory_space<vmem>> -> memref<1x1x16xi32, #tpu.memory_space<vmem>>
    %dma_start3A_63 = tpu.memref_squeeze %dma_start3A_62 : memref<1x1x16xi32, #tpu.memory_space<vmem>> -> memref<16xi32, #tpu.memory_space<vmem>>
    %dma_start3A_64 = arith.constant 0 : i32
    %dma_start3A_65 = arith.constant 0 : i32
    %dma_start3A_66 = tpu.memref_slice %arg2[%dma_start3A_64, %dma_start3A_65] : memref<50560x128xf32, #tpu.memory_space<hbm>> -> memref<50560x128xf32, #tpu.memory_space<hbm>>
    tpu.enqueue_indirect_dma source(%dma_start3A_66 : memref<50560x128xf32, #tpu.memory_space<hbm>>) target(%dma_start3A_60 : memref<16x128xf32, #tpu.memory_space<vmem>>) offsets(%dma_start3A_63 : memref<16xi32, #tpu.memory_space<vmem>>) semaphore(%arg13 : memref<!tpu.dma_semaphore, #tpu.memory_space<semaphore_mem>>)
    %jit3A_67 = arith.constant 2 : i32
    %div3A = arith.divsi %select_n3A_8, %jit3A_67 : i32
    %sign3A = arith.constant 0 : i32
    %sign3A_68 = arith.cmpi sgt, %select_n3A_8, %sign3A : i32
    %sign3A_69 = arith.extui %sign3A_68 : i1 to i32
    %sign3A_70 = arith.constant 0 : i32
    %sign3A_71 = arith.cmpi slt, %select_n3A_8, %sign3A_70 : i32
    %sign3A_72 = arith.extui %sign3A_71 : i1 to i32
    %sign3A_73 = arith.subi %sign3A_69, %sign3A_72 : i32
    %sign3A_74 = arith.constant 0 : i32
    %sign3A_75 = arith.cmpi sgt, %jit3A_67, %sign3A_74 : i32
    %sign3A_76 = arith.extui %sign3A_75 : i1 to i32
    %sign3A_77 = arith.constant 0 : i32
    %sign3A_78 = arith.cmpi slt, %jit3A_67, %sign3A_77 : i32
    %sign3A_79 = arith.extui %sign3A_78 : i1 to i32
    %sign3A_80 = arith.subi %sign3A_76, %sign3A_79 : i32
    %ne3A = arith.cmpi ne, %sign3A_73, %sign3A_80 : i32
    %rem3A = arith.remsi %select_n3A_8, %jit3A_67 : i32
    %ne3A_81 = arith.constant 0 : i32
    %ne3A_82 = arith.cmpi ne, %rem3A, %ne3A_81 : i32
    %and3A = arith.andi %ne3A, %ne3A_82 : i1
    %sub3A = arith.constant 1 : i32
    %sub3A_83 = arith.subi %div3A, %sub3A : i32
    %select_n3A_84 = arith.select %and3A, %sub3A_83, %div3A : i32
    %while3A = arith.constant 0 : i32
    %while3A_85 = arith.constant 0 : i32
    %while3A_86 = arith.subi %select_n3A_84, %while3A_85 : i32
    %while3A_87 = arith.addi %while3A_85, %while3A_86 : i32
    %while3A_88 = arith.constant 1 : i32
    %while3A_89 = arith.divsi %while3A_86, %while3A_88 : i32
    %while3A_90 = arith.muli %while3A_89, %while3A_88 : i32
    %while3A_91 = arith.addi %while3A_85, %while3A_90 : i32
    %while3A_92 = arith.constant 1 : i32
    scf.for %while3A_98 = %while3A_85 to %while3A_91 step %while3A_92  : i32 {
      %mul3A_99 = arith.constant 2 : i32
      %mul3A_100 = arith.muli %mul3A_99, %while3A_98 : i32
      %add3A_101 = arith.constant 1 : i32
      %add3A_102 = arith.addi %mul3A_100, %add3A_101 : i32
      %dma_start3A_103 = arith.constant 0 : i32
      %dma_start3A_104 = arith.constant 1 : i32
      %dma_start3A_105 = arith.constant 0 : i32
      %dma_start3A_106 = arith.constant 0 : i32
      %dma_start3A_107 = tpu.memref_slice %arg8[%dma_start3A_104, %dma_start3A_105, %dma_start3A_106] : memref<2x64x128xf32, #tpu.memory_space<vmem>> -> memref<1x16x128xf32, #tpu.memory_space<vmem>>
      %dma_start3A_108 = tpu.memref_squeeze %dma_start3A_107 : memref<1x16x128xf32, #tpu.memory_space<vmem>> -> memref<16x128xf32, #tpu.memory_space<vmem>>
      %dma_start3A_109 = arith.constant 0 : i32
      %dma_start3A_110 = tpu.memref_slice %arg7[%add3A_102, %dma_start3A_103, %dma_start3A_109] : memref<120x2x64xi32, #tpu.memory_space<vmem>> -> memref<1x1x16xi32, #tpu.memory_space<vmem>>
      %dma_start3A_111 = tpu.memref_squeeze %dma_start3A_110 : memref<1x1x16xi32, #tpu.memory_space<vmem>> -> memref<16xi32, #tpu.memory_space<vmem>>
      %dma_start3A_112 = arith.constant 0 : i32
      %dma_start3A_113 = arith.constant 0 : i32
      %dma_start3A_114 = tpu.memref_slice %arg2[%dma_start3A_112, %dma_start3A_113] : memref<50560x128xf32, #tpu.memory_space<hbm>> -> memref<50560x128xf32, #tpu.memory_space<hbm>>
      tpu.enqueue_indirect_dma source(%dma_start3A_114 : memref<50560x128xf32, #tpu.memory_space<hbm>>) target(%dma_start3A_108 : memref<16x128xf32, #tpu.memory_space<vmem>>) offsets(%dma_start3A_111 : memref<16xi32, #tpu.memory_space<vmem>>) semaphore(%arg14 : memref<!tpu.dma_semaphore, #tpu.memory_space<semaphore_mem>>)
      %dma_start3A_115 = arith.constant 0 : i32
      %dma_start3A_116 = arith.constant 1 : i32
      %dma_start3A_117 = arith.constant 16 : i32
      %dma_start3A_118 = arith.constant 0 : i32
      %dma_start3A_119 = tpu.memref_slice %arg8[%dma_start3A_116, %dma_start3A_117, %dma_start3A_118] : memref<2x64x128xf32, #tpu.memory_space<vmem>> -> memref<1x16x128xf32, #tpu.memory_space<vmem>>
      %dma_start3A_120 = tpu.memref_squeeze %dma_start3A_119 : memref<1x16x128xf32, #tpu.memory_space<vmem>> -> memref<16x128xf32, #tpu.memory_space<vmem>>
      %dma_start3A_121 = arith.constant 16 : i32
      %dma_start3A_122 = tpu.memref_slice %arg7[%add3A_102, %dma_start3A_115, %dma_start3A_121] : memref<120x2x64xi32, #tpu.memory_space<vmem>> -> memref<1x1x16xi32, #tpu.memory_space<vmem>>
      %dma_start3A_123 = tpu.memref_squeeze %dma_start3A_122 : memref<1x1x16xi32, #tpu.memory_space<vmem>> -> memref<16xi32, #tpu.memory_space<vmem>>
      %dma_start3A_124 = arith.constant 0 : i32
      %dma_start3A_125 = arith.constant 0 : i32
      %dma_start3A_126 = tpu.memref_slice %arg2[%dma_start3A_124, %dma_start3A_125] : memref<50560x128xf32, #tpu.memory_space<hbm>> -> memref<50560x128xf32, #tpu.memory_space<hbm>>
      tpu.enqueue_indirect_dma source(%dma_start3A_126 : memref<50560x128xf32, #tpu.memory_space<hbm>>) target(%dma_start3A_120 : memref<16x128xf32, #tpu.memory_space<vmem>>) offsets(%dma_start3A_123 : memref<16xi32, #tpu.memory_space<vmem>>) semaphore(%arg15 : memref<!tpu.dma_semaphore, #tpu.memory_space<semaphore_mem>>)
      %dma_start3A_127 = arith.constant 0 : i32
      %dma_start3A_128 = arith.constant 1 : i32
      %dma_start3A_129 = arith.constant 32 : i32
      %dma_start3A_130 = arith.constant 0 : i32
      %dma_start3A_131 = tpu.memref_slice %arg8[%dma_start3A_128, %dma_start3A_129, %dma_start3A_130] : memref<2x64x128xf32, #tpu.memory_space<vmem>> -> memref<1x16x128xf32, #tpu.memory_space<vmem>>
      %dma_start3A_132 = tpu.memref_squeeze %dma_start3A_131 : memref<1x16x128xf32, #tpu.memory_space<vmem>> -> memref<16x128xf32, #tpu.memory_space<vmem>>
      %dma_start3A_133 = arith.constant 32 : i32
      %dma_start3A_134 = tpu.memref_slice %arg7[%add3A_102, %dma_start3A_127, %dma_start3A_133] : memref<120x2x64xi32, #tpu.memory_space<vmem>> -> memref<1x1x16xi32, #tpu.memory_space<vmem>>
      %dma_start3A_135 = tpu.memref_squeeze %dma_start3A_134 : memref<1x1x16xi32, #tpu.memory_space<vmem>> -> memref<16xi32, #tpu.memory_space<vmem>>
      %dma_start3A_136 = arith.constant 0 : i32
      %dma_start3A_137 = arith.constant 0 : i32
      %dma_start3A_138 = tpu.memref_slice %arg2[%dma_start3A_136, %dma_start3A_137] : memref<50560x128xf32, #tpu.memory_space<hbm>> -> memref<50560x128xf32, #tpu.memory_space<hbm>>
      tpu.enqueue_indirect_dma source(%dma_start3A_138 : memref<50560x128xf32, #tpu.memory_space<hbm>>) target(%dma_start3A_132 : memref<16x128xf32, #tpu.memory_space<vmem>>) offsets(%dma_start3A_135 : memref<16xi32, #tpu.memory_space<vmem>>) semaphore(%arg16 : memref<!tpu.dma_semaphore, #tpu.memory_space<semaphore_mem>>)
      %dma_start3A_139 = arith.constant 0 : i32
      %dma_start3A_140 = arith.constant 1 : i32
      %dma_start3A_141 = arith.constant 48 : i32
      %dma_start3A_142 = arith.constant 0 : i32
      %dma_start3A_143 = tpu.memref_slice %arg8[%dma_start3A_140, %dma_start3A_141, %dma_start3A_142] : memref<2x64x128xf32, #tpu.memory_space<vmem>> -> memref<1x16x128xf32, #tpu.memory_space<vmem>>
      %dma_start3A_144 = tpu.memref_squeeze %dma_start3A_143 : memref<1x16x128xf32, #tpu.memory_space<vmem>> -> memref<16x128xf32, #tpu.memory_space<vmem>>
      %dma_start3A_145 = arith.constant 48 : i32
      %dma_start3A_146 = tpu.memref_slice %arg7[%add3A_102, %dma_start3A_139, %dma_start3A_145] : memref<120x2x64xi32, #tpu.memory_space<vmem>> -> memref<1x1x16xi32, #tpu.memory_space<vmem>>
      %dma_start3A_147 = tpu.memref_squeeze %dma_start3A_146 : memref<1x1x16xi32, #tpu.memory_space<vmem>> -> memref<16xi32, #tpu.memory_space<vmem>>
      %dma_start3A_148 = arith.constant 0 : i32
      %dma_start3A_149 = arith.constant 0 : i32
      %dma_start3A_150 = tpu.memref_slice %arg2[%dma_start3A_148, %dma_start3A_149] : memref<50560x128xf32, #tpu.memory_space<hbm>> -> memref<50560x128xf32, #tpu.memory_space<hbm>>
      tpu.enqueue_indirect_dma source(%dma_start3A_150 : memref<50560x128xf32, #tpu.memory_space<hbm>>) target(%dma_start3A_144 : memref<16x128xf32, #tpu.memory_space<vmem>>) offsets(%dma_start3A_147 : memref<16xi32, #tpu.memory_space<vmem>>) semaphore(%arg17 : memref<!tpu.dma_semaphore, #tpu.memory_space<semaphore_mem>>)
      %mul3A_151 = arith.constant 2 : i32
      %mul3A_152 = arith.muli %mul3A_151, %while3A_98 : i32
      %dma_wait3A = arith.constant 0 : i32
      %dma_wait3A_153 = arith.constant 0 : i32
      %dma_wait3A_154 = arith.constant 0 : i32
      %dma_wait3A_155 = arith.constant 0 : i32
      %dma_wait3A_156 = tpu.memref_slice %arg8[%dma_wait3A_153, %dma_wait3A_154, %dma_wait3A_155] : memref<2x64x128xf32, #tpu.memory_space<vmem>> -> memref<1x16x128xf32, #tpu.memory_space<vmem>>
      %dma_wait3A_157 = tpu.memref_squeeze %dma_wait3A_156 : memref<1x16x128xf32, #tpu.memory_space<vmem>> -> memref<16x128xf32, #tpu.memory_space<vmem>>
      %dma_wait3A_158 = arith.constant 0 : i32
      %dma_wait3A_159 = tpu.memref_slice %arg7[%mul3A_152, %dma_wait3A, %dma_wait3A_158] : memref<120x2x64xi32, #tpu.memory_space<vmem>> -> memref<1x1x16xi32, #tpu.memory_space<vmem>>
      %dma_wait3A_160 = tpu.memref_squeeze %dma_wait3A_159 : memref<1x1x16xi32, #tpu.memory_space<vmem>> -> memref<16xi32, #tpu.memory_space<vmem>>
      %dma_wait3A_161 = arith.constant 0 : i32
      %dma_wait3A_162 = arith.constant 0 : i32
      %dma_wait3A_163 = tpu.memref_slice %arg2[%dma_wait3A_161, %dma_wait3A_162] : memref<50560x128xf32, #tpu.memory_space<hbm>> -> memref<50560x128xf32, #tpu.memory_space<hbm>>
      tpu.wait_indirect_dma semaphore(%arg10 : memref<!tpu.dma_semaphore, #tpu.memory_space<semaphore_mem>>) src(%dma_wait3A_163 : memref<50560x128xf32, #tpu.memory_space<hbm>>) dst(%dma_wait3A_157 : memref<16x128xf32, #tpu.memory_space<vmem>>)
      %dma_wait3A_164 = arith.constant 0 : i32
      %dma_wait3A_165 = arith.constant 0 : i32
      %dma_wait3A_166 = arith.constant 16 : i32
      %dma_wait3A_167 = arith.constant 0 : i32
      %dma_wait3A_168 = tpu.memref_slice %arg8[%dma_wait3A_165, %dma_wait3A_166, %dma_wait3A_167] : memref<2x64x128xf32, #tpu.memory_space<vmem>> -> memref<1x16x128xf32, #tpu.memory_space<vmem>>
      %dma_wait3A_169 = tpu.memref_squeeze %dma_wait3A_168 : memref<1x16x128xf32, #tpu.memory_space<vmem>> -> memref<16x128xf32, #tpu.memory_space<vmem>>
      %dma_wait3A_170 = arith.constant 16 : i32
      %dma_wait3A_171 = tpu.memref_slice %arg7[%mul3A_152, %dma_wait3A_164, %dma_wait3A_170] : memref<120x2x64xi32, #tpu.memory_space<vmem>> -> memref<1x1x16xi32, #tpu.memory_space<vmem>>
      %dma_wait3A_172 = tpu.memref_squeeze %dma_wait3A_171 : memref<1x1x16xi32, #tpu.memory_space<vmem>> -> memref<16xi32, #tpu.memory_space<vmem>>
      %dma_wait3A_173 = arith.constant 0 : i32
      %dma_wait3A_174 = arith.constant 0 : i32
      %dma_wait3A_175 = tpu.memref_slice %arg2[%dma_wait3A_173, %dma_wait3A_174] : memref<50560x128xf32, #tpu.memory_space<hbm>> -> memref<50560x128xf32, #tpu.memory_space<hbm>>
      tpu.wait_indirect_dma semaphore(%arg11 : memref<!tpu.dma_semaphore, #tpu.memory_space<semaphore_mem>>) src(%dma_wait3A_175 : memref<50560x128xf32, #tpu.memory_space<hbm>>) dst(%dma_wait3A_169 : memref<16x128xf32, #tpu.memory_space<vmem>>)
      %dma_wait3A_176 = arith.constant 0 : i32
      %dma_wait3A_177 = arith.constant 0 : i32
      %dma_wait3A_178 = arith.constant 32 : i32
      %dma_wait3A_179 = arith.constant 0 : i32
      %dma_wait3A_180 = tpu.memref_slice %arg8[%dma_wait3A_177, %dma_wait3A_178, %dma_wait3A_179] : memref<2x64x128xf32, #tpu.memory_space<vmem>> -> memref<1x16x128xf32, #tpu.memory_space<vmem>>
      %dma_wait3A_181 = tpu.memref_squeeze %dma_wait3A_180 : memref<1x16x128xf32, #tpu.memory_space<vmem>> -> memref<16x128xf32, #tpu.memory_space<vmem>>
      %dma_wait3A_182 = arith.constant 32 : i32
      %dma_wait3A_183 = tpu.memref_slice %arg7[%mul3A_152, %dma_wait3A_176, %dma_wait3A_182] : memref<120x2x64xi32, #tpu.memory_space<vmem>> -> memref<1x1x16xi32, #tpu.memory_space<vmem>>
      %dma_wait3A_184 = tpu.memref_squeeze %dma_wait3A_183 : memref<1x1x16xi32, #tpu.memory_space<vmem>> -> memref<16xi32, #tpu.memory_space<vmem>>
      %dma_wait3A_185 = arith.constant 0 : i32
      %dma_wait3A_186 = arith.constant 0 : i32
      %dma_wait3A_187 = tpu.memref_slice %arg2[%dma_wait3A_185, %dma_wait3A_186] : memref<50560x128xf32, #tpu.memory_space<hbm>> -> memref<50560x128xf32, #tpu.memory_space<hbm>>
      tpu.wait_indirect_dma semaphore(%arg12 : memref<!tpu.dma_semaphore, #tpu.memory_space<semaphore_mem>>) src(%dma_wait3A_187 : memref<50560x128xf32, #tpu.memory_space<hbm>>) dst(%dma_wait3A_181 : memref<16x128xf32, #tpu.memory_space<vmem>>)
      %dma_wait3A_188 = arith.constant 0 : i32
      %dma_wait3A_189 = arith.constant 0 : i32
      %dma_wait3A_190 = arith.constant 48 : i32
      %dma_wait3A_191 = arith.constant 0 : i32
      %dma_wait3A_192 = tpu.memref_slice %arg8[%dma_wait3A_189, %dma_wait3A_190, %dma_wait3A_191] : memref<2x64x128xf32, #tpu.memory_space<vmem>> -> memref<1x16x128xf32, #tpu.memory_space<vmem>>
      %dma_wait3A_193 = tpu.memref_squeeze %dma_wait3A_192 : memref<1x16x128xf32, #tpu.memory_space<vmem>> -> memref<16x128xf32, #tpu.memory_space<vmem>>
      %dma_wait3A_194 = arith.constant 48 : i32
      %dma_wait3A_195 = tpu.memref_slice %arg7[%mul3A_152, %dma_wait3A_188, %dma_wait3A_194] : memref<120x2x64xi32, #tpu.memory_space<vmem>> -> memref<1x1x16xi32, #tpu.memory_space<vmem>>
      %dma_wait3A_196 = tpu.memref_squeeze %dma_wait3A_195 : memref<1x1x16xi32, #tpu.memory_space<vmem>> -> memref<16xi32, #tpu.memory_space<vmem>>
      %dma_wait3A_197 = arith.constant 0 : i32
      %dma_wait3A_198 = arith.constant 0 : i32
      %dma_wait3A_199 = tpu.memref_slice %arg2[%dma_wait3A_197, %dma_wait3A_198] : memref<50560x128xf32, #tpu.memory_space<hbm>> -> memref<50560x128xf32, #tpu.memory_space<hbm>>
      tpu.wait_indirect_dma semaphore(%arg13 : memref<!tpu.dma_semaphore, #tpu.memory_space<semaphore_mem>>) src(%dma_wait3A_199 : memref<50560x128xf32, #tpu.memory_space<hbm>>) dst(%dma_wait3A_193 : memref<16x128xf32, #tpu.memory_space<vmem>>)
      %run_scoped3A = arith.constant 0 : i32
      %run_scoped3A_200 = arith.constant 1 : i32
      "tpu.region"() ({
        %run_scoped3A_260 = tpu.sem_alloc : memref<!tpu.dma_semaphore, #tpu.memory_space<semaphore_mem>>
        %dma_start3A_261 = arith.constant 0 : i32
        %dma_start3A_262 = arith.constant 0 : i32
        %dma_start3A_263 = tpu.memref_slice %arg8[%run_scoped3A, %dma_start3A_261, %dma_start3A_262] : memref<2x64x128xf32, #tpu.memory_space<vmem>> -> memref<1x64x128xf32, #tpu.memory_space<vmem>>
        %dma_start3A_264 = tpu.memref_squeeze %dma_start3A_263 : memref<1x64x128xf32, #tpu.memory_space<vmem>> -> memref<64x128xf32, #tpu.memory_space<vmem>>
        %dma_start3A_265 = arith.constant 0 : i32
        %dma_start3A_266 = tpu.memref_slice %arg7[%mul3A_152, %run_scoped3A_200, %dma_start3A_265] : memref<120x2x64xi32, #tpu.memory_space<vmem>> -> memref<1x1x64xi32, #tpu.memory_space<vmem>>
        %dma_start3A_267 = tpu.memref_squeeze %dma_start3A_266 : memref<1x1x64xi32, #tpu.memory_space<vmem>> -> memref<64xi32, #tpu.memory_space<vmem>>
        %dma_start3A_268 = arith.constant 0 : i32
        %dma_start3A_269 = arith.constant 0 : i32
        %dma_start3A_270 = tpu.memref_slice %arg6[%dma_start3A_268, %dma_start3A_269] : memref<10112x128xf32, #tpu.memory_space<vmem_shared>> -> memref<10112x128xf32, #tpu.memory_space<vmem_shared>>
        tpu.enqueue_indirect_dma source(%dma_start3A_264 : memref<64x128xf32, #tpu.memory_space<vmem>>) target(%dma_start3A_270 : memref<10112x128xf32, #tpu.memory_space<vmem_shared>>) offsets(%dma_start3A_267 : memref<64xi32, #tpu.memory_space<vmem>>) semaphore(%run_scoped3A_260 : memref<!tpu.dma_semaphore, #tpu.memory_space<semaphore_mem>>) {add = true}
        %dma_wait3A_271 = arith.constant 0 : i32
        %dma_wait3A_272 = arith.constant 0 : i32
        %dma_wait3A_273 = tpu.memref_slice %arg8[%run_scoped3A, %dma_wait3A_271, %dma_wait3A_272] : memref<2x64x128xf32, #tpu.memory_space<vmem>> -> memref<1x64x128xf32, #tpu.memory_space<vmem>>
        %dma_wait3A_274 = tpu.memref_squeeze %dma_wait3A_273 : memref<1x64x128xf32, #tpu.memory_space<vmem>> -> memref<64x128xf32, #tpu.memory_space<vmem>>
        %dma_wait3A_275 = arith.constant 0 : i32
        %dma_wait3A_276 = tpu.memref_slice %arg7[%mul3A_152, %run_scoped3A_200, %dma_wait3A_275] : memref<120x2x64xi32, #tpu.memory_space<vmem>> -> memref<1x1x64xi32, #tpu.memory_space<vmem>>
        %dma_wait3A_277 = tpu.memref_squeeze %dma_wait3A_276 : memref<1x1x64xi32, #tpu.memory_space<vmem>> -> memref<64xi32, #tpu.memory_space<vmem>>
        %dma_wait3A_278 = arith.constant 0 : i32
        %dma_wait3A_279 = arith.constant 0 : i32
        %dma_wait3A_280 = tpu.memref_slice %arg6[%dma_wait3A_278, %dma_wait3A_279] : memref<10112x128xf32, #tpu.memory_space<vmem_shared>> -> memref<10112x128xf32, #tpu.memory_space<vmem_shared>>
        tpu.wait_indirect_dma semaphore(%run_scoped3A_260 : memref<!tpu.dma_semaphore, #tpu.memory_space<semaphore_mem>>) src(%dma_wait3A_274 : memref<64x128xf32, #tpu.memory_space<vmem>>) dst(%dma_wait3A_280 : memref<10112x128xf32, #tpu.memory_space<vmem_shared>>)
        tpu.yield
      }) : () -> ()
      %mul3A_201 = arith.constant 2 : i32
      %mul3A_202 = arith.muli %mul3A_201, %while3A_98 : i32
      %add3A_203 = arith.constant 2 : i32
      %add3A_204 = arith.addi %mul3A_202, %add3A_203 : i32
      %lt3A = arith.cmpi slt, %add3A_204, %select_n3A_8 : i32
      %convert_element_type3A = arith.extui %lt3A : i1 to i32
      %cond3A = arith.constant 0 : i32
      %cond3A_205 = arith.cmpi ne, %convert_element_type3A, %cond3A : i32
      scf.if %cond3A_205 {
        %mul3A_260 = arith.constant 2 : i32
        %mul3A_261 = arith.muli %mul3A_260, %while3A_98 : i32
        %add3A_262 = arith.constant 2 : i32
        %add3A_263 = arith.addi %mul3A_261, %add3A_262 : i32
        %dma_start3A_264 = arith.constant 0 : i32
        %dma_start3A_265 = arith.constant 0 : i32
        %dma_start3A_266 = arith.constant 0 : i32
        %dma_start3A_267 = arith.constant 0 : i32
        %dma_start3A_268 = tpu.memref_slice %arg8[%dma_start3A_265, %dma_start3A_266, %dma_start3A_267] : memref<2x64x128xf32, #tpu.memory_space<vmem>> -> memref<1x16x128xf32, #tpu.memory_space<vmem>>
        %dma_start3A_269 = tpu.memref_squeeze %dma_start3A_268 : memref<1x16x128xf32, #tpu.memory_space<vmem>> -> memref<16x128xf32, #tpu.memory_space<vmem>>
        %dma_start3A_270 = arith.constant 0 : i32
        %dma_start3A_271 = tpu.memref_slice %arg7[%add3A_263, %dma_start3A_264, %dma_start3A_270] : memref<120x2x64xi32, #tpu.memory_space<vmem>> -> memref<1x1x16xi32, #tpu.memory_space<vmem>>
        %dma_start3A_272 = tpu.memref_squeeze %dma_start3A_271 : memref<1x1x16xi32, #tpu.memory_space<vmem>> -> memref<16xi32, #tpu.memory_space<vmem>>
        %dma_start3A_273 = arith.constant 0 : i32
        %dma_start3A_274 = arith.constant 0 : i32
        %dma_start3A_275 = tpu.memref_slice %arg2[%dma_start3A_273, %dma_start3A_274] : memref<50560x128xf32, #tpu.memory_space<hbm>> -> memref<50560x128xf32, #tpu.memory_space<hbm>>
        tpu.enqueue_indirect_dma source(%dma_start3A_275 : memref<50560x128xf32, #tpu.memory_space<hbm>>) target(%dma_start3A_269 : memref<16x128xf32, #tpu.memory_space<vmem>>) offsets(%dma_start3A_272 : memref<16xi32, #tpu.memory_space<vmem>>) semaphore(%arg10 : memref<!tpu.dma_semaphore, #tpu.memory_space<semaphore_mem>>)
        %dma_start3A_276 = arith.constant 0 : i32
        %dma_start3A_277 = arith.constant 0 : i32
        %dma_start3A_278 = arith.constant 16 : i32
        %dma_start3A_279 = arith.constant 0 : i32
        %dma_start3A_280 = tpu.memref_slice %arg8[%dma_start3A_277, %dma_start3A_278, %dma_start3A_279] : memref<2x64x128xf32, #tpu.memory_space<vmem>> -> memref<1x16x128xf32, #tpu.memory_space<vmem>>
        %dma_start3A_281 = tpu.memref_squeeze %dma_start3A_280 : memref<1x16x128xf32, #tpu.memory_space<vmem>> -> memref<16x128xf32, #tpu.memory_space<vmem>>
        %dma_start3A_282 = arith.constant 16 : i32
        %dma_start3A_283 = tpu.memref_slice %arg7[%add3A_263, %dma_start3A_276, %dma_start3A_282] : memref<120x2x64xi32, #tpu.memory_space<vmem>> -> memref<1x1x16xi32, #tpu.memory_space<vmem>>
        %dma_start3A_284 = tpu.memref_squeeze %dma_start3A_283 : memref<1x1x16xi32, #tpu.memory_space<vmem>> -> memref<16xi32, #tpu.memory_space<vmem>>
        %dma_start3A_285 = arith.constant 0 : i32
        %dma_start3A_286 = arith.constant 0 : i32
        %dma_start3A_287 = tpu.memref_slice %arg2[%dma_start3A_285, %dma_start3A_286] : memref<50560x128xf32, #tpu.memory_space<hbm>> -> memref<50560x128xf32, #tpu.memory_space<hbm>>
        tpu.enqueue_indirect_dma source(%dma_start3A_287 : memref<50560x128xf32, #tpu.memory_space<hbm>>) target(%dma_start3A_281 : memref<16x128xf32, #tpu.memory_space<vmem>>) offsets(%dma_start3A_284 : memref<16xi32, #tpu.memory_space<vmem>>) semaphore(%arg11 : memref<!tpu.dma_semaphore, #tpu.memory_space<semaphore_mem>>)
        %dma_start3A_288 = arith.constant 0 : i32
        %dma_start3A_289 = arith.constant 0 : i32
        %dma_start3A_290 = arith.constant 32 : i32
        %dma_start3A_291 = arith.constant 0 : i32
        %dma_start3A_292 = tpu.memref_slice %arg8[%dma_start3A_289, %dma_start3A_290, %dma_start3A_291] : memref<2x64x128xf32, #tpu.memory_space<vmem>> -> memref<1x16x128xf32, #tpu.memory_space<vmem>>
        %dma_start3A_293 = tpu.memref_squeeze %dma_start3A_292 : memref<1x16x128xf32, #tpu.memory_space<vmem>> -> memref<16x128xf32, #tpu.memory_space<vmem>>
        %dma_start3A_294 = arith.constant 32 : i32
        %dma_start3A_295 = tpu.memref_slice %arg7[%add3A_263, %dma_start3A_288, %dma_start3A_294] : memref<120x2x64xi32, #tpu.memory_space<vmem>> -> memref<1x1x16xi32, #tpu.memory_space<vmem>>
        %dma_start3A_296 = tpu.memref_squeeze %dma_start3A_295 : memref<1x1x16xi32, #tpu.memory_space<vmem>> -> memref<16xi32, #tpu.memory_space<vmem>>
        %dma_start3A_297 = arith.constant 0 : i32
        %dma_start3A_298 = arith.constant 0 : i32
        %dma_start3A_299 = tpu.memref_slice %arg2[%dma_start3A_297, %dma_start3A_298] : memref<50560x128xf32, #tpu.memory_space<hbm>> -> memref<50560x128xf32, #tpu.memory_space<hbm>>
        tpu.enqueue_indirect_dma source(%dma_start3A_299 : memref<50560x128xf32, #tpu.memory_space<hbm>>) target(%dma_start3A_293 : memref<16x128xf32, #tpu.memory_space<vmem>>) offsets(%dma_start3A_296 : memref<16xi32, #tpu.memory_space<vmem>>) semaphore(%arg12 : memref<!tpu.dma_semaphore, #tpu.memory_space<semaphore_mem>>)
        %dma_start3A_300 = arith.constant 0 : i32
        %dma_start3A_301 = arith.constant 0 : i32
        %dma_start3A_302 = arith.constant 48 : i32
        %dma_start3A_303 = arith.constant 0 : i32
        %dma_start3A_304 = tpu.memref_slice %arg8[%dma_start3A_301, %dma_start3A_302, %dma_start3A_303] : memref<2x64x128xf32, #tpu.memory_space<vmem>> -> memref<1x16x128xf32, #tpu.memory_space<vmem>>
        %dma_start3A_305 = tpu.memref_squeeze %dma_start3A_304 : memref<1x16x128xf32, #tpu.memory_space<vmem>> -> memref<16x128xf32, #tpu.memory_space<vmem>>
        %dma_start3A_306 = arith.constant 48 : i32
        %dma_start3A_307 = tpu.memref_slice %arg7[%add3A_263, %dma_start3A_300, %dma_start3A_306] : memref<120x2x64xi32, #tpu.memory_space<vmem>> -> memref<1x1x16xi32, #tpu.memory_space<vmem>>
        %dma_start3A_308 = tpu.memref_squeeze %dma_start3A_307 : memref<1x1x16xi32, #tpu.memory_space<vmem>> -> memref<16xi32, #tpu.memory_space<vmem>>
        %dma_start3A_309 = arith.constant 0 : i32
        %dma_start3A_310 = arith.constant 0 : i32
        %dma_start3A_311 = tpu.memref_slice %arg2[%dma_start3A_309, %dma_start3A_310] : memref<50560x128xf32, #tpu.memory_space<hbm>> -> memref<50560x128xf32, #tpu.memory_space<hbm>>
        tpu.enqueue_indirect_dma source(%dma_start3A_311 : memref<50560x128xf32, #tpu.memory_space<hbm>>) target(%dma_start3A_305 : memref<16x128xf32, #tpu.memory_space<vmem>>) offsets(%dma_start3A_308 : memref<16xi32, #tpu.memory_space<vmem>>) semaphore(%arg13 : memref<!tpu.dma_semaphore, #tpu.memory_space<semaphore_mem>>)
      } else {
      }
      %mul3A_206 = arith.constant 2 : i32
      %mul3A_207 = arith.muli %mul3A_206, %while3A_98 : i32
      %add3A_208 = arith.constant 1 : i32
      %add3A_209 = arith.addi %mul3A_207, %add3A_208 : i32
      %dma_wait3A_210 = arith.constant 0 : i32
      %dma_wait3A_211 = arith.constant 1 : i32
      %dma_wait3A_212 = arith.constant 0 : i32
      %dma_wait3A_213 = arith.constant 0 : i32
      %dma_wait3A_214 = tpu.memref_slice %arg8[%dma_wait3A_211, %dma_wait3A_212, %dma_wait3A_213] : memref<2x64x128xf32, #tpu.memory_space<vmem>> -> memref<1x16x128xf32, #tpu.memory_space<vmem>>
      %dma_wait3A_215 = tpu.memref_squeeze %dma_wait3A_214 : memref<1x16x128xf32, #tpu.memory_space<vmem>> -> memref<16x128xf32, #tpu.memory_space<vmem>>
      %dma_wait3A_216 = arith.constant 0 : i32
      %dma_wait3A_217 = tpu.memref_slice %arg7[%add3A_209, %dma_wait3A_210, %dma_wait3A_216] : memref<120x2x64xi32, #tpu.memory_space<vmem>> -> memref<1x1x16xi32, #tpu.memory_space<vmem>>
      %dma_wait3A_218 = tpu.memref_squeeze %dma_wait3A_217 : memref<1x1x16xi32, #tpu.memory_space<vmem>> -> memref<16xi32, #tpu.memory_space<vmem>>
      %dma_wait3A_219 = arith.constant 0 : i32
      %dma_wait3A_220 = arith.constant 0 : i32
      %dma_wait3A_221 = tpu.memref_slice %arg2[%dma_wait3A_219, %dma_wait3A_220] : memref<50560x128xf32, #tpu.memory_space<hbm>> -> memref<50560x128xf32, #tpu.memory_space<hbm>>
      tpu.wait_indirect_dma semaphore(%arg14 : memref<!tpu.dma_semaphore, #tpu.memory_space<semaphore_mem>>) src(%dma_wait3A_221 : memref<50560x128xf32, #tpu.memory_space<hbm>>) dst(%dma_wait3A_215 : memref<16x128xf32, #tpu.memory_space<vmem>>)
      %dma_wait3A_222 = arith.constant 0 : i32
      %dma_wait3A_223 = arith.constant 1 : i32
      %dma_wait3A_224 = arith.constant 16 : i32
      %dma_wait3A_225 = arith.constant 0 : i32
      %dma_wait3A_226 = tpu.memref_slice %arg8[%dma_wait3A_223, %dma_wait3A_224, %dma_wait3A_225] : memref<2x64x128xf32, #tpu.memory_space<vmem>> -> memref<1x16x128xf32, #tpu.memory_space<vmem>>
      %dma_wait3A_227 = tpu.memref_squeeze %dma_wait3A_226 : memref<1x16x128xf32, #tpu.memory_space<vmem>> -> memref<16x128xf32, #tpu.memory_space<vmem>>
      %dma_wait3A_228 = arith.constant 16 : i32
      %dma_wait3A_229 = tpu.memref_slice %arg7[%add3A_209, %dma_wait3A_222, %dma_wait3A_228] : memref<120x2x64xi32, #tpu.memory_space<vmem>> -> memref<1x1x16xi32, #tpu.memory_space<vmem>>
      %dma_wait3A_230 = tpu.memref_squeeze %dma_wait3A_229 : memref<1x1x16xi32, #tpu.memory_space<vmem>> -> memref<16xi32, #tpu.memory_space<vmem>>
      %dma_wait3A_231 = arith.constant 0 : i32
      %dma_wait3A_232 = arith.constant 0 : i32
      %dma_wait3A_233 = tpu.memref_slice %arg2[%dma_wait3A_231, %dma_wait3A_232] : memref<50560x128xf32, #tpu.memory_space<hbm>> -> memref<50560x128xf32, #tpu.memory_space<hbm>>
      tpu.wait_indirect_dma semaphore(%arg15 : memref<!tpu.dma_semaphore, #tpu.memory_space<semaphore_mem>>) src(%dma_wait3A_233 : memref<50560x128xf32, #tpu.memory_space<hbm>>) dst(%dma_wait3A_227 : memref<16x128xf32, #tpu.memory_space<vmem>>)
      %dma_wait3A_234 = arith.constant 0 : i32
      %dma_wait3A_235 = arith.constant 1 : i32
      %dma_wait3A_236 = arith.constant 32 : i32
      %dma_wait3A_237 = arith.constant 0 : i32
      %dma_wait3A_238 = tpu.memref_slice %arg8[%dma_wait3A_235, %dma_wait3A_236, %dma_wait3A_237] : memref<2x64x128xf32, #tpu.memory_space<vmem>> -> memref<1x16x128xf32, #tpu.memory_space<vmem>>
      %dma_wait3A_239 = tpu.memref_squeeze %dma_wait3A_238 : memref<1x16x128xf32, #tpu.memory_space<vmem>> -> memref<16x128xf32, #tpu.memory_space<vmem>>
      %dma_wait3A_240 = arith.constant 32 : i32
      %dma_wait3A_241 = tpu.memref_slice %arg7[%add3A_209, %dma_wait3A_234, %dma_wait3A_240] : memref<120x2x64xi32, #tpu.memory_space<vmem>> -> memref<1x1x16xi32, #tpu.memory_space<vmem>>
      %dma_wait3A_242 = tpu.memref_squeeze %dma_wait3A_241 : memref<1x1x16xi32, #tpu.memory_space<vmem>> -> memref<16xi32, #tpu.memory_space<vmem>>
      %dma_wait3A_243 = arith.constant 0 : i32
      %dma_wait3A_244 = arith.constant 0 : i32
      %dma_wait3A_245 = tpu.memref_slice %arg2[%dma_wait3A_243, %dma_wait3A_244] : memref<50560x128xf32, #tpu.memory_space<hbm>> -> memref<50560x128xf32, #tpu.memory_space<hbm>>
      tpu.wait_indirect_dma semaphore(%arg16 : memref<!tpu.dma_semaphore, #tpu.memory_space<semaphore_mem>>) src(%dma_wait3A_245 : memref<50560x128xf32, #tpu.memory_space<hbm>>) dst(%dma_wait3A_239 : memref<16x128xf32, #tpu.memory_space<vmem>>)
      %dma_wait3A_246 = arith.constant 0 : i32
      %dma_wait3A_247 = arith.constant 1 : i32
      %dma_wait3A_248 = arith.constant 48 : i32
      %dma_wait3A_249 = arith.constant 0 : i32
      %dma_wait3A_250 = tpu.memref_slice %arg8[%dma_wait3A_247, %dma_wait3A_248, %dma_wait3A_249] : memref<2x64x128xf32, #tpu.memory_space<vmem>> -> memref<1x16x128xf32, #tpu.memory_space<vmem>>
      %dma_wait3A_251 = tpu.memref_squeeze %dma_wait3A_250 : memref<1x16x128xf32, #tpu.memory_space<vmem>> -> memref<16x128xf32, #tpu.memory_space<vmem>>
      %dma_wait3A_252 = arith.constant 48 : i32
      %dma_wait3A_253 = tpu.memref_slice %arg7[%add3A_209, %dma_wait3A_246, %dma_wait3A_252] : memref<120x2x64xi32, #tpu.memory_space<vmem>> -> memref<1x1x16xi32, #tpu.memory_space<vmem>>
      %dma_wait3A_254 = tpu.memref_squeeze %dma_wait3A_253 : memref<1x1x16xi32, #tpu.memory_space<vmem>> -> memref<16xi32, #tpu.memory_space<vmem>>
      %dma_wait3A_255 = arith.constant 0 : i32
      %dma_wait3A_256 = arith.constant 0 : i32
      %dma_wait3A_257 = tpu.memref_slice %arg2[%dma_wait3A_255, %dma_wait3A_256] : memref<50560x128xf32, #tpu.memory_space<hbm>> -> memref<50560x128xf32, #tpu.memory_space<hbm>>
      tpu.wait_indirect_dma semaphore(%arg17 : memref<!tpu.dma_semaphore, #tpu.memory_space<semaphore_mem>>) src(%dma_wait3A_257 : memref<50560x128xf32, #tpu.memory_space<hbm>>) dst(%dma_wait3A_251 : memref<16x128xf32, #tpu.memory_space<vmem>>)
      %run_scoped3A_258 = arith.constant 1 : i32
      %run_scoped3A_259 = arith.constant 1 : i32
      "tpu.region"() ({
        %run_scoped3A_260 = tpu.sem_alloc : memref<!tpu.dma_semaphore, #tpu.memory_space<semaphore_mem>>
        %dma_start3A_261 = arith.constant 0 : i32
        %dma_start3A_262 = arith.constant 0 : i32
        %dma_start3A_263 = tpu.memref_slice %arg8[%run_scoped3A_258, %dma_start3A_261, %dma_start3A_262] : memref<2x64x128xf32, #tpu.memory_space<vmem>> -> memref<1x64x128xf32, #tpu.memory_space<vmem>>
        %dma_start3A_264 = tpu.memref_squeeze %dma_start3A_263 : memref<1x64x128xf32, #tpu.memory_space<vmem>> -> memref<64x128xf32, #tpu.memory_space<vmem>>
        %dma_start3A_265 = arith.constant 0 : i32
        %dma_start3A_266 = tpu.memref_slice %arg7[%add3A_209, %run_scoped3A_259, %dma_start3A_265] : memref<120x2x64xi32, #tpu.memory_space<vmem>> -> memref<1x1x64xi32, #tpu.memory_space<vmem>>
        %dma_start3A_267 = tpu.memref_squeeze %dma_start3A_266 : memref<1x1x64xi32, #tpu.memory_space<vmem>> -> memref<64xi32, #tpu.memory_space<vmem>>
        %dma_start3A_268 = arith.constant 0 : i32
        %dma_start3A_269 = arith.constant 0 : i32
        %dma_start3A_270 = tpu.memref_slice %arg6[%dma_start3A_268, %dma_start3A_269] : memref<10112x128xf32, #tpu.memory_space<vmem_shared>> -> memref<10112x128xf32, #tpu.memory_space<vmem_shared>>
        tpu.enqueue_indirect_dma source(%dma_start3A_264 : memref<64x128xf32, #tpu.memory_space<vmem>>) target(%dma_start3A_270 : memref<10112x128xf32, #tpu.memory_space<vmem_shared>>) offsets(%dma_start3A_267 : memref<64xi32, #tpu.memory_space<vmem>>) semaphore(%run_scoped3A_260 : memref<!tpu.dma_semaphore, #tpu.memory_space<semaphore_mem>>) {add = true}
        %dma_wait3A_271 = arith.constant 0 : i32
        %dma_wait3A_272 = arith.constant 0 : i32
        %dma_wait3A_273 = tpu.memref_slice %arg8[%run_scoped3A_258, %dma_wait3A_271, %dma_wait3A_272] : memref<2x64x128xf32, #tpu.memory_space<vmem>> -> memref<1x64x128xf32, #tpu.memory_space<vmem>>
        %dma_wait3A_274 = tpu.memref_squeeze %dma_wait3A_273 : memref<1x64x128xf32, #tpu.memory_space<vmem>> -> memref<64x128xf32, #tpu.memory_space<vmem>>
        %dma_wait3A_275 = arith.constant 0 : i32
        %dma_wait3A_276 = tpu.memref_slice %arg7[%add3A_209, %run_scoped3A_259, %dma_wait3A_275] : memref<120x2x64xi32, #tpu.memory_space<vmem>> -> memref<1x1x64xi32, #tpu.memory_space<vmem>>
        %dma_wait3A_277 = tpu.memref_squeeze %dma_wait3A_276 : memref<1x1x64xi32, #tpu.memory_space<vmem>> -> memref<64xi32, #tpu.memory_space<vmem>>
        %dma_wait3A_278 = arith.constant 0 : i32
        %dma_wait3A_279 = arith.constant 0 : i32
        %dma_wait3A_280 = tpu.memref_slice %arg6[%dma_wait3A_278, %dma_wait3A_279] : memref<10112x128xf32, #tpu.memory_space<vmem_shared>> -> memref<10112x128xf32, #tpu.memory_space<vmem_shared>>
        tpu.wait_indirect_dma semaphore(%run_scoped3A_260 : memref<!tpu.dma_semaphore, #tpu.memory_space<semaphore_mem>>) src(%dma_wait3A_274 : memref<64x128xf32, #tpu.memory_space<vmem>>) dst(%dma_wait3A_280 : memref<10112x128xf32, #tpu.memory_space<vmem_shared>>)
        tpu.yield
      }) : () -> ()
    }
    %while3A_93 = arith.constant 1 : i32
    scf.for %while3A_98 = %while3A_91 to %while3A_87 step %while3A_93  : i32 {
      %mul3A_99 = arith.constant 2 : i32
      %mul3A_100 = arith.muli %mul3A_99, %while3A_98 : i32
      %add3A_101 = arith.constant 1 : i32
      %add3A_102 = arith.addi %mul3A_100, %add3A_101 : i32
      %dma_start3A_103 = arith.constant 0 : i32
      %dma_start3A_104 = arith.constant 1 : i32
      %dma_start3A_105 = arith.constant 0 : i32
      %dma_start3A_106 = arith.constant 0 : i32
      %dma_start3A_107 = tpu.memref_slice %arg8[%dma_start3A_104, %dma_start3A_105, %dma_start3A_106] : memref<2x64x128xf32, #tpu.memory_space<vmem>> -> memref<1x16x128xf32, #tpu.memory_space<vmem>>
      %dma_start3A_108 = tpu.memref_squeeze %dma_start3A_107 : memref<1x16x128xf32, #tpu.memory_space<vmem>> -> memref<16x128xf32, #tpu.memory_space<vmem>>
      %dma_start3A_109 = arith.constant 0 : i32
      %dma_start3A_110 = tpu.memref_slice %arg7[%add3A_102, %dma_start3A_103, %dma_start3A_109] : memref<120x2x64xi32, #tpu.memory_space<vmem>> -> memref<1x1x16xi32, #tpu.memory_space<vmem>>
      %dma_start3A_111 = tpu.memref_squeeze %dma_start3A_110 : memref<1x1x16xi32, #tpu.memory_space<vmem>> -> memref<16xi32, #tpu.memory_space<vmem>>
      %dma_start3A_112 = arith.constant 0 : i32
      %dma_start3A_113 = arith.constant 0 : i32
      %dma_start3A_114 = tpu.memref_slice %arg2[%dma_start3A_112, %dma_start3A_113] : memref<50560x128xf32, #tpu.memory_space<hbm>> -> memref<50560x128xf32, #tpu.memory_space<hbm>>
      tpu.enqueue_indirect_dma source(%dma_start3A_114 : memref<50560x128xf32, #tpu.memory_space<hbm>>) target(%dma_start3A_108 : memref<16x128xf32, #tpu.memory_space<vmem>>) offsets(%dma_start3A_111 : memref<16xi32, #tpu.memory_space<vmem>>) semaphore(%arg14 : memref<!tpu.dma_semaphore, #tpu.memory_space<semaphore_mem>>)
      %dma_start3A_115 = arith.constant 0 : i32
      %dma_start3A_116 = arith.constant 1 : i32
      %dma_start3A_117 = arith.constant 16 : i32
      %dma_start3A_118 = arith.constant 0 : i32
      %dma_start3A_119 = tpu.memref_slice %arg8[%dma_start3A_116, %dma_start3A_117, %dma_start3A_118] : memref<2x64x128xf32, #tpu.memory_space<vmem>> -> memref<1x16x128xf32, #tpu.memory_space<vmem>>
      %dma_start3A_120 = tpu.memref_squeeze %dma_start3A_119 : memref<1x16x128xf32, #tpu.memory_space<vmem>> -> memref<16x128xf32, #tpu.memory_space<vmem>>
      %dma_start3A_121 = arith.constant 16 : i32
      %dma_start3A_122 = tpu.memref_slice %arg7[%add3A_102, %dma_start3A_115, %dma_start3A_121] : memref<120x2x64xi32, #tpu.memory_space<vmem>> -> memref<1x1x16xi32, #tpu.memory_space<vmem>>
      %dma_start3A_123 = tpu.memref_squeeze %dma_start3A_122 : memref<1x1x16xi32, #tpu.memory_space<vmem>> -> memref<16xi32, #tpu.memory_space<vmem>>
      %dma_start3A_124 = arith.constant 0 : i32
      %dma_start3A_125 = arith.constant 0 : i32
      %dma_start3A_126 = tpu.memref_slice %arg2[%dma_start3A_124, %dma_start3A_125] : memref<50560x128xf32, #tpu.memory_space<hbm>> -> memref<50560x128xf32, #tpu.memory_space<hbm>>
      tpu.enqueue_indirect_dma source(%dma_start3A_126 : memref<50560x128xf32, #tpu.memory_space<hbm>>) target(%dma_start3A_120 : memref<16x128xf32, #tpu.memory_space<vmem>>) offsets(%dma_start3A_123 : memref<16xi32, #tpu.memory_space<vmem>>) semaphore(%arg15 : memref<!tpu.dma_semaphore, #tpu.memory_space<semaphore_mem>>)
      %dma_start3A_127 = arith.constant 0 : i32
      %dma_start3A_128 = arith.constant 1 : i32
      %dma_start3A_129 = arith.constant 32 : i32
      %dma_start3A_130 = arith.constant 0 : i32
      %dma_start3A_131 = tpu.memref_slice %arg8[%dma_start3A_128, %dma_start3A_129, %dma_start3A_130] : memref<2x64x128xf32, #tpu.memory_space<vmem>> -> memref<1x16x128xf32, #tpu.memory_space<vmem>>
      %dma_start3A_132 = tpu.memref_squeeze %dma_start3A_131 : memref<1x16x128xf32, #tpu.memory_space<vmem>> -> memref<16x128xf32, #tpu.memory_space<vmem>>
      %dma_start3A_133 = arith.constant 32 : i32
      %dma_start3A_134 = tpu.memref_slice %arg7[%add3A_102, %dma_start3A_127, %dma_start3A_133] : memref<120x2x64xi32, #tpu.memory_space<vmem>> -> memref<1x1x16xi32, #tpu.memory_space<vmem>>
      %dma_start3A_135 = tpu.memref_squeeze %dma_start3A_134 : memref<1x1x16xi32, #tpu.memory_space<vmem>> -> memref<16xi32, #tpu.memory_space<vmem>>
      %dma_start3A_136 = arith.constant 0 : i32
      %dma_start3A_137 = arith.constant 0 : i32
      %dma_start3A_138 = tpu.memref_slice %arg2[%dma_start3A_136, %dma_start3A_137] : memref<50560x128xf32, #tpu.memory_space<hbm>> -> memref<50560x128xf32, #tpu.memory_space<hbm>>
      tpu.enqueue_indirect_dma source(%dma_start3A_138 : memref<50560x128xf32, #tpu.memory_space<hbm>>) target(%dma_start3A_132 : memref<16x128xf32, #tpu.memory_space<vmem>>) offsets(%dma_start3A_135 : memref<16xi32, #tpu.memory_space<vmem>>) semaphore(%arg16 : memref<!tpu.dma_semaphore, #tpu.memory_space<semaphore_mem>>)
      %dma_start3A_139 = arith.constant 0 : i32
      %dma_start3A_140 = arith.constant 1 : i32
      %dma_start3A_141 = arith.constant 48 : i32
      %dma_start3A_142 = arith.constant 0 : i32
      %dma_start3A_143 = tpu.memref_slice %arg8[%dma_start3A_140, %dma_start3A_141, %dma_start3A_142] : memref<2x64x128xf32, #tpu.memory_space<vmem>> -> memref<1x16x128xf32, #tpu.memory_space<vmem>>
      %dma_start3A_144 = tpu.memref_squeeze %dma_start3A_143 : memref<1x16x128xf32, #tpu.memory_space<vmem>> -> memref<16x128xf32, #tpu.memory_space<vmem>>
      %dma_start3A_145 = arith.constant 48 : i32
      %dma_start3A_146 = tpu.memref_slice %arg7[%add3A_102, %dma_start3A_139, %dma_start3A_145] : memref<120x2x64xi32, #tpu.memory_space<vmem>> -> memref<1x1x16xi32, #tpu.memory_space<vmem>>
      %dma_start3A_147 = tpu.memref_squeeze %dma_start3A_146 : memref<1x1x16xi32, #tpu.memory_space<vmem>> -> memref<16xi32, #tpu.memory_space<vmem>>
      %dma_start3A_148 = arith.constant 0 : i32
      %dma_start3A_149 = arith.constant 0 : i32
      %dma_start3A_150 = tpu.memref_slice %arg2[%dma_start3A_148, %dma_start3A_149] : memref<50560x128xf32, #tpu.memory_space<hbm>> -> memref<50560x128xf32, #tpu.memory_space<hbm>>
      tpu.enqueue_indirect_dma source(%dma_start3A_150 : memref<50560x128xf32, #tpu.memory_space<hbm>>) target(%dma_start3A_144 : memref<16x128xf32, #tpu.memory_space<vmem>>) offsets(%dma_start3A_147 : memref<16xi32, #tpu.memory_space<vmem>>) semaphore(%arg17 : memref<!tpu.dma_semaphore, #tpu.memory_space<semaphore_mem>>)
      %mul3A_151 = arith.constant 2 : i32
      %mul3A_152 = arith.muli %mul3A_151, %while3A_98 : i32
      %dma_wait3A = arith.constant 0 : i32
      %dma_wait3A_153 = arith.constant 0 : i32
      %dma_wait3A_154 = arith.constant 0 : i32
      %dma_wait3A_155 = arith.constant 0 : i32
      %dma_wait3A_156 = tpu.memref_slice %arg8[%dma_wait3A_153, %dma_wait3A_154, %dma_wait3A_155] : memref<2x64x128xf32, #tpu.memory_space<vmem>> -> memref<1x16x128xf32, #tpu.memory_space<vmem>>
      %dma_wait3A_157 = tpu.memref_squeeze %dma_wait3A_156 : memref<1x16x128xf32, #tpu.memory_space<vmem>> -> memref<16x128xf32, #tpu.memory_space<vmem>>
      %dma_wait3A_158 = arith.constant 0 : i32
      %dma_wait3A_159 = tpu.memref_slice %arg7[%mul3A_152, %dma_wait3A, %dma_wait3A_158] : memref<120x2x64xi32, #tpu.memory_space<vmem>> -> memref<1x1x16xi32, #tpu.memory_space<vmem>>
      %dma_wait3A_160 = tpu.memref_squeeze %dma_wait3A_159 : memref<1x1x16xi32, #tpu.memory_space<vmem>> -> memref<16xi32, #tpu.memory_space<vmem>>
      %dma_wait3A_161 = arith.constant 0 : i32
      %dma_wait3A_162 = arith.constant 0 : i32
      %dma_wait3A_163 = tpu.memref_slice %arg2[%dma_wait3A_161, %dma_wait3A_162] : memref<50560x128xf32, #tpu.memory_space<hbm>> -> memref<50560x128xf32, #tpu.memory_space<hbm>>
      tpu.wait_indirect_dma semaphore(%arg10 : memref<!tpu.dma_semaphore, #tpu.memory_space<semaphore_mem>>) src(%dma_wait3A_163 : memref<50560x128xf32, #tpu.memory_space<hbm>>) dst(%dma_wait3A_157 : memref<16x128xf32, #tpu.memory_space<vmem>>)
      %dma_wait3A_164 = arith.constant 0 : i32
      %dma_wait3A_165 = arith.constant 0 : i32
      %dma_wait3A_166 = arith.constant 16 : i32
      %dma_wait3A_167 = arith.constant 0 : i32
      %dma_wait3A_168 = tpu.memref_slice %arg8[%dma_wait3A_165, %dma_wait3A_166, %dma_wait3A_167] : memref<2x64x128xf32, #tpu.memory_space<vmem>> -> memref<1x16x128xf32, #tpu.memory_space<vmem>>
      %dma_wait3A_169 = tpu.memref_squeeze %dma_wait3A_168 : memref<1x16x128xf32, #tpu.memory_space<vmem>> -> memref<16x128xf32, #tpu.memory_space<vmem>>
      %dma_wait3A_170 = arith.constant 16 : i32
      %dma_wait3A_171 = tpu.memref_slice %arg7[%mul3A_152, %dma_wait3A_164, %dma_wait3A_170] : memref<120x2x64xi32, #tpu.memory_space<vmem>> -> memref<1x1x16xi32, #tpu.memory_space<vmem>>
      %dma_wait3A_172 = tpu.memref_squeeze %dma_wait3A_171 : memref<1x1x16xi32, #tpu.memory_space<vmem>> -> memref<16xi32, #tpu.memory_space<vmem>>
      %dma_wait3A_173 = arith.constant 0 : i32
      %dma_wait3A_174 = arith.constant 0 : i32
      %dma_wait3A_175 = tpu.memref_slice %arg2[%dma_wait3A_173, %dma_wait3A_174] : memref<50560x128xf32, #tpu.memory_space<hbm>> -> memref<50560x128xf32, #tpu.memory_space<hbm>>
      tpu.wait_indirect_dma semaphore(%arg11 : memref<!tpu.dma_semaphore, #tpu.memory_space<semaphore_mem>>) src(%dma_wait3A_175 : memref<50560x128xf32, #tpu.memory_space<hbm>>) dst(%dma_wait3A_169 : memref<16x128xf32, #tpu.memory_space<vmem>>)
      %dma_wait3A_176 = arith.constant 0 : i32
      %dma_wait3A_177 = arith.constant 0 : i32
      %dma_wait3A_178 = arith.constant 32 : i32
      %dma_wait3A_179 = arith.constant 0 : i32
      %dma_wait3A_180 = tpu.memref_slice %arg8[%dma_wait3A_177, %dma_wait3A_178, %dma_wait3A_179] : memref<2x64x128xf32, #tpu.memory_space<vmem>> -> memref<1x16x128xf32, #tpu.memory_space<vmem>>
      %dma_wait3A_181 = tpu.memref_squeeze %dma_wait3A_180 : memref<1x16x128xf32, #tpu.memory_space<vmem>> -> memref<16x128xf32, #tpu.memory_space<vmem>>
      %dma_wait3A_182 = arith.constant 32 : i32
      %dma_wait3A_183 = tpu.memref_slice %arg7[%mul3A_152, %dma_wait3A_176, %dma_wait3A_182] : memref<120x2x64xi32, #tpu.memory_space<vmem>> -> memref<1x1x16xi32, #tpu.memory_space<vmem>>
      %dma_wait3A_184 = tpu.memref_squeeze %dma_wait3A_183 : memref<1x1x16xi32, #tpu.memory_space<vmem>> -> memref<16xi32, #tpu.memory_space<vmem>>
      %dma_wait3A_185 = arith.constant 0 : i32
      %dma_wait3A_186 = arith.constant 0 : i32
      %dma_wait3A_187 = tpu.memref_slice %arg2[%dma_wait3A_185, %dma_wait3A_186] : memref<50560x128xf32, #tpu.memory_space<hbm>> -> memref<50560x128xf32, #tpu.memory_space<hbm>>
      tpu.wait_indirect_dma semaphore(%arg12 : memref<!tpu.dma_semaphore, #tpu.memory_space<semaphore_mem>>) src(%dma_wait3A_187 : memref<50560x128xf32, #tpu.memory_space<hbm>>) dst(%dma_wait3A_181 : memref<16x128xf32, #tpu.memory_space<vmem>>)
      %dma_wait3A_188 = arith.constant 0 : i32
      %dma_wait3A_189 = arith.constant 0 : i32
      %dma_wait3A_190 = arith.constant 48 : i32
      %dma_wait3A_191 = arith.constant 0 : i32
      %dma_wait3A_192 = tpu.memref_slice %arg8[%dma_wait3A_189, %dma_wait3A_190, %dma_wait3A_191] : memref<2x64x128xf32, #tpu.memory_space<vmem>> -> memref<1x16x128xf32, #tpu.memory_space<vmem>>
      %dma_wait3A_193 = tpu.memref_squeeze %dma_wait3A_192 : memref<1x16x128xf32, #tpu.memory_space<vmem>> -> memref<16x128xf32, #tpu.memory_space<vmem>>
      %dma_wait3A_194 = arith.constant 48 : i32
      %dma_wait3A_195 = tpu.memref_slice %arg7[%mul3A_152, %dma_wait3A_188, %dma_wait3A_194] : memref<120x2x64xi32, #tpu.memory_space<vmem>> -> memref<1x1x16xi32, #tpu.memory_space<vmem>>
      %dma_wait3A_196 = tpu.memref_squeeze %dma_wait3A_195 : memref<1x1x16xi32, #tpu.memory_space<vmem>> -> memref<16xi32, #tpu.memory_space<vmem>>
      %dma_wait3A_197 = arith.constant 0 : i32
      %dma_wait3A_198 = arith.constant 0 : i32
      %dma_wait3A_199 = tpu.memref_slice %arg2[%dma_wait3A_197, %dma_wait3A_198] : memref<50560x128xf32, #tpu.memory_space<hbm>> -> memref<50560x128xf32, #tpu.memory_space<hbm>>
      tpu.wait_indirect_dma semaphore(%arg13 : memref<!tpu.dma_semaphore, #tpu.memory_space<semaphore_mem>>) src(%dma_wait3A_199 : memref<50560x128xf32, #tpu.memory_space<hbm>>) dst(%dma_wait3A_193 : memref<16x128xf32, #tpu.memory_space<vmem>>)
      %run_scoped3A = arith.constant 0 : i32
      %run_scoped3A_200 = arith.constant 1 : i32
      "tpu.region"() ({
        %run_scoped3A_260 = tpu.sem_alloc : memref<!tpu.dma_semaphore, #tpu.memory_space<semaphore_mem>>
        %dma_start3A_261 = arith.constant 0 : i32
        %dma_start3A_262 = arith.constant 0 : i32
        %dma_start3A_263 = tpu.memref_slice %arg8[%run_scoped3A, %dma_start3A_261, %dma_start3A_262] : memref<2x64x128xf32, #tpu.memory_space<vmem>> -> memref<1x64x128xf32, #tpu.memory_space<vmem>>
        %dma_start3A_264 = tpu.memref_squeeze %dma_start3A_263 : memref<1x64x128xf32, #tpu.memory_space<vmem>> -> memref<64x128xf32, #tpu.memory_space<vmem>>
        %dma_start3A_265 = arith.constant 0 : i32
        %dma_start3A_266 = tpu.memref_slice %arg7[%mul3A_152, %run_scoped3A_200, %dma_start3A_265] : memref<120x2x64xi32, #tpu.memory_space<vmem>> -> memref<1x1x64xi32, #tpu.memory_space<vmem>>
        %dma_start3A_267 = tpu.memref_squeeze %dma_start3A_266 : memref<1x1x64xi32, #tpu.memory_space<vmem>> -> memref<64xi32, #tpu.memory_space<vmem>>
        %dma_start3A_268 = arith.constant 0 : i32
        %dma_start3A_269 = arith.constant 0 : i32
        %dma_start3A_270 = tpu.memref_slice %arg6[%dma_start3A_268, %dma_start3A_269] : memref<10112x128xf32, #tpu.memory_space<vmem_shared>> -> memref<10112x128xf32, #tpu.memory_space<vmem_shared>>
        tpu.enqueue_indirect_dma source(%dma_start3A_264 : memref<64x128xf32, #tpu.memory_space<vmem>>) target(%dma_start3A_270 : memref<10112x128xf32, #tpu.memory_space<vmem_shared>>) offsets(%dma_start3A_267 : memref<64xi32, #tpu.memory_space<vmem>>) semaphore(%run_scoped3A_260 : memref<!tpu.dma_semaphore, #tpu.memory_space<semaphore_mem>>) {add = true}
        %dma_wait3A_271 = arith.constant 0 : i32
        %dma_wait3A_272 = arith.constant 0 : i32
        %dma_wait3A_273 = tpu.memref_slice %arg8[%run_scoped3A, %dma_wait3A_271, %dma_wait3A_272] : memref<2x64x128xf32, #tpu.memory_space<vmem>> -> memref<1x64x128xf32, #tpu.memory_space<vmem>>
        %dma_wait3A_274 = tpu.memref_squeeze %dma_wait3A_273 : memref<1x64x128xf32, #tpu.memory_space<vmem>> -> memref<64x128xf32, #tpu.memory_space<vmem>>
        %dma_wait3A_275 = arith.constant 0 : i32
        %dma_wait3A_276 = tpu.memref_slice %arg7[%mul3A_152, %run_scoped3A_200, %dma_wait3A_275] : memref<120x2x64xi32, #tpu.memory_space<vmem>> -> memref<1x1x64xi32, #tpu.memory_space<vmem>>
        %dma_wait3A_277 = tpu.memref_squeeze %dma_wait3A_276 : memref<1x1x64xi32, #tpu.memory_space<vmem>> -> memref<64xi32, #tpu.memory_space<vmem>>
        %dma_wait3A_278 = arith.constant 0 : i32
        %dma_wait3A_279 = arith.constant 0 : i32
        %dma_wait3A_280 = tpu.memref_slice %arg6[%dma_wait3A_278, %dma_wait3A_279] : memref<10112x128xf32, #tpu.memory_space<vmem_shared>> -> memref<10112x128xf32, #tpu.memory_space<vmem_shared>>
        tpu.wait_indirect_dma semaphore(%run_scoped3A_260 : memref<!tpu.dma_semaphore, #tpu.memory_space<semaphore_mem>>) src(%dma_wait3A_274 : memref<64x128xf32, #tpu.memory_space<vmem>>) dst(%dma_wait3A_280 : memref<10112x128xf32, #tpu.memory_space<vmem_shared>>)
        tpu.yield
      }) : () -> ()
      %mul3A_201 = arith.constant 2 : i32
      %mul3A_202 = arith.muli %mul3A_201, %while3A_98 : i32
      %add3A_203 = arith.constant 2 : i32
      %add3A_204 = arith.addi %mul3A_202, %add3A_203 : i32
      %lt3A = arith.cmpi slt, %add3A_204, %select_n3A_8 : i32
      %convert_element_type3A = arith.extui %lt3A : i1 to i32
      %cond3A = arith.constant 0 : i32
      %cond3A_205 = arith.cmpi ne, %convert_element_type3A, %cond3A : i32
      scf.if %cond3A_205 {
        %mul3A_260 = arith.constant 2 : i32
        %mul3A_261 = arith.muli %mul3A_260, %while3A_98 : i32
        %add3A_262 = arith.constant 2 : i32
        %add3A_263 = arith.addi %mul3A_261, %add3A_262 : i32
        %dma_start3A_264 = arith.constant 0 : i32
        %dma_start3A_265 = arith.constant 0 : i32
        %dma_start3A_266 = arith.constant 0 : i32
        %dma_start3A_267 = arith.constant 0 : i32
        %dma_start3A_268 = tpu.memref_slice %arg8[%dma_start3A_265, %dma_start3A_266, %dma_start3A_267] : memref<2x64x128xf32, #tpu.memory_space<vmem>> -> memref<1x16x128xf32, #tpu.memory_space<vmem>>
        %dma_start3A_269 = tpu.memref_squeeze %dma_start3A_268 : memref<1x16x128xf32, #tpu.memory_space<vmem>> -> memref<16x128xf32, #tpu.memory_space<vmem>>
        %dma_start3A_270 = arith.constant 0 : i32
        %dma_start3A_271 = tpu.memref_slice %arg7[%add3A_263, %dma_start3A_264, %dma_start3A_270] : memref<120x2x64xi32, #tpu.memory_space<vmem>> -> memref<1x1x16xi32, #tpu.memory_space<vmem>>
        %dma_start3A_272 = tpu.memref_squeeze %dma_start3A_271 : memref<1x1x16xi32, #tpu.memory_space<vmem>> -> memref<16xi32, #tpu.memory_space<vmem>>
        %dma_start3A_273 = arith.constant 0 : i32
        %dma_start3A_274 = arith.constant 0 : i32
        %dma_start3A_275 = tpu.memref_slice %arg2[%dma_start3A_273, %dma_start3A_274] : memref<50560x128xf32, #tpu.memory_space<hbm>> -> memref<50560x128xf32, #tpu.memory_space<hbm>>
        tpu.enqueue_indirect_dma source(%dma_start3A_275 : memref<50560x128xf32, #tpu.memory_space<hbm>>) target(%dma_start3A_269 : memref<16x128xf32, #tpu.memory_space<vmem>>) offsets(%dma_start3A_272 : memref<16xi32, #tpu.memory_space<vmem>>) semaphore(%arg10 : memref<!tpu.dma_semaphore, #tpu.memory_space<semaphore_mem>>)
        %dma_start3A_276 = arith.constant 0 : i32
        %dma_start3A_277 = arith.constant 0 : i32
        %dma_start3A_278 = arith.constant 16 : i32
        %dma_start3A_279 = arith.constant 0 : i32
        %dma_start3A_280 = tpu.memref_slice %arg8[%dma_start3A_277, %dma_start3A_278, %dma_start3A_279] : memref<2x64x128xf32, #tpu.memory_space<vmem>> -> memref<1x16x128xf32, #tpu.memory_space<vmem>>
        %dma_start3A_281 = tpu.memref_squeeze %dma_start3A_280 : memref<1x16x128xf32, #tpu.memory_space<vmem>> -> memref<16x128xf32, #tpu.memory_space<vmem>>
        %dma_start3A_282 = arith.constant 16 : i32
        %dma_start3A_283 = tpu.memref_slice %arg7[%add3A_263, %dma_start3A_276, %dma_start3A_282] : memref<120x2x64xi32, #tpu.memory_space<vmem>> -> memref<1x1x16xi32, #tpu.memory_space<vmem>>
        %dma_start3A_284 = tpu.memref_squeeze %dma_start3A_283 : memref<1x1x16xi32, #tpu.memory_space<vmem>> -> memref<16xi32, #tpu.memory_space<vmem>>
        %dma_start3A_285 = arith.constant 0 : i32
        %dma_start3A_286 = arith.constant 0 : i32
        %dma_start3A_287 = tpu.memref_slice %arg2[%dma_start3A_285, %dma_start3A_286] : memref<50560x128xf32, #tpu.memory_space<hbm>> -> memref<50560x128xf32, #tpu.memory_space<hbm>>
        tpu.enqueue_indirect_dma source(%dma_start3A_287 : memref<50560x128xf32, #tpu.memory_space<hbm>>) target(%dma_start3A_281 : memref<16x128xf32, #tpu.memory_space<vmem>>) offsets(%dma_start3A_284 : memref<16xi32, #tpu.memory_space<vmem>>) semaphore(%arg11 : memref<!tpu.dma_semaphore, #tpu.memory_space<semaphore_mem>>)
        %dma_start3A_288 = arith.constant 0 : i32
        %dma_start3A_289 = arith.constant 0 : i32
        %dma_start3A_290 = arith.constant 32 : i32
        %dma_start3A_291 = arith.constant 0 : i32
        %dma_start3A_292 = tpu.memref_slice %arg8[%dma_start3A_289, %dma_start3A_290, %dma_start3A_291] : memref<2x64x128xf32, #tpu.memory_space<vmem>> -> memref<1x16x128xf32, #tpu.memory_space<vmem>>
        %dma_start3A_293 = tpu.memref_squeeze %dma_start3A_292 : memref<1x16x128xf32, #tpu.memory_space<vmem>> -> memref<16x128xf32, #tpu.memory_space<vmem>>
        %dma_start3A_294 = arith.constant 32 : i32
        %dma_start3A_295 = tpu.memref_slice %arg7[%add3A_263, %dma_start3A_288, %dma_start3A_294] : memref<120x2x64xi32, #tpu.memory_space<vmem>> -> memref<1x1x16xi32, #tpu.memory_space<vmem>>
        %dma_start3A_296 = tpu.memref_squeeze %dma_start3A_295 : memref<1x1x16xi32, #tpu.memory_space<vmem>> -> memref<16xi32, #tpu.memory_space<vmem>>
        %dma_start3A_297 = arith.constant 0 : i32
        %dma_start3A_298 = arith.constant 0 : i32
        %dma_start3A_299 = tpu.memref_slice %arg2[%dma_start3A_297, %dma_start3A_298] : memref<50560x128xf32, #tpu.memory_space<hbm>> -> memref<50560x128xf32, #tpu.memory_space<hbm>>
        tpu.enqueue_indirect_dma source(%dma_start3A_299 : memref<50560x128xf32, #tpu.memory_space<hbm>>) target(%dma_start3A_293 : memref<16x128xf32, #tpu.memory_space<vmem>>) offsets(%dma_start3A_296 : memref<16xi32, #tpu.memory_space<vmem>>) semaphore(%arg12 : memref<!tpu.dma_semaphore, #tpu.memory_space<semaphore_mem>>)
        %dma_start3A_300 = arith.constant 0 : i32
        %dma_start3A_301 = arith.constant 0 : i32
        %dma_start3A_302 = arith.constant 48 : i32
        %dma_start3A_303 = arith.constant 0 : i32
        %dma_start3A_304 = tpu.memref_slice %arg8[%dma_start3A_301, %dma_start3A_302, %dma_start3A_303] : memref<2x64x128xf32, #tpu.memory_space<vmem>> -> memref<1x16x128xf32, #tpu.memory_space<vmem>>
        %dma_start3A_305 = tpu.memref_squeeze %dma_start3A_304 : memref<1x16x128xf32, #tpu.memory_space<vmem>> -> memref<16x128xf32, #tpu.memory_space<vmem>>
        %dma_start3A_306 = arith.constant 48 : i32
        %dma_start3A_307 = tpu.memref_slice %arg7[%add3A_263, %dma_start3A_300, %dma_start3A_306] : memref<120x2x64xi32, #tpu.memory_space<vmem>> -> memref<1x1x16xi32, #tpu.memory_space<vmem>>
        %dma_start3A_308 = tpu.memref_squeeze %dma_start3A_307 : memref<1x1x16xi32, #tpu.memory_space<vmem>> -> memref<16xi32, #tpu.memory_space<vmem>>
        %dma_start3A_309 = arith.constant 0 : i32
        %dma_start3A_310 = arith.constant 0 : i32
        %dma_start3A_311 = tpu.memref_slice %arg2[%dma_start3A_309, %dma_start3A_310] : memref<50560x128xf32, #tpu.memory_space<hbm>> -> memref<50560x128xf32, #tpu.memory_space<hbm>>
        tpu.enqueue_indirect_dma source(%dma_start3A_311 : memref<50560x128xf32, #tpu.memory_space<hbm>>) target(%dma_start3A_305 : memref<16x128xf32, #tpu.memory_space<vmem>>) offsets(%dma_start3A_308 : memref<16xi32, #tpu.memory_space<vmem>>) semaphore(%arg13 : memref<!tpu.dma_semaphore, #tpu.memory_space<semaphore_mem>>)
      } else {
      }
      %mul3A_206 = arith.constant 2 : i32
      %mul3A_207 = arith.muli %mul3A_206, %while3A_98 : i32
      %add3A_208 = arith.constant 1 : i32
      %add3A_209 = arith.addi %mul3A_207, %add3A_208 : i32
      %dma_wait3A_210 = arith.constant 0 : i32
      %dma_wait3A_211 = arith.constant 1 : i32
      %dma_wait3A_212 = arith.constant 0 : i32
      %dma_wait3A_213 = arith.constant 0 : i32
      %dma_wait3A_214 = tpu.memref_slice %arg8[%dma_wait3A_211, %dma_wait3A_212, %dma_wait3A_213] : memref<2x64x128xf32, #tpu.memory_space<vmem>> -> memref<1x16x128xf32, #tpu.memory_space<vmem>>
      %dma_wait3A_215 = tpu.memref_squeeze %dma_wait3A_214 : memref<1x16x128xf32, #tpu.memory_space<vmem>> -> memref<16x128xf32, #tpu.memory_space<vmem>>
      %dma_wait3A_216 = arith.constant 0 : i32
      %dma_wait3A_217 = tpu.memref_slice %arg7[%add3A_209, %dma_wait3A_210, %dma_wait3A_216] : memref<120x2x64xi32, #tpu.memory_space<vmem>> -> memref<1x1x16xi32, #tpu.memory_space<vmem>>
      %dma_wait3A_218 = tpu.memref_squeeze %dma_wait3A_217 : memref<1x1x16xi32, #tpu.memory_space<vmem>> -> memref<16xi32, #tpu.memory_space<vmem>>
      %dma_wait3A_219 = arith.constant 0 : i32
      %dma_wait3A_220 = arith.constant 0 : i32
      %dma_wait3A_221 = tpu.memref_slice %arg2[%dma_wait3A_219, %dma_wait3A_220] : memref<50560x128xf32, #tpu.memory_space<hbm>> -> memref<50560x128xf32, #tpu.memory_space<hbm>>
      tpu.wait_indirect_dma semaphore(%arg14 : memref<!tpu.dma_semaphore, #tpu.memory_space<semaphore_mem>>) src(%dma_wait3A_221 : memref<50560x128xf32, #tpu.memory_space<hbm>>) dst(%dma_wait3A_215 : memref<16x128xf32, #tpu.memory_space<vmem>>)
      %dma_wait3A_222 = arith.constant 0 : i32
      %dma_wait3A_223 = arith.constant 1 : i32
      %dma_wait3A_224 = arith.constant 16 : i32
      %dma_wait3A_225 = arith.constant 0 : i32
      %dma_wait3A_226 = tpu.memref_slice %arg8[%dma_wait3A_223, %dma_wait3A_224, %dma_wait3A_225] : memref<2x64x128xf32, #tpu.memory_space<vmem>> -> memref<1x16x128xf32, #tpu.memory_space<vmem>>
      %dma_wait3A_227 = tpu.memref_squeeze %dma_wait3A_226 : memref<1x16x128xf32, #tpu.memory_space<vmem>> -> memref<16x128xf32, #tpu.memory_space<vmem>>
      %dma_wait3A_228 = arith.constant 16 : i32
      %dma_wait3A_229 = tpu.memref_slice %arg7[%add3A_209, %dma_wait3A_222, %dma_wait3A_228] : memref<120x2x64xi32, #tpu.memory_space<vmem>> -> memref<1x1x16xi32, #tpu.memory_space<vmem>>
      %dma_wait3A_230 = tpu.memref_squeeze %dma_wait3A_229 : memref<1x1x16xi32, #tpu.memory_space<vmem>> -> memref<16xi32, #tpu.memory_space<vmem>>
      %dma_wait3A_231 = arith.constant 0 : i32
      %dma_wait3A_232 = arith.constant 0 : i32
      %dma_wait3A_233 = tpu.memref_slice %arg2[%dma_wait3A_231, %dma_wait3A_232] : memref<50560x128xf32, #tpu.memory_space<hbm>> -> memref<50560x128xf32, #tpu.memory_space<hbm>>
      tpu.wait_indirect_dma semaphore(%arg15 : memref<!tpu.dma_semaphore, #tpu.memory_space<semaphore_mem>>) src(%dma_wait3A_233 : memref<50560x128xf32, #tpu.memory_space<hbm>>) dst(%dma_wait3A_227 : memref<16x128xf32, #tpu.memory_space<vmem>>)
      %dma_wait3A_234 = arith.constant 0 : i32
      %dma_wait3A_235 = arith.constant 1 : i32
      %dma_wait3A_236 = arith.constant 32 : i32
      %dma_wait3A_237 = arith.constant 0 : i32
      %dma_wait3A_238 = tpu.memref_slice %arg8[%dma_wait3A_235, %dma_wait3A_236, %dma_wait3A_237] : memref<2x64x128xf32, #tpu.memory_space<vmem>> -> memref<1x16x128xf32, #tpu.memory_space<vmem>>
      %dma_wait3A_239 = tpu.memref_squeeze %dma_wait3A_238 : memref<1x16x128xf32, #tpu.memory_space<vmem>> -> memref<16x128xf32, #tpu.memory_space<vmem>>
      %dma_wait3A_240 = arith.constant 32 : i32
      %dma_wait3A_241 = tpu.memref_slice %arg7[%add3A_209, %dma_wait3A_234, %dma_wait3A_240] : memref<120x2x64xi32, #tpu.memory_space<vmem>> -> memref<1x1x16xi32, #tpu.memory_space<vmem>>
      %dma_wait3A_242 = tpu.memref_squeeze %dma_wait3A_241 : memref<1x1x16xi32, #tpu.memory_space<vmem>> -> memref<16xi32, #tpu.memory_space<vmem>>
      %dma_wait3A_243 = arith.constant 0 : i32
      %dma_wait3A_244 = arith.constant 0 : i32
      %dma_wait3A_245 = tpu.memref_slice %arg2[%dma_wait3A_243, %dma_wait3A_244] : memref<50560x128xf32, #tpu.memory_space<hbm>> -> memref<50560x128xf32, #tpu.memory_space<hbm>>
      tpu.wait_indirect_dma semaphore(%arg16 : memref<!tpu.dma_semaphore, #tpu.memory_space<semaphore_mem>>) src(%dma_wait3A_245 : memref<50560x128xf32, #tpu.memory_space<hbm>>) dst(%dma_wait3A_239 : memref<16x128xf32, #tpu.memory_space<vmem>>)
      %dma_wait3A_246 = arith.constant 0 : i32
      %dma_wait3A_247 = arith.constant 1 : i32
      %dma_wait3A_248 = arith.constant 48 : i32
      %dma_wait3A_249 = arith.constant 0 : i32
      %dma_wait3A_250 = tpu.memref_slice %arg8[%dma_wait3A_247, %dma_wait3A_248, %dma_wait3A_249] : memref<2x64x128xf32, #tpu.memory_space<vmem>> -> memref<1x16x128xf32, #tpu.memory_space<vmem>>
      %dma_wait3A_251 = tpu.memref_squeeze %dma_wait3A_250 : memref<1x16x128xf32, #tpu.memory_space<vmem>> -> memref<16x128xf32, #tpu.memory_space<vmem>>
      %dma_wait3A_252 = arith.constant 48 : i32
      %dma_wait3A_253 = tpu.memref_slice %arg7[%add3A_209, %dma_wait3A_246, %dma_wait3A_252] : memref<120x2x64xi32, #tpu.memory_space<vmem>> -> memref<1x1x16xi32, #tpu.memory_space<vmem>>
      %dma_wait3A_254 = tpu.memref_squeeze %dma_wait3A_253 : memref<1x1x16xi32, #tpu.memory_space<vmem>> -> memref<16xi32, #tpu.memory_space<vmem>>
      %dma_wait3A_255 = arith.constant 0 : i32
      %dma_wait3A_256 = arith.constant 0 : i32
      %dma_wait3A_257 = tpu.memref_slice %arg2[%dma_wait3A_255, %dma_wait3A_256] : memref<50560x128xf32, #tpu.memory_space<hbm>> -> memref<50560x128xf32, #tpu.memory_space<hbm>>
      tpu.wait_indirect_dma semaphore(%arg17 : memref<!tpu.dma_semaphore, #tpu.memory_space<semaphore_mem>>) src(%dma_wait3A_257 : memref<50560x128xf32, #tpu.memory_space<hbm>>) dst(%dma_wait3A_251 : memref<16x128xf32, #tpu.memory_space<vmem>>)
      %run_scoped3A_258 = arith.constant 1 : i32
      %run_scoped3A_259 = arith.constant 1 : i32
      "tpu.region"() ({
        %run_scoped3A_260 = tpu.sem_alloc : memref<!tpu.dma_semaphore, #tpu.memory_space<semaphore_mem>>
        %dma_start3A_261 = arith.constant 0 : i32
        %dma_start3A_262 = arith.constant 0 : i32
        %dma_start3A_263 = tpu.memref_slice %arg8[%run_scoped3A_258, %dma_start3A_261, %dma_start3A_262] : memref<2x64x128xf32, #tpu.memory_space<vmem>> -> memref<1x64x128xf32, #tpu.memory_space<vmem>>
        %dma_start3A_264 = tpu.memref_squeeze %dma_start3A_263 : memref<1x64x128xf32, #tpu.memory_space<vmem>> -> memref<64x128xf32, #tpu.memory_space<vmem>>
        %dma_start3A_265 = arith.constant 0 : i32
        %dma_start3A_266 = tpu.memref_slice %arg7[%add3A_209, %run_scoped3A_259, %dma_start3A_265] : memref<120x2x64xi32, #tpu.memory_space<vmem>> -> memref<1x1x64xi32, #tpu.memory_space<vmem>>
        %dma_start3A_267 = tpu.memref_squeeze %dma_start3A_266 : memref<1x1x64xi32, #tpu.memory_space<vmem>> -> memref<64xi32, #tpu.memory_space<vmem>>
        %dma_start3A_268 = arith.constant 0 : i32
        %dma_start3A_269 = arith.constant 0 : i32
        %dma_start3A_270 = tpu.memref_slice %arg6[%dma_start3A_268, %dma_start3A_269] : memref<10112x128xf32, #tpu.memory_space<vmem_shared>> -> memref<10112x128xf32, #tpu.memory_space<vmem_shared>>
        tpu.enqueue_indirect_dma source(%dma_start3A_264 : memref<64x128xf32, #tpu.memory_space<vmem>>) target(%dma_start3A_270 : memref<10112x128xf32, #tpu.memory_space<vmem_shared>>) offsets(%dma_start3A_267 : memref<64xi32, #tpu.memory_space<vmem>>) semaphore(%run_scoped3A_260 : memref<!tpu.dma_semaphore, #tpu.memory_space<semaphore_mem>>) {add = true}
        %dma_wait3A_271 = arith.constant 0 : i32
        %dma_wait3A_272 = arith.constant 0 : i32
        %dma_wait3A_273 = tpu.memref_slice %arg8[%run_scoped3A_258, %dma_wait3A_271, %dma_wait3A_272] : memref<2x64x128xf32, #tpu.memory_space<vmem>> -> memref<1x64x128xf32, #tpu.memory_space<vmem>>
        %dma_wait3A_274 = tpu.memref_squeeze %dma_wait3A_273 : memref<1x64x128xf32, #tpu.memory_space<vmem>> -> memref<64x128xf32, #tpu.memory_space<vmem>>
        %dma_wait3A_275 = arith.constant 0 : i32
        %dma_wait3A_276 = tpu.memref_slice %arg7[%add3A_209, %run_scoped3A_259, %dma_wait3A_275] : memref<120x2x64xi32, #tpu.memory_space<vmem>> -> memref<1x1x64xi32, #tpu.memory_space<vmem>>
        %dma_wait3A_277 = tpu.memref_squeeze %dma_wait3A_276 : memref<1x1x64xi32, #tpu.memory_space<vmem>> -> memref<64xi32, #tpu.memory_space<vmem>>
        %dma_wait3A_278 = arith.constant 0 : i32
        %dma_wait3A_279 = arith.constant 0 : i32
        %dma_wait3A_280 = tpu.memref_slice %arg6[%dma_wait3A_278, %dma_wait3A_279] : memref<10112x128xf32, #tpu.memory_space<vmem_shared>> -> memref<10112x128xf32, #tpu.memory_space<vmem_shared>>
        tpu.wait_indirect_dma semaphore(%run_scoped3A_260 : memref<!tpu.dma_semaphore, #tpu.memory_space<semaphore_mem>>) src(%dma_wait3A_274 : memref<64x128xf32, #tpu.memory_space<vmem>>) dst(%dma_wait3A_280 : memref<10112x128xf32, #tpu.memory_space<vmem_shared>>)
        tpu.yield
      }) : () -> ()
    }
    %barrier3A_94 = arith.constant 0 : index
    tpu.barrier barrier_id(%barrier3A_94)
    %mul3A_95 = arith.constant 10112 : i32
    %mul3A_96 = arith.muli %arg0, %mul3A_95 : i32
    %add3A_97 = arith.addi %mul3A_96, %mul3A_10 : i32
    "tpu.region"() ({
      %run_scoped3A = tpu.sem_alloc : memref<!tpu.dma_semaphore, #tpu.memory_space<semaphore_mem>>
      %dma_start3A_98 = arith.constant 0 : i32
      %dma_start3A_99 = tpu.memref_slice %arg5[%add3A_97, %dma_start3A_98] : memref<20224x128xf32, #tpu.memory_space<hbm>> -> memref<632x128xf32, #tpu.memory_space<hbm>>
      %dma_start3A_100 = arith.constant 0 : i32
      %dma_start3A_101 = tpu.memref_slice %arg6[%mul3A_10, %dma_start3A_100] : memref<10112x128xf32, #tpu.memory_space<vmem_shared>> -> memref<632x128xf32, #tpu.memory_space<vmem_shared>>
      tpu.enqueue_dma source(%dma_start3A_101 : memref<632x128xf32, #tpu.memory_space<vmem_shared>>) target(%dma_start3A_99 : memref<632x128xf32, #tpu.memory_space<hbm>>) target_semaphore(%run_scoped3A : memref<!tpu.dma_semaphore, #tpu.memory_space<semaphore_mem>>)
      %dma_wait3A = arith.constant 0 : i32
      %dma_wait3A_102 = tpu.memref_slice %arg5[%add3A_97, %dma_wait3A] : memref<20224x128xf32, #tpu.memory_space<hbm>> -> memref<632x128xf32, #tpu.memory_space<hbm>>
      %dma_wait3A_103 = arith.constant 0 : i32
      %dma_wait3A_104 = tpu.memref_slice %arg6[%mul3A_10, %dma_wait3A_103] : memref<10112x128xf32, #tpu.memory_space<vmem_shared>> -> memref<632x128xf32, #tpu.memory_space<vmem_shared>>
      tpu.wait_dma2 semaphore(%run_scoped3A : memref<!tpu.dma_semaphore, #tpu.memory_space<semaphore_mem>>) src(%dma_wait3A_104 : memref<632x128xf32, #tpu.memory_space<vmem_shared>>) dst(%dma_wait3A_102 : memref<632x128xf32, #tpu.memory_space<hbm>>)
      tpu.yield
    }) : () -> ()
    return
  }
}

#map = affine_map<(d0, d1) -> (0, 0)>
#map1 = affine_map<(d0, d1) -> (0, 0, 0)>
module attributes {stable_mosaic.version = 14 : i64} {
  func.func @_agg_body(%arg0: i32, %arg1: i32, %arg2: memref<50560x128xf32, #tpu.memory_space<hbm>>, %arg3: memref<2640x2x64xi32, #tpu.memory_space<hbm>>, %arg4: memref<8x128xf32, #tpu.memory_space<hbm>>, %arg5: memref<20224x128xf32, #tpu.memory_space<hbm>>, %arg6: memref<10112x128xf32, #tpu.memory_space<vmem_shared>>, %arg7: memref<120x2x64xi32, #tpu.memory_space<vmem>>, %arg8: memref<2x64x128xf32, #tpu.memory_space<vmem>>, %arg9: memref<8x128xf32, #tpu.memory_space<vmem>>, %arg10: memref<!tpu.dma_semaphore, #tpu.memory_space<semaphore_mem>>, %arg11: memref<!tpu.dma_semaphore, #tpu.memory_space<semaphore_mem>>, %arg12: memref<!tpu.dma_semaphore, #tpu.memory_space<semaphore_mem>>, %arg13: memref<!tpu.dma_semaphore, #tpu.memory_space<semaphore_mem>>, %arg14: memref<!tpu.dma_semaphore, #tpu.memory_space<semaphore_mem>>, %arg15: memref<!tpu.dma_semaphore, #tpu.memory_space<semaphore_mem>>, %arg16: memref<!tpu.dma_semaphore, #tpu.memory_space<semaphore_mem>>, %arg17: memref<!tpu.dma_semaphore, #tpu.memory_space<semaphore_mem>>) attributes {dimension_semantics = [#tpu.dimension_semantics<core_parallel>, #tpu.dimension_semantics<subcore_parallel>], iteration_bounds = array<i64: 2, 16>, scalar_prefetch = 0 : i64, scratch_operands = 12 : i64, tpu.core_type = #tpu.core_type<sc_vector_subcore>, window_params = [{transform_indices = #map}, {transform_indices = #map1}, {transform_indices = #map}, {transform_indices = #map}]} {
    %eq3A = arith.constant 0 : i32
    %eq3A_0 = arith.cmpi eq, %arg0, %eq3A : i32
    %mul3A = arith.constant 120 : i32
    %mul3A_1 = arith.muli %arg1, %mul3A : i32
    %mul3A_2 = arith.constant 40 : i32
    %mul3A_3 = arith.muli %arg1, %mul3A_2 : i32
    %add3A = arith.constant 1920 : i32
    %add3A_4 = arith.addi %add3A, %mul3A_3 : i32
    %select_n3A = arith.select %eq3A_0, %mul3A_1, %add3A_4 : i32
    %eq3A_5 = arith.constant 0 : i32
    %eq3A_6 = arith.cmpi eq, %arg0, %eq3A_5 : i32
    %jit3A = arith.constant 120 : i32
    %jit3A_7 = arith.constant 40 : i32
    %select_n3A_8 = arith.select %eq3A_6, %jit3A, %jit3A_7 : i32
    "tpu.region"() ({
      %run_scoped3A = tpu.sem_alloc : memref<!tpu.dma_semaphore, #tpu.memory_space<semaphore_mem>>
      %dma_start3A_98 = arith.constant 0 : i32
      %dma_start3A_99 = arith.constant 0 : i32
      %dma_start3A_100 = tpu.memref_slice %arg3[%select_n3A, %dma_start3A_98, %dma_start3A_99] : memref<2640x2x64xi32, #tpu.memory_space<hbm>> -> memref<120x2x64xi32, #tpu.memory_space<hbm>>
      %dma_start3A_101 = arith.constant 0 : i32
      %dma_start3A_102 = arith.constant 0 : i32
      %dma_start3A_103 = tpu.memref_slice %arg3[%select_n3A, %dma_start3A_101, %dma_start3A_102] : memref<2640x2x64xi32, #tpu.memory_space<hbm>> -> memref<120x2x64xi32, #tpu.memory_space<hbm>>
      tpu.enqueue_dma source(%dma_start3A_103 : memref<120x2x64xi32, #tpu.memory_space<hbm>>) target(%arg7 : memref<120x2x64xi32, #tpu.memory_space<vmem>>) target_semaphore(%run_scoped3A : memref<!tpu.dma_semaphore, #tpu.memory_space<semaphore_mem>>)
      %dma_wait3A = arith.constant 0 : i32
      %dma_wait3A_104 = arith.constant 0 : i32
      %dma_wait3A_105 = tpu.memref_slice %arg3[%select_n3A, %dma_wait3A, %dma_wait3A_104] : memref<2640x2x64xi32, #tpu.memory_space<hbm>> -> memref<120x2x64xi32, #tpu.memory_space<hbm>>
      %dma_wait3A_106 = arith.constant 0 : i32
      %dma_wait3A_107 = arith.constant 0 : i32
      %dma_wait3A_108 = tpu.memref_slice %arg3[%select_n3A, %dma_wait3A_106, %dma_wait3A_107] : memref<2640x2x64xi32, #tpu.memory_space<hbm>> -> memref<120x2x64xi32, #tpu.memory_space<hbm>>
      tpu.wait_dma2 semaphore(%run_scoped3A : memref<!tpu.dma_semaphore, #tpu.memory_space<semaphore_mem>>) src(%dma_wait3A_108 : memref<120x2x64xi32, #tpu.memory_space<hbm>>) dst(%arg7 : memref<120x2x64xi32, #tpu.memory_space<vmem>>)
      tpu.yield
    }) : () -> ()
    "tpu.region"() ({
      %run_scoped3A = tpu.sem_alloc : memref<!tpu.dma_semaphore, #tpu.memory_space<semaphore_mem>>
      tpu.enqueue_dma source(%arg4 : memref<8x128xf32, #tpu.memory_space<hbm>>) target(%arg9 : memref<8x128xf32, #tpu.memory_space<vmem>>) target_semaphore(%run_scoped3A : memref<!tpu.dma_semaphore, #tpu.memory_space<semaphore_mem>>)
      tpu.wait_dma2 semaphore(%run_scoped3A : memref<!tpu.dma_semaphore, #tpu.memory_space<semaphore_mem>>) src(%arg4 : memref<8x128xf32, #tpu.memory_space<hbm>>) dst(%arg9 : memref<8x128xf32, #tpu.memory_space<vmem>>)
      tpu.yield
    }) : () -> ()
    %mul3A_9 = arith.constant 632 : i32
    %mul3A_10 = arith.muli %arg1, %mul3A_9 : i32
    %scan3A = arith.constant 0 : i32
    %scan3A_11 = arith.constant 0 : i32
    %scan3A_12 = arith.constant 79 : i32
    %scan3A_13 = arith.addi %scan3A_11, %scan3A_12 : i32
    %scan3A_14 = arith.constant 1 : i32
    scf.for %scan3A_98 = %scan3A_11 to %scan3A_13 step %scan3A_14  : i32 {
      %mul3A_99 = arith.constant 8 : i32
      %mul3A_100 = arith.muli %scan3A_98, %mul3A_99 : i32
      %add3A_101 = arith.addi %mul3A_10, %mul3A_100 : i32
      "tpu.region"() ({
        %run_scoped3A = tpu.sem_alloc : memref<!tpu.dma_semaphore, #tpu.memory_space<semaphore_mem>>
        %dma_start3A_102 = arith.constant 0 : i32
        %dma_start3A_103 = tpu.memref_slice %arg6[%add3A_101, %dma_start3A_102] : memref<10112x128xf32, #tpu.memory_space<vmem_shared>> -> memref<8x128xf32, #tpu.memory_space<vmem_shared>>
        %dma_start3A_104 = arith.constant 0 : i32
        %dma_start3A_105 = tpu.memref_slice %arg6[%add3A_101, %dma_start3A_104] : memref<10112x128xf32, #tpu.memory_space<vmem_shared>> -> memref<8x128xf32, #tpu.memory_space<vmem_shared>>
        tpu.enqueue_dma source(%arg9 : memref<8x128xf32, #tpu.memory_space<vmem>>) target(%dma_start3A_105 : memref<8x128xf32, #tpu.memory_space<vmem_shared>>) target_semaphore(%run_scoped3A : memref<!tpu.dma_semaphore, #tpu.memory_space<semaphore_mem>>)
        %dma_wait3A = arith.constant 0 : i32
        %dma_wait3A_106 = tpu.memref_slice %arg6[%add3A_101, %dma_wait3A] : memref<10112x128xf32, #tpu.memory_space<vmem_shared>> -> memref<8x128xf32, #tpu.memory_space<vmem_shared>>
        %dma_wait3A_107 = arith.constant 0 : i32
        %dma_wait3A_108 = tpu.memref_slice %arg6[%add3A_101, %dma_wait3A_107] : memref<10112x128xf32, #tpu.memory_space<vmem_shared>> -> memref<8x128xf32, #tpu.memory_space<vmem_shared>>
        tpu.wait_dma2 semaphore(%run_scoped3A : memref<!tpu.dma_semaphore, #tpu.memory_space<semaphore_mem>>) src(%arg9 : memref<8x128xf32, #tpu.memory_space<vmem>>) dst(%dma_wait3A_108 : memref<8x128xf32, #tpu.memory_space<vmem_shared>>)
        tpu.yield
      }) : () -> ()
    }
    %scan3A_15 = arith.constant 79 : i32
    %barrier3A = arith.constant 0 : index
    tpu.barrier barrier_id(%barrier3A)
    %dma_start3A = arith.constant 0 : i32
    %dma_start3A_16 = arith.constant 0 : i32
    %dma_start3A_17 = arith.constant 0 : i32
    %dma_start3A_18 = arith.constant 0 : i32
    %dma_start3A_19 = arith.constant 0 : i32
    %dma_start3A_20 = tpu.memref_slice %arg8[%dma_start3A_17, %dma_start3A_18, %dma_start3A_19] : memref<2x64x128xf32, #tpu.memory_space<vmem>> -> memref<1x16x128xf32, #tpu.memory_space<vmem>>
    %dma_start3A_21 = tpu.memref_squeeze %dma_start3A_20 : memref<1x16x128xf32, #tpu.memory_space<vmem>> -> memref<16x128xf32, #tpu.memory_space<vmem>>
    %dma_start3A_22 = arith.constant 0 : i32
    %dma_start3A_23 = tpu.memref_slice %arg7[%dma_start3A, %dma_start3A_16, %dma_start3A_22] : memref<120x2x64xi32, #tpu.memory_space<vmem>> -> memref<1x1x16xi32, #tpu.memory_space<vmem>>
    %dma_start3A_24 = tpu.memref_squeeze %dma_start3A_23 : memref<1x1x16xi32, #tpu.memory_space<vmem>> -> memref<16xi32, #tpu.memory_space<vmem>>
    %dma_start3A_25 = arith.constant 0 : i32
    %dma_start3A_26 = arith.constant 0 : i32
    %dma_start3A_27 = tpu.memref_slice %arg2[%dma_start3A_25, %dma_start3A_26] : memref<50560x128xf32, #tpu.memory_space<hbm>> -> memref<50560x128xf32, #tpu.memory_space<hbm>>
    tpu.enqueue_indirect_dma source(%dma_start3A_27 : memref<50560x128xf32, #tpu.memory_space<hbm>>) target(%dma_start3A_21 : memref<16x128xf32, #tpu.memory_space<vmem>>) offsets(%dma_start3A_24 : memref<16xi32, #tpu.memory_space<vmem>>) semaphore(%arg10 : memref<!tpu.dma_semaphore, #tpu.memory_space<semaphore_mem>>)
    %dma_start3A_28 = arith.constant 0 : i32
    %dma_start3A_29 = arith.constant 0 : i32
    %dma_start3A_30 = arith.constant 0 : i32
    %dma_start3A_31 = arith.constant 16 : i32
    %dma_start3A_32 = arith.constant 0 : i32
    %dma_start3A_33 = tpu.memref_slice %arg8[%dma_start3A_30, %dma_start3A_31, %dma_start3A_32] : memref<2x64x128xf32, #tpu.memory_space<vmem>> -> memref<1x16x128xf32, #tpu.memory_space<vmem>>
    %dma_start3A_34 = tpu.memref_squeeze %dma_start3A_33 : memref<1x16x128xf32, #tpu.memory_space<vmem>> -> memref<16x128xf32, #tpu.memory_space<vmem>>
    %dma_start3A_35 = arith.constant 16 : i32
    %dma_start3A_36 = tpu.memref_slice %arg7[%dma_start3A_28, %dma_start3A_29, %dma_start3A_35] : memref<120x2x64xi32, #tpu.memory_space<vmem>> -> memref<1x1x16xi32, #tpu.memory_space<vmem>>
    %dma_start3A_37 = tpu.memref_squeeze %dma_start3A_36 : memref<1x1x16xi32, #tpu.memory_space<vmem>> -> memref<16xi32, #tpu.memory_space<vmem>>
    %dma_start3A_38 = arith.constant 0 : i32
    %dma_start3A_39 = arith.constant 0 : i32
    %dma_start3A_40 = tpu.memref_slice %arg2[%dma_start3A_38, %dma_start3A_39] : memref<50560x128xf32, #tpu.memory_space<hbm>> -> memref<50560x128xf32, #tpu.memory_space<hbm>>
    tpu.enqueue_indirect_dma source(%dma_start3A_40 : memref<50560x128xf32, #tpu.memory_space<hbm>>) target(%dma_start3A_34 : memref<16x128xf32, #tpu.memory_space<vmem>>) offsets(%dma_start3A_37 : memref<16xi32, #tpu.memory_space<vmem>>) semaphore(%arg11 : memref<!tpu.dma_semaphore, #tpu.memory_space<semaphore_mem>>)
    %dma_start3A_41 = arith.constant 0 : i32
    %dma_start3A_42 = arith.constant 0 : i32
    %dma_start3A_43 = arith.constant 0 : i32
    %dma_start3A_44 = arith.constant 32 : i32
    %dma_start3A_45 = arith.constant 0 : i32
    %dma_start3A_46 = tpu.memref_slice %arg8[%dma_start3A_43, %dma_start3A_44, %dma_start3A_45] : memref<2x64x128xf32, #tpu.memory_space<vmem>> -> memref<1x16x128xf32, #tpu.memory_space<vmem>>
    %dma_start3A_47 = tpu.memref_squeeze %dma_start3A_46 : memref<1x16x128xf32, #tpu.memory_space<vmem>> -> memref<16x128xf32, #tpu.memory_space<vmem>>
    %dma_start3A_48 = arith.constant 32 : i32
    %dma_start3A_49 = tpu.memref_slice %arg7[%dma_start3A_41, %dma_start3A_42, %dma_start3A_48] : memref<120x2x64xi32, #tpu.memory_space<vmem>> -> memref<1x1x16xi32, #tpu.memory_space<vmem>>
    %dma_start3A_50 = tpu.memref_squeeze %dma_start3A_49 : memref<1x1x16xi32, #tpu.memory_space<vmem>> -> memref<16xi32, #tpu.memory_space<vmem>>
    %dma_start3A_51 = arith.constant 0 : i32
    %dma_start3A_52 = arith.constant 0 : i32
    %dma_start3A_53 = tpu.memref_slice %arg2[%dma_start3A_51, %dma_start3A_52] : memref<50560x128xf32, #tpu.memory_space<hbm>> -> memref<50560x128xf32, #tpu.memory_space<hbm>>
    tpu.enqueue_indirect_dma source(%dma_start3A_53 : memref<50560x128xf32, #tpu.memory_space<hbm>>) target(%dma_start3A_47 : memref<16x128xf32, #tpu.memory_space<vmem>>) offsets(%dma_start3A_50 : memref<16xi32, #tpu.memory_space<vmem>>) semaphore(%arg12 : memref<!tpu.dma_semaphore, #tpu.memory_space<semaphore_mem>>)
    %dma_start3A_54 = arith.constant 0 : i32
    %dma_start3A_55 = arith.constant 0 : i32
    %dma_start3A_56 = arith.constant 0 : i32
    %dma_start3A_57 = arith.constant 48 : i32
    %dma_start3A_58 = arith.constant 0 : i32
    %dma_start3A_59 = tpu.memref_slice %arg8[%dma_start3A_56, %dma_start3A_57, %dma_start3A_58] : memref<2x64x128xf32, #tpu.memory_space<vmem>> -> memref<1x16x128xf32, #tpu.memory_space<vmem>>
    %dma_start3A_60 = tpu.memref_squeeze %dma_start3A_59 : memref<1x16x128xf32, #tpu.memory_space<vmem>> -> memref<16x128xf32, #tpu.memory_space<vmem>>
    %dma_start3A_61 = arith.constant 48 : i32
    %dma_start3A_62 = tpu.memref_slice %arg7[%dma_start3A_54, %dma_start3A_55, %dma_start3A_61] : memref<120x2x64xi32, #tpu.memory_space<vmem>> -> memref<1x1x16xi32, #tpu.memory_space<vmem>>
    %dma_start3A_63 = tpu.memref_squeeze %dma_start3A_62 : memref<1x1x16xi32, #tpu.memory_space<vmem>> -> memref<16xi32, #tpu.memory_space<vmem>>
    %dma_start3A_64 = arith.constant 0 : i32
    %dma_start3A_65 = arith.constant 0 : i32
    %dma_start3A_66 = tpu.memref_slice %arg2[%dma_start3A_64, %dma_start3A_65] : memref<50560x128xf32, #tpu.memory_space<hbm>> -> memref<50560x128xf32, #tpu.memory_space<hbm>>
    tpu.enqueue_indirect_dma source(%dma_start3A_66 : memref<50560x128xf32, #tpu.memory_space<hbm>>) target(%dma_start3A_60 : memref<16x128xf32, #tpu.memory_space<vmem>>) offsets(%dma_start3A_63 : memref<16xi32, #tpu.memory_space<vmem>>) semaphore(%arg13 : memref<!tpu.dma_semaphore, #tpu.memory_space<semaphore_mem>>)
    %jit3A_67 = arith.constant 2 : i32
    %div3A = arith.divsi %select_n3A_8, %jit3A_67 : i32
    %sign3A = arith.constant 0 : i32
    %sign3A_68 = arith.cmpi sgt, %select_n3A_8, %sign3A : i32
    %sign3A_69 = arith.extui %sign3A_68 : i1 to i32
    %sign3A_70 = arith.constant 0 : i32
    %sign3A_71 = arith.cmpi slt, %select_n3A_8, %sign3A_70 : i32
    %sign3A_72 = arith.extui %sign3A_71 : i1 to i32
    %sign3A_73 = arith.subi %sign3A_69, %sign3A_72 : i32
    %sign3A_74 = arith.constant 0 : i32
    %sign3A_75 = arith.cmpi sgt, %jit3A_67, %sign3A_74 : i32
    %sign3A_76 = arith.extui %sign3A_75 : i1 to i32
    %sign3A_77 = arith.constant 0 : i32
    %sign3A_78 = arith.cmpi slt, %jit3A_67, %sign3A_77 : i32
    %sign3A_79 = arith.extui %sign3A_78 : i1 to i32
    %sign3A_80 = arith.subi %sign3A_76, %sign3A_79 : i32
    %ne3A = arith.cmpi ne, %sign3A_73, %sign3A_80 : i32
    %rem3A = arith.remsi %select_n3A_8, %jit3A_67 : i32
    %ne3A_81 = arith.constant 0 : i32
    %ne3A_82 = arith.cmpi ne, %rem3A, %ne3A_81 : i32
    %and3A = arith.andi %ne3A, %ne3A_82 : i1
    %sub3A = arith.constant 1 : i32
    %sub3A_83 = arith.subi %div3A, %sub3A : i32
    %select_n3A_84 = arith.select %and3A, %sub3A_83, %div3A : i32
    %while3A = arith.constant 0 : i32
    %while3A_85 = arith.constant 0 : i32
    %while3A_86 = arith.subi %select_n3A_84, %while3A_85 : i32
    %while3A_87 = arith.addi %while3A_85, %while3A_86 : i32
    %while3A_88 = arith.constant 1 : i32
    %while3A_89 = arith.divsi %while3A_86, %while3A_88 : i32
    %while3A_90 = arith.muli %while3A_89, %while3A_88 : i32
    %while3A_91 = arith.addi %while3A_85, %while3A_90 : i32
    %while3A_92 = arith.constant 1 : i32
    scf.for %while3A_98 = %while3A_85 to %while3A_91 step %while3A_92  : i32 {
      %mul3A_99 = arith.constant 2 : i32
      %mul3A_100 = arith.muli %mul3A_99, %while3A_98 : i32
      %add3A_101 = arith.constant 1 : i32
      %add3A_102 = arith.addi %mul3A_100, %add3A_101 : i32
      %dma_start3A_103 = arith.constant 0 : i32
      %dma_start3A_104 = arith.constant 1 : i32
      %dma_start3A_105 = arith.constant 0 : i32
      %dma_start3A_106 = arith.constant 0 : i32
      %dma_start3A_107 = tpu.memref_slice %arg8[%dma_start3A_104, %dma_start3A_105, %dma_start3A_106] : memref<2x64x128xf32, #tpu.memory_space<vmem>> -> memref<1x16x128xf32, #tpu.memory_space<vmem>>
      %dma_start3A_108 = tpu.memref_squeeze %dma_start3A_107 : memref<1x16x128xf32, #tpu.memory_space<vmem>> -> memref<16x128xf32, #tpu.memory_space<vmem>>
      %dma_start3A_109 = arith.constant 0 : i32
      %dma_start3A_110 = tpu.memref_slice %arg7[%add3A_102, %dma_start3A_103, %dma_start3A_109] : memref<120x2x64xi32, #tpu.memory_space<vmem>> -> memref<1x1x16xi32, #tpu.memory_space<vmem>>
      %dma_start3A_111 = tpu.memref_squeeze %dma_start3A_110 : memref<1x1x16xi32, #tpu.memory_space<vmem>> -> memref<16xi32, #tpu.memory_space<vmem>>
      %dma_start3A_112 = arith.constant 0 : i32
      %dma_start3A_113 = arith.constant 0 : i32
      %dma_start3A_114 = tpu.memref_slice %arg2[%dma_start3A_112, %dma_start3A_113] : memref<50560x128xf32, #tpu.memory_space<hbm>> -> memref<50560x128xf32, #tpu.memory_space<hbm>>
      tpu.enqueue_indirect_dma source(%dma_start3A_114 : memref<50560x128xf32, #tpu.memory_space<hbm>>) target(%dma_start3A_108 : memref<16x128xf32, #tpu.memory_space<vmem>>) offsets(%dma_start3A_111 : memref<16xi32, #tpu.memory_space<vmem>>) semaphore(%arg14 : memref<!tpu.dma_semaphore, #tpu.memory_space<semaphore_mem>>)
      %dma_start3A_115 = arith.constant 0 : i32
      %dma_start3A_116 = arith.constant 1 : i32
      %dma_start3A_117 = arith.constant 16 : i32
      %dma_start3A_118 = arith.constant 0 : i32
      %dma_start3A_119 = tpu.memref_slice %arg8[%dma_start3A_116, %dma_start3A_117, %dma_start3A_118] : memref<2x64x128xf32, #tpu.memory_space<vmem>> -> memref<1x16x128xf32, #tpu.memory_space<vmem>>
      %dma_start3A_120 = tpu.memref_squeeze %dma_start3A_119 : memref<1x16x128xf32, #tpu.memory_space<vmem>> -> memref<16x128xf32, #tpu.memory_space<vmem>>
      %dma_start3A_121 = arith.constant 16 : i32
      %dma_start3A_122 = tpu.memref_slice %arg7[%add3A_102, %dma_start3A_115, %dma_start3A_121] : memref<120x2x64xi32, #tpu.memory_space<vmem>> -> memref<1x1x16xi32, #tpu.memory_space<vmem>>
      %dma_start3A_123 = tpu.memref_squeeze %dma_start3A_122 : memref<1x1x16xi32, #tpu.memory_space<vmem>> -> memref<16xi32, #tpu.memory_space<vmem>>
      %dma_start3A_124 = arith.constant 0 : i32
      %dma_start3A_125 = arith.constant 0 : i32
      %dma_start3A_126 = tpu.memref_slice %arg2[%dma_start3A_124, %dma_start3A_125] : memref<50560x128xf32, #tpu.memory_space<hbm>> -> memref<50560x128xf32, #tpu.memory_space<hbm>>
      tpu.enqueue_indirect_dma source(%dma_start3A_126 : memref<50560x128xf32, #tpu.memory_space<hbm>>) target(%dma_start3A_120 : memref<16x128xf32, #tpu.memory_space<vmem>>) offsets(%dma_start3A_123 : memref<16xi32, #tpu.memory_space<vmem>>) semaphore(%arg15 : memref<!tpu.dma_semaphore, #tpu.memory_space<semaphore_mem>>)
      %dma_start3A_127 = arith.constant 0 : i32
      %dma_start3A_128 = arith.constant 1 : i32
      %dma_start3A_129 = arith.constant 32 : i32
      %dma_start3A_130 = arith.constant 0 : i32
      %dma_start3A_131 = tpu.memref_slice %arg8[%dma_start3A_128, %dma_start3A_129, %dma_start3A_130] : memref<2x64x128xf32, #tpu.memory_space<vmem>> -> memref<1x16x128xf32, #tpu.memory_space<vmem>>
      %dma_start3A_132 = tpu.memref_squeeze %dma_start3A_131 : memref<1x16x128xf32, #tpu.memory_space<vmem>> -> memref<16x128xf32, #tpu.memory_space<vmem>>
      %dma_start3A_133 = arith.constant 32 : i32
      %dma_start3A_134 = tpu.memref_slice %arg7[%add3A_102, %dma_start3A_127, %dma_start3A_133] : memref<120x2x64xi32, #tpu.memory_space<vmem>> -> memref<1x1x16xi32, #tpu.memory_space<vmem>>
      %dma_start3A_135 = tpu.memref_squeeze %dma_start3A_134 : memref<1x1x16xi32, #tpu.memory_space<vmem>> -> memref<16xi32, #tpu.memory_space<vmem>>
      %dma_start3A_136 = arith.constant 0 : i32
      %dma_start3A_137 = arith.constant 0 : i32
      %dma_start3A_138 = tpu.memref_slice %arg2[%dma_start3A_136, %dma_start3A_137] : memref<50560x128xf32, #tpu.memory_space<hbm>> -> memref<50560x128xf32, #tpu.memory_space<hbm>>
      tpu.enqueue_indirect_dma source(%dma_start3A_138 : memref<50560x128xf32, #tpu.memory_space<hbm>>) target(%dma_start3A_132 : memref<16x128xf32, #tpu.memory_space<vmem>>) offsets(%dma_start3A_135 : memref<16xi32, #tpu.memory_space<vmem>>) semaphore(%arg16 : memref<!tpu.dma_semaphore, #tpu.memory_space<semaphore_mem>>)
      %dma_start3A_139 = arith.constant 0 : i32
      %dma_start3A_140 = arith.constant 1 : i32
      %dma_start3A_141 = arith.constant 48 : i32
      %dma_start3A_142 = arith.constant 0 : i32
      %dma_start3A_143 = tpu.memref_slice %arg8[%dma_start3A_140, %dma_start3A_141, %dma_start3A_142] : memref<2x64x128xf32, #tpu.memory_space<vmem>> -> memref<1x16x128xf32, #tpu.memory_space<vmem>>
      %dma_start3A_144 = tpu.memref_squeeze %dma_start3A_143 : memref<1x16x128xf32, #tpu.memory_space<vmem>> -> memref<16x128xf32, #tpu.memory_space<vmem>>
      %dma_start3A_145 = arith.constant 48 : i32
      %dma_start3A_146 = tpu.memref_slice %arg7[%add3A_102, %dma_start3A_139, %dma_start3A_145] : memref<120x2x64xi32, #tpu.memory_space<vmem>> -> memref<1x1x16xi32, #tpu.memory_space<vmem>>
      %dma_start3A_147 = tpu.memref_squeeze %dma_start3A_146 : memref<1x1x16xi32, #tpu.memory_space<vmem>> -> memref<16xi32, #tpu.memory_space<vmem>>
      %dma_start3A_148 = arith.constant 0 : i32
      %dma_start3A_149 = arith.constant 0 : i32
      %dma_start3A_150 = tpu.memref_slice %arg2[%dma_start3A_148, %dma_start3A_149] : memref<50560x128xf32, #tpu.memory_space<hbm>> -> memref<50560x128xf32, #tpu.memory_space<hbm>>
      tpu.enqueue_indirect_dma source(%dma_start3A_150 : memref<50560x128xf32, #tpu.memory_space<hbm>>) target(%dma_start3A_144 : memref<16x128xf32, #tpu.memory_space<vmem>>) offsets(%dma_start3A_147 : memref<16xi32, #tpu.memory_space<vmem>>) semaphore(%arg17 : memref<!tpu.dma_semaphore, #tpu.memory_space<semaphore_mem>>)
      %mul3A_151 = arith.constant 2 : i32
      %mul3A_152 = arith.muli %mul3A_151, %while3A_98 : i32
      %dma_wait3A = arith.constant 0 : i32
      %dma_wait3A_153 = arith.constant 0 : i32
      %dma_wait3A_154 = arith.constant 0 : i32
      %dma_wait3A_155 = arith.constant 0 : i32
      %dma_wait3A_156 = tpu.memref_slice %arg8[%dma_wait3A_153, %dma_wait3A_154, %dma_wait3A_155] : memref<2x64x128xf32, #tpu.memory_space<vmem>> -> memref<1x16x128xf32, #tpu.memory_space<vmem>>
      %dma_wait3A_157 = tpu.memref_squeeze %dma_wait3A_156 : memref<1x16x128xf32, #tpu.memory_space<vmem>> -> memref<16x128xf32, #tpu.memory_space<vmem>>
      %dma_wait3A_158 = arith.constant 0 : i32
      %dma_wait3A_159 = tpu.memref_slice %arg7[%mul3A_152, %dma_wait3A, %dma_wait3A_158] : memref<120x2x64xi32, #tpu.memory_space<vmem>> -> memref<1x1x16xi32, #tpu.memory_space<vmem>>
      %dma_wait3A_160 = tpu.memref_squeeze %dma_wait3A_159 : memref<1x1x16xi32, #tpu.memory_space<vmem>> -> memref<16xi32, #tpu.memory_space<vmem>>
      %dma_wait3A_161 = arith.constant 0 : i32
      %dma_wait3A_162 = arith.constant 0 : i32
      %dma_wait3A_163 = tpu.memref_slice %arg2[%dma_wait3A_161, %dma_wait3A_162] : memref<50560x128xf32, #tpu.memory_space<hbm>> -> memref<50560x128xf32, #tpu.memory_space<hbm>>
      tpu.wait_indirect_dma semaphore(%arg10 : memref<!tpu.dma_semaphore, #tpu.memory_space<semaphore_mem>>) src(%dma_wait3A_163 : memref<50560x128xf32, #tpu.memory_space<hbm>>) dst(%dma_wait3A_157 : memref<16x128xf32, #tpu.memory_space<vmem>>)
      %dma_wait3A_164 = arith.constant 0 : i32
      %dma_wait3A_165 = arith.constant 0 : i32
      %dma_wait3A_166 = arith.constant 16 : i32
      %dma_wait3A_167 = arith.constant 0 : i32
      %dma_wait3A_168 = tpu.memref_slice %arg8[%dma_wait3A_165, %dma_wait3A_166, %dma_wait3A_167] : memref<2x64x128xf32, #tpu.memory_space<vmem>> -> memref<1x16x128xf32, #tpu.memory_space<vmem>>
      %dma_wait3A_169 = tpu.memref_squeeze %dma_wait3A_168 : memref<1x16x128xf32, #tpu.memory_space<vmem>> -> memref<16x128xf32, #tpu.memory_space<vmem>>
      %dma_wait3A_170 = arith.constant 16 : i32
      %dma_wait3A_171 = tpu.memref_slice %arg7[%mul3A_152, %dma_wait3A_164, %dma_wait3A_170] : memref<120x2x64xi32, #tpu.memory_space<vmem>> -> memref<1x1x16xi32, #tpu.memory_space<vmem>>
      %dma_wait3A_172 = tpu.memref_squeeze %dma_wait3A_171 : memref<1x1x16xi32, #tpu.memory_space<vmem>> -> memref<16xi32, #tpu.memory_space<vmem>>
      %dma_wait3A_173 = arith.constant 0 : i32
      %dma_wait3A_174 = arith.constant 0 : i32
      %dma_wait3A_175 = tpu.memref_slice %arg2[%dma_wait3A_173, %dma_wait3A_174] : memref<50560x128xf32, #tpu.memory_space<hbm>> -> memref<50560x128xf32, #tpu.memory_space<hbm>>
      tpu.wait_indirect_dma semaphore(%arg11 : memref<!tpu.dma_semaphore, #tpu.memory_space<semaphore_mem>>) src(%dma_wait3A_175 : memref<50560x128xf32, #tpu.memory_space<hbm>>) dst(%dma_wait3A_169 : memref<16x128xf32, #tpu.memory_space<vmem>>)
      %dma_wait3A_176 = arith.constant 0 : i32
      %dma_wait3A_177 = arith.constant 0 : i32
      %dma_wait3A_178 = arith.constant 32 : i32
      %dma_wait3A_179 = arith.constant 0 : i32
      %dma_wait3A_180 = tpu.memref_slice %arg8[%dma_wait3A_177, %dma_wait3A_178, %dma_wait3A_179] : memref<2x64x128xf32, #tpu.memory_space<vmem>> -> memref<1x16x128xf32, #tpu.memory_space<vmem>>
      %dma_wait3A_181 = tpu.memref_squeeze %dma_wait3A_180 : memref<1x16x128xf32, #tpu.memory_space<vmem>> -> memref<16x128xf32, #tpu.memory_space<vmem>>
      %dma_wait3A_182 = arith.constant 32 : i32
      %dma_wait3A_183 = tpu.memref_slice %arg7[%mul3A_152, %dma_wait3A_176, %dma_wait3A_182] : memref<120x2x64xi32, #tpu.memory_space<vmem>> -> memref<1x1x16xi32, #tpu.memory_space<vmem>>
      %dma_wait3A_184 = tpu.memref_squeeze %dma_wait3A_183 : memref<1x1x16xi32, #tpu.memory_space<vmem>> -> memref<16xi32, #tpu.memory_space<vmem>>
      %dma_wait3A_185 = arith.constant 0 : i32
      %dma_wait3A_186 = arith.constant 0 : i32
      %dma_wait3A_187 = tpu.memref_slice %arg2[%dma_wait3A_185, %dma_wait3A_186] : memref<50560x128xf32, #tpu.memory_space<hbm>> -> memref<50560x128xf32, #tpu.memory_space<hbm>>
      tpu.wait_indirect_dma semaphore(%arg12 : memref<!tpu.dma_semaphore, #tpu.memory_space<semaphore_mem>>) src(%dma_wait3A_187 : memref<50560x128xf32, #tpu.memory_space<hbm>>) dst(%dma_wait3A_181 : memref<16x128xf32, #tpu.memory_space<vmem>>)
      %dma_wait3A_188 = arith.constant 0 : i32
      %dma_wait3A_189 = arith.constant 0 : i32
      %dma_wait3A_190 = arith.constant 48 : i32
      %dma_wait3A_191 = arith.constant 0 : i32
      %dma_wait3A_192 = tpu.memref_slice %arg8[%dma_wait3A_189, %dma_wait3A_190, %dma_wait3A_191] : memref<2x64x128xf32, #tpu.memory_space<vmem>> -> memref<1x16x128xf32, #tpu.memory_space<vmem>>
      %dma_wait3A_193 = tpu.memref_squeeze %dma_wait3A_192 : memref<1x16x128xf32, #tpu.memory_space<vmem>> -> memref<16x128xf32, #tpu.memory_space<vmem>>
      %dma_wait3A_194 = arith.constant 48 : i32
      %dma_wait3A_195 = tpu.memref_slice %arg7[%mul3A_152, %dma_wait3A_188, %dma_wait3A_194] : memref<120x2x64xi32, #tpu.memory_space<vmem>> -> memref<1x1x16xi32, #tpu.memory_space<vmem>>
      %dma_wait3A_196 = tpu.memref_squeeze %dma_wait3A_195 : memref<1x1x16xi32, #tpu.memory_space<vmem>> -> memref<16xi32, #tpu.memory_space<vmem>>
      %dma_wait3A_197 = arith.constant 0 : i32
      %dma_wait3A_198 = arith.constant 0 : i32
      %dma_wait3A_199 = tpu.memref_slice %arg2[%dma_wait3A_197, %dma_wait3A_198] : memref<50560x128xf32, #tpu.memory_space<hbm>> -> memref<50560x128xf32, #tpu.memory_space<hbm>>
      tpu.wait_indirect_dma semaphore(%arg13 : memref<!tpu.dma_semaphore, #tpu.memory_space<semaphore_mem>>) src(%dma_wait3A_199 : memref<50560x128xf32, #tpu.memory_space<hbm>>) dst(%dma_wait3A_193 : memref<16x128xf32, #tpu.memory_space<vmem>>)
      %run_scoped3A = arith.constant 0 : i32
      %run_scoped3A_200 = arith.constant 1 : i32
      "tpu.region"() ({
        %run_scoped3A_260 = tpu.sem_alloc : memref<!tpu.dma_semaphore, #tpu.memory_space<semaphore_mem>>
        %dma_start3A_261 = arith.constant 0 : i32
        %dma_start3A_262 = arith.constant 0 : i32
        %dma_start3A_263 = tpu.memref_slice %arg8[%run_scoped3A, %dma_start3A_261, %dma_start3A_262] : memref<2x64x128xf32, #tpu.memory_space<vmem>> -> memref<1x64x128xf32, #tpu.memory_space<vmem>>
        %dma_start3A_264 = tpu.memref_squeeze %dma_start3A_263 : memref<1x64x128xf32, #tpu.memory_space<vmem>> -> memref<64x128xf32, #tpu.memory_space<vmem>>
        %dma_start3A_265 = arith.constant 0 : i32
        %dma_start3A_266 = tpu.memref_slice %arg7[%mul3A_152, %run_scoped3A_200, %dma_start3A_265] : memref<120x2x64xi32, #tpu.memory_space<vmem>> -> memref<1x1x64xi32, #tpu.memory_space<vmem>>
        %dma_start3A_267 = tpu.memref_squeeze %dma_start3A_266 : memref<1x1x64xi32, #tpu.memory_space<vmem>> -> memref<64xi32, #tpu.memory_space<vmem>>
        %dma_start3A_268 = arith.constant 0 : i32
        %dma_start3A_269 = arith.constant 0 : i32
        %dma_start3A_270 = tpu.memref_slice %arg6[%dma_start3A_268, %dma_start3A_269] : memref<10112x128xf32, #tpu.memory_space<vmem_shared>> -> memref<10112x128xf32, #tpu.memory_space<vmem_shared>>
        tpu.enqueue_indirect_dma source(%dma_start3A_264 : memref<64x128xf32, #tpu.memory_space<vmem>>) target(%dma_start3A_270 : memref<10112x128xf32, #tpu.memory_space<vmem_shared>>) offsets(%dma_start3A_267 : memref<64xi32, #tpu.memory_space<vmem>>) semaphore(%run_scoped3A_260 : memref<!tpu.dma_semaphore, #tpu.memory_space<semaphore_mem>>) {add = true}
        %dma_wait3A_271 = arith.constant 0 : i32
        %dma_wait3A_272 = arith.constant 0 : i32
        %dma_wait3A_273 = tpu.memref_slice %arg8[%run_scoped3A, %dma_wait3A_271, %dma_wait3A_272] : memref<2x64x128xf32, #tpu.memory_space<vmem>> -> memref<1x64x128xf32, #tpu.memory_space<vmem>>
        %dma_wait3A_274 = tpu.memref_squeeze %dma_wait3A_273 : memref<1x64x128xf32, #tpu.memory_space<vmem>> -> memref<64x128xf32, #tpu.memory_space<vmem>>
        %dma_wait3A_275 = arith.constant 0 : i32
        %dma_wait3A_276 = tpu.memref_slice %arg7[%mul3A_152, %run_scoped3A_200, %dma_wait3A_275] : memref<120x2x64xi32, #tpu.memory_space<vmem>> -> memref<1x1x64xi32, #tpu.memory_space<vmem>>
        %dma_wait3A_277 = tpu.memref_squeeze %dma_wait3A_276 : memref<1x1x64xi32, #tpu.memory_space<vmem>> -> memref<64xi32, #tpu.memory_space<vmem>>
        %dma_wait3A_278 = arith.constant 0 : i32
        %dma_wait3A_279 = arith.constant 0 : i32
        %dma_wait3A_280 = tpu.memref_slice %arg6[%dma_wait3A_278, %dma_wait3A_279] : memref<10112x128xf32, #tpu.memory_space<vmem_shared>> -> memref<10112x128xf32, #tpu.memory_space<vmem_shared>>
        tpu.wait_indirect_dma semaphore(%run_scoped3A_260 : memref<!tpu.dma_semaphore, #tpu.memory_space<semaphore_mem>>) src(%dma_wait3A_274 : memref<64x128xf32, #tpu.memory_space<vmem>>) dst(%dma_wait3A_280 : memref<10112x128xf32, #tpu.memory_space<vmem_shared>>)
        tpu.yield
      }) : () -> ()
      %mul3A_201 = arith.constant 2 : i32
      %mul3A_202 = arith.muli %mul3A_201, %while3A_98 : i32
      %add3A_203 = arith.constant 2 : i32
      %add3A_204 = arith.addi %mul3A_202, %add3A_203 : i32
      %lt3A = arith.cmpi slt, %add3A_204, %select_n3A_8 : i32
      %convert_element_type3A = arith.extui %lt3A : i1 to i32
      %cond3A = arith.constant 0 : i32
      %cond3A_205 = arith.cmpi ne, %convert_element_type3A, %cond3A : i32
      scf.if %cond3A_205 {
        %mul3A_260 = arith.constant 2 : i32
        %mul3A_261 = arith.muli %mul3A_260, %while3A_98 : i32
        %add3A_262 = arith.constant 2 : i32
        %add3A_263 = arith.addi %mul3A_261, %add3A_262 : i32
        %dma_start3A_264 = arith.constant 0 : i32
        %dma_start3A_265 = arith.constant 0 : i32
        %dma_start3A_266 = arith.constant 0 : i32
        %dma_start3A_267 = arith.constant 0 : i32
        %dma_start3A_268 = tpu.memref_slice %arg8[%dma_start3A_265, %dma_start3A_266, %dma_start3A_267] : memref<2x64x128xf32, #tpu.memory_space<vmem>> -> memref<1x16x128xf32, #tpu.memory_space<vmem>>
        %dma_start3A_269 = tpu.memref_squeeze %dma_start3A_268 : memref<1x16x128xf32, #tpu.memory_space<vmem>> -> memref<16x128xf32, #tpu.memory_space<vmem>>
        %dma_start3A_270 = arith.constant 0 : i32
        %dma_start3A_271 = tpu.memref_slice %arg7[%add3A_263, %dma_start3A_264, %dma_start3A_270] : memref<120x2x64xi32, #tpu.memory_space<vmem>> -> memref<1x1x16xi32, #tpu.memory_space<vmem>>
        %dma_start3A_272 = tpu.memref_squeeze %dma_start3A_271 : memref<1x1x16xi32, #tpu.memory_space<vmem>> -> memref<16xi32, #tpu.memory_space<vmem>>
        %dma_start3A_273 = arith.constant 0 : i32
        %dma_start3A_274 = arith.constant 0 : i32
        %dma_start3A_275 = tpu.memref_slice %arg2[%dma_start3A_273, %dma_start3A_274] : memref<50560x128xf32, #tpu.memory_space<hbm>> -> memref<50560x128xf32, #tpu.memory_space<hbm>>
        tpu.enqueue_indirect_dma source(%dma_start3A_275 : memref<50560x128xf32, #tpu.memory_space<hbm>>) target(%dma_start3A_269 : memref<16x128xf32, #tpu.memory_space<vmem>>) offsets(%dma_start3A_272 : memref<16xi32, #tpu.memory_space<vmem>>) semaphore(%arg10 : memref<!tpu.dma_semaphore, #tpu.memory_space<semaphore_mem>>)
        %dma_start3A_276 = arith.constant 0 : i32
        %dma_start3A_277 = arith.constant 0 : i32
        %dma_start3A_278 = arith.constant 16 : i32
        %dma_start3A_279 = arith.constant 0 : i32
        %dma_start3A_280 = tpu.memref_slice %arg8[%dma_start3A_277, %dma_start3A_278, %dma_start3A_279] : memref<2x64x128xf32, #tpu.memory_space<vmem>> -> memref<1x16x128xf32, #tpu.memory_space<vmem>>
        %dma_start3A_281 = tpu.memref_squeeze %dma_start3A_280 : memref<1x16x128xf32, #tpu.memory_space<vmem>> -> memref<16x128xf32, #tpu.memory_space<vmem>>
        %dma_start3A_282 = arith.constant 16 : i32
        %dma_start3A_283 = tpu.memref_slice %arg7[%add3A_263, %dma_start3A_276, %dma_start3A_282] : memref<120x2x64xi32, #tpu.memory_space<vmem>> -> memref<1x1x16xi32, #tpu.memory_space<vmem>>
        %dma_start3A_284 = tpu.memref_squeeze %dma_start3A_283 : memref<1x1x16xi32, #tpu.memory_space<vmem>> -> memref<16xi32, #tpu.memory_space<vmem>>
        %dma_start3A_285 = arith.constant 0 : i32
        %dma_start3A_286 = arith.constant 0 : i32
        %dma_start3A_287 = tpu.memref_slice %arg2[%dma_start3A_285, %dma_start3A_286] : memref<50560x128xf32, #tpu.memory_space<hbm>> -> memref<50560x128xf32, #tpu.memory_space<hbm>>
        tpu.enqueue_indirect_dma source(%dma_start3A_287 : memref<50560x128xf32, #tpu.memory_space<hbm>>) target(%dma_start3A_281 : memref<16x128xf32, #tpu.memory_space<vmem>>) offsets(%dma_start3A_284 : memref<16xi32, #tpu.memory_space<vmem>>) semaphore(%arg11 : memref<!tpu.dma_semaphore, #tpu.memory_space<semaphore_mem>>)
        %dma_start3A_288 = arith.constant 0 : i32
        %dma_start3A_289 = arith.constant 0 : i32
        %dma_start3A_290 = arith.constant 32 : i32
        %dma_start3A_291 = arith.constant 0 : i32
        %dma_start3A_292 = tpu.memref_slice %arg8[%dma_start3A_289, %dma_start3A_290, %dma_start3A_291] : memref<2x64x128xf32, #tpu.memory_space<vmem>> -> memref<1x16x128xf32, #tpu.memory_space<vmem>>
        %dma_start3A_293 = tpu.memref_squeeze %dma_start3A_292 : memref<1x16x128xf32, #tpu.memory_space<vmem>> -> memref<16x128xf32, #tpu.memory_space<vmem>>
        %dma_start3A_294 = arith.constant 32 : i32
        %dma_start3A_295 = tpu.memref_slice %arg7[%add3A_263, %dma_start3A_288, %dma_start3A_294] : memref<120x2x64xi32, #tpu.memory_space<vmem>> -> memref<1x1x16xi32, #tpu.memory_space<vmem>>
        %dma_start3A_296 = tpu.memref_squeeze %dma_start3A_295 : memref<1x1x16xi32, #tpu.memory_space<vmem>> -> memref<16xi32, #tpu.memory_space<vmem>>
        %dma_start3A_297 = arith.constant 0 : i32
        %dma_start3A_298 = arith.constant 0 : i32
        %dma_start3A_299 = tpu.memref_slice %arg2[%dma_start3A_297, %dma_start3A_298] : memref<50560x128xf32, #tpu.memory_space<hbm>> -> memref<50560x128xf32, #tpu.memory_space<hbm>>
        tpu.enqueue_indirect_dma source(%dma_start3A_299 : memref<50560x128xf32, #tpu.memory_space<hbm>>) target(%dma_start3A_293 : memref<16x128xf32, #tpu.memory_space<vmem>>) offsets(%dma_start3A_296 : memref<16xi32, #tpu.memory_space<vmem>>) semaphore(%arg12 : memref<!tpu.dma_semaphore, #tpu.memory_space<semaphore_mem>>)
        %dma_start3A_300 = arith.constant 0 : i32
        %dma_start3A_301 = arith.constant 0 : i32
        %dma_start3A_302 = arith.constant 48 : i32
        %dma_start3A_303 = arith.constant 0 : i32
        %dma_start3A_304 = tpu.memref_slice %arg8[%dma_start3A_301, %dma_start3A_302, %dma_start3A_303] : memref<2x64x128xf32, #tpu.memory_space<vmem>> -> memref<1x16x128xf32, #tpu.memory_space<vmem>>
        %dma_start3A_305 = tpu.memref_squeeze %dma_start3A_304 : memref<1x16x128xf32, #tpu.memory_space<vmem>> -> memref<16x128xf32, #tpu.memory_space<vmem>>
        %dma_start3A_306 = arith.constant 48 : i32
        %dma_start3A_307 = tpu.memref_slice %arg7[%add3A_263, %dma_start3A_300, %dma_start3A_306] : memref<120x2x64xi32, #tpu.memory_space<vmem>> -> memref<1x1x16xi32, #tpu.memory_space<vmem>>
        %dma_start3A_308 = tpu.memref_squeeze %dma_start3A_307 : memref<1x1x16xi32, #tpu.memory_space<vmem>> -> memref<16xi32, #tpu.memory_space<vmem>>
        %dma_start3A_309 = arith.constant 0 : i32
        %dma_start3A_310 = arith.constant 0 : i32
        %dma_start3A_311 = tpu.memref_slice %arg2[%dma_start3A_309, %dma_start3A_310] : memref<50560x128xf32, #tpu.memory_space<hbm>> -> memref<50560x128xf32, #tpu.memory_space<hbm>>
        tpu.enqueue_indirect_dma source(%dma_start3A_311 : memref<50560x128xf32, #tpu.memory_space<hbm>>) target(%dma_start3A_305 : memref<16x128xf32, #tpu.memory_space<vmem>>) offsets(%dma_start3A_308 : memref<16xi32, #tpu.memory_space<vmem>>) semaphore(%arg13 : memref<!tpu.dma_semaphore, #tpu.memory_space<semaphore_mem>>)
      } else {
      }
      %mul3A_206 = arith.constant 2 : i32
      %mul3A_207 = arith.muli %mul3A_206, %while3A_98 : i32
      %add3A_208 = arith.constant 1 : i32
      %add3A_209 = arith.addi %mul3A_207, %add3A_208 : i32
      %dma_wait3A_210 = arith.constant 0 : i32
      %dma_wait3A_211 = arith.constant 1 : i32
      %dma_wait3A_212 = arith.constant 0 : i32
      %dma_wait3A_213 = arith.constant 0 : i32
      %dma_wait3A_214 = tpu.memref_slice %arg8[%dma_wait3A_211, %dma_wait3A_212, %dma_wait3A_213] : memref<2x64x128xf32, #tpu.memory_space<vmem>> -> memref<1x16x128xf32, #tpu.memory_space<vmem>>
      %dma_wait3A_215 = tpu.memref_squeeze %dma_wait3A_214 : memref<1x16x128xf32, #tpu.memory_space<vmem>> -> memref<16x128xf32, #tpu.memory_space<vmem>>
      %dma_wait3A_216 = arith.constant 0 : i32
      %dma_wait3A_217 = tpu.memref_slice %arg7[%add3A_209, %dma_wait3A_210, %dma_wait3A_216] : memref<120x2x64xi32, #tpu.memory_space<vmem>> -> memref<1x1x16xi32, #tpu.memory_space<vmem>>
      %dma_wait3A_218 = tpu.memref_squeeze %dma_wait3A_217 : memref<1x1x16xi32, #tpu.memory_space<vmem>> -> memref<16xi32, #tpu.memory_space<vmem>>
      %dma_wait3A_219 = arith.constant 0 : i32
      %dma_wait3A_220 = arith.constant 0 : i32
      %dma_wait3A_221 = tpu.memref_slice %arg2[%dma_wait3A_219, %dma_wait3A_220] : memref<50560x128xf32, #tpu.memory_space<hbm>> -> memref<50560x128xf32, #tpu.memory_space<hbm>>
      tpu.wait_indirect_dma semaphore(%arg14 : memref<!tpu.dma_semaphore, #tpu.memory_space<semaphore_mem>>) src(%dma_wait3A_221 : memref<50560x128xf32, #tpu.memory_space<hbm>>) dst(%dma_wait3A_215 : memref<16x128xf32, #tpu.memory_space<vmem>>)
      %dma_wait3A_222 = arith.constant 0 : i32
      %dma_wait3A_223 = arith.constant 1 : i32
      %dma_wait3A_224 = arith.constant 16 : i32
      %dma_wait3A_225 = arith.constant 0 : i32
      %dma_wait3A_226 = tpu.memref_slice %arg8[%dma_wait3A_223, %dma_wait3A_224, %dma_wait3A_225] : memref<2x64x128xf32, #tpu.memory_space<vmem>> -> memref<1x16x128xf32, #tpu.memory_space<vmem>>
      %dma_wait3A_227 = tpu.memref_squeeze %dma_wait3A_226 : memref<1x16x128xf32, #tpu.memory_space<vmem>> -> memref<16x128xf32, #tpu.memory_space<vmem>>
      %dma_wait3A_228 = arith.constant 16 : i32
      %dma_wait3A_229 = tpu.memref_slice %arg7[%add3A_209, %dma_wait3A_222, %dma_wait3A_228] : memref<120x2x64xi32, #tpu.memory_space<vmem>> -> memref<1x1x16xi32, #tpu.memory_space<vmem>>
      %dma_wait3A_230 = tpu.memref_squeeze %dma_wait3A_229 : memref<1x1x16xi32, #tpu.memory_space<vmem>> -> memref<16xi32, #tpu.memory_space<vmem>>
      %dma_wait3A_231 = arith.constant 0 : i32
      %dma_wait3A_232 = arith.constant 0 : i32
      %dma_wait3A_233 = tpu.memref_slice %arg2[%dma_wait3A_231, %dma_wait3A_232] : memref<50560x128xf32, #tpu.memory_space<hbm>> -> memref<50560x128xf32, #tpu.memory_space<hbm>>
      tpu.wait_indirect_dma semaphore(%arg15 : memref<!tpu.dma_semaphore, #tpu.memory_space<semaphore_mem>>) src(%dma_wait3A_233 : memref<50560x128xf32, #tpu.memory_space<hbm>>) dst(%dma_wait3A_227 : memref<16x128xf32, #tpu.memory_space<vmem>>)
      %dma_wait3A_234 = arith.constant 0 : i32
      %dma_wait3A_235 = arith.constant 1 : i32
      %dma_wait3A_236 = arith.constant 32 : i32
      %dma_wait3A_237 = arith.constant 0 : i32
      %dma_wait3A_238 = tpu.memref_slice %arg8[%dma_wait3A_235, %dma_wait3A_236, %dma_wait3A_237] : memref<2x64x128xf32, #tpu.memory_space<vmem>> -> memref<1x16x128xf32, #tpu.memory_space<vmem>>
      %dma_wait3A_239 = tpu.memref_squeeze %dma_wait3A_238 : memref<1x16x128xf32, #tpu.memory_space<vmem>> -> memref<16x128xf32, #tpu.memory_space<vmem>>
      %dma_wait3A_240 = arith.constant 32 : i32
      %dma_wait3A_241 = tpu.memref_slice %arg7[%add3A_209, %dma_wait3A_234, %dma_wait3A_240] : memref<120x2x64xi32, #tpu.memory_space<vmem>> -> memref<1x1x16xi32, #tpu.memory_space<vmem>>
      %dma_wait3A_242 = tpu.memref_squeeze %dma_wait3A_241 : memref<1x1x16xi32, #tpu.memory_space<vmem>> -> memref<16xi32, #tpu.memory_space<vmem>>
      %dma_wait3A_243 = arith.constant 0 : i32
      %dma_wait3A_244 = arith.constant 0 : i32
      %dma_wait3A_245 = tpu.memref_slice %arg2[%dma_wait3A_243, %dma_wait3A_244] : memref<50560x128xf32, #tpu.memory_space<hbm>> -> memref<50560x128xf32, #tpu.memory_space<hbm>>
      tpu.wait_indirect_dma semaphore(%arg16 : memref<!tpu.dma_semaphore, #tpu.memory_space<semaphore_mem>>) src(%dma_wait3A_245 : memref<50560x128xf32, #tpu.memory_space<hbm>>) dst(%dma_wait3A_239 : memref<16x128xf32, #tpu.memory_space<vmem>>)
      %dma_wait3A_246 = arith.constant 0 : i32
      %dma_wait3A_247 = arith.constant 1 : i32
      %dma_wait3A_248 = arith.constant 48 : i32
      %dma_wait3A_249 = arith.constant 0 : i32
      %dma_wait3A_250 = tpu.memref_slice %arg8[%dma_wait3A_247, %dma_wait3A_248, %dma_wait3A_249] : memref<2x64x128xf32, #tpu.memory_space<vmem>> -> memref<1x16x128xf32, #tpu.memory_space<vmem>>
      %dma_wait3A_251 = tpu.memref_squeeze %dma_wait3A_250 : memref<1x16x128xf32, #tpu.memory_space<vmem>> -> memref<16x128xf32, #tpu.memory_space<vmem>>
      %dma_wait3A_252 = arith.constant 48 : i32
      %dma_wait3A_253 = tpu.memref_slice %arg7[%add3A_209, %dma_wait3A_246, %dma_wait3A_252] : memref<120x2x64xi32, #tpu.memory_space<vmem>> -> memref<1x1x16xi32, #tpu.memory_space<vmem>>
      %dma_wait3A_254 = tpu.memref_squeeze %dma_wait3A_253 : memref<1x1x16xi32, #tpu.memory_space<vmem>> -> memref<16xi32, #tpu.memory_space<vmem>>
      %dma_wait3A_255 = arith.constant 0 : i32
      %dma_wait3A_256 = arith.constant 0 : i32
      %dma_wait3A_257 = tpu.memref_slice %arg2[%dma_wait3A_255, %dma_wait3A_256] : memref<50560x128xf32, #tpu.memory_space<hbm>> -> memref<50560x128xf32, #tpu.memory_space<hbm>>
      tpu.wait_indirect_dma semaphore(%arg17 : memref<!tpu.dma_semaphore, #tpu.memory_space<semaphore_mem>>) src(%dma_wait3A_257 : memref<50560x128xf32, #tpu.memory_space<hbm>>) dst(%dma_wait3A_251 : memref<16x128xf32, #tpu.memory_space<vmem>>)
      %run_scoped3A_258 = arith.constant 1 : i32
      %run_scoped3A_259 = arith.constant 1 : i32
      "tpu.region"() ({
        %run_scoped3A_260 = tpu.sem_alloc : memref<!tpu.dma_semaphore, #tpu.memory_space<semaphore_mem>>
        %dma_start3A_261 = arith.constant 0 : i32
        %dma_start3A_262 = arith.constant 0 : i32
        %dma_start3A_263 = tpu.memref_slice %arg8[%run_scoped3A_258, %dma_start3A_261, %dma_start3A_262] : memref<2x64x128xf32, #tpu.memory_space<vmem>> -> memref<1x64x128xf32, #tpu.memory_space<vmem>>
        %dma_start3A_264 = tpu.memref_squeeze %dma_start3A_263 : memref<1x64x128xf32, #tpu.memory_space<vmem>> -> memref<64x128xf32, #tpu.memory_space<vmem>>
        %dma_start3A_265 = arith.constant 0 : i32
        %dma_start3A_266 = tpu.memref_slice %arg7[%add3A_209, %run_scoped3A_259, %dma_start3A_265] : memref<120x2x64xi32, #tpu.memory_space<vmem>> -> memref<1x1x64xi32, #tpu.memory_space<vmem>>
        %dma_start3A_267 = tpu.memref_squeeze %dma_start3A_266 : memref<1x1x64xi32, #tpu.memory_space<vmem>> -> memref<64xi32, #tpu.memory_space<vmem>>
        %dma_start3A_268 = arith.constant 0 : i32
        %dma_start3A_269 = arith.constant 0 : i32
        %dma_start3A_270 = tpu.memref_slice %arg6[%dma_start3A_268, %dma_start3A_269] : memref<10112x128xf32, #tpu.memory_space<vmem_shared>> -> memref<10112x128xf32, #tpu.memory_space<vmem_shared>>
        tpu.enqueue_indirect_dma source(%dma_start3A_264 : memref<64x128xf32, #tpu.memory_space<vmem>>) target(%dma_start3A_270 : memref<10112x128xf32, #tpu.memory_space<vmem_shared>>) offsets(%dma_start3A_267 : memref<64xi32, #tpu.memory_space<vmem>>) semaphore(%run_scoped3A_260 : memref<!tpu.dma_semaphore, #tpu.memory_space<semaphore_mem>>) {add = true}
        %dma_wait3A_271 = arith.constant 0 : i32
        %dma_wait3A_272 = arith.constant 0 : i32
        %dma_wait3A_273 = tpu.memref_slice %arg8[%run_scoped3A_258, %dma_wait3A_271, %dma_wait3A_272] : memref<2x64x128xf32, #tpu.memory_space<vmem>> -> memref<1x64x128xf32, #tpu.memory_space<vmem>>
        %dma_wait3A_274 = tpu.memref_squeeze %dma_wait3A_273 : memref<1x64x128xf32, #tpu.memory_space<vmem>> -> memref<64x128xf32, #tpu.memory_space<vmem>>
        %dma_wait3A_275 = arith.constant 0 : i32
        %dma_wait3A_276 = tpu.memref_slice %arg7[%add3A_209, %run_scoped3A_259, %dma_wait3A_275] : memref<120x2x64xi32, #tpu.memory_space<vmem>> -> memref<1x1x64xi32, #tpu.memory_space<vmem>>
        %dma_wait3A_277 = tpu.memref_squeeze %dma_wait3A_276 : memref<1x1x64xi32, #tpu.memory_space<vmem>> -> memref<64xi32, #tpu.memory_space<vmem>>
        %dma_wait3A_278 = arith.constant 0 : i32
        %dma_wait3A_279 = arith.constant 0 : i32
        %dma_wait3A_280 = tpu.memref_slice %arg6[%dma_wait3A_278, %dma_wait3A_279] : memref<10112x128xf32, #tpu.memory_space<vmem_shared>> -> memref<10112x128xf32, #tpu.memory_space<vmem_shared>>
        tpu.wait_indirect_dma semaphore(%run_scoped3A_260 : memref<!tpu.dma_semaphore, #tpu.memory_space<semaphore_mem>>) src(%dma_wait3A_274 : memref<64x128xf32, #tpu.memory_space<vmem>>) dst(%dma_wait3A_280 : memref<10112x128xf32, #tpu.memory_space<vmem_shared>>)
        tpu.yield
      }) : () -> ()
    }
    %while3A_93 = arith.constant 1 : i32
    scf.for %while3A_98 = %while3A_91 to %while3A_87 step %while3A_93  : i32 {
      %mul3A_99 = arith.constant 2 : i32
      %mul3A_100 = arith.muli %mul3A_99, %while3A_98 : i32
      %add3A_101 = arith.constant 1 : i32
      %add3A_102 = arith.addi %mul3A_100, %add3A_101 : i32
      %dma_start3A_103 = arith.constant 0 : i32
      %dma_start3A_104 = arith.constant 1 : i32
      %dma_start3A_105 = arith.constant 0 : i32
      %dma_start3A_106 = arith.constant 0 : i32
      %dma_start3A_107 = tpu.memref_slice %arg8[%dma_start3A_104, %dma_start3A_105, %dma_start3A_106] : memref<2x64x128xf32, #tpu.memory_space<vmem>> -> memref<1x16x128xf32, #tpu.memory_space<vmem>>
      %dma_start3A_108 = tpu.memref_squeeze %dma_start3A_107 : memref<1x16x128xf32, #tpu.memory_space<vmem>> -> memref<16x128xf32, #tpu.memory_space<vmem>>
      %dma_start3A_109 = arith.constant 0 : i32
      %dma_start3A_110 = tpu.memref_slice %arg7[%add3A_102, %dma_start3A_103, %dma_start3A_109] : memref<120x2x64xi32, #tpu.memory_space<vmem>> -> memref<1x1x16xi32, #tpu.memory_space<vmem>>
      %dma_start3A_111 = tpu.memref_squeeze %dma_start3A_110 : memref<1x1x16xi32, #tpu.memory_space<vmem>> -> memref<16xi32, #tpu.memory_space<vmem>>
      %dma_start3A_112 = arith.constant 0 : i32
      %dma_start3A_113 = arith.constant 0 : i32
      %dma_start3A_114 = tpu.memref_slice %arg2[%dma_start3A_112, %dma_start3A_113] : memref<50560x128xf32, #tpu.memory_space<hbm>> -> memref<50560x128xf32, #tpu.memory_space<hbm>>
      tpu.enqueue_indirect_dma source(%dma_start3A_114 : memref<50560x128xf32, #tpu.memory_space<hbm>>) target(%dma_start3A_108 : memref<16x128xf32, #tpu.memory_space<vmem>>) offsets(%dma_start3A_111 : memref<16xi32, #tpu.memory_space<vmem>>) semaphore(%arg14 : memref<!tpu.dma_semaphore, #tpu.memory_space<semaphore_mem>>)
      %dma_start3A_115 = arith.constant 0 : i32
      %dma_start3A_116 = arith.constant 1 : i32
      %dma_start3A_117 = arith.constant 16 : i32
      %dma_start3A_118 = arith.constant 0 : i32
      %dma_start3A_119 = tpu.memref_slice %arg8[%dma_start3A_116, %dma_start3A_117, %dma_start3A_118] : memref<2x64x128xf32, #tpu.memory_space<vmem>> -> memref<1x16x128xf32, #tpu.memory_space<vmem>>
      %dma_start3A_120 = tpu.memref_squeeze %dma_start3A_119 : memref<1x16x128xf32, #tpu.memory_space<vmem>> -> memref<16x128xf32, #tpu.memory_space<vmem>>
      %dma_start3A_121 = arith.constant 16 : i32
      %dma_start3A_122 = tpu.memref_slice %arg7[%add3A_102, %dma_start3A_115, %dma_start3A_121] : memref<120x2x64xi32, #tpu.memory_space<vmem>> -> memref<1x1x16xi32, #tpu.memory_space<vmem>>
      %dma_start3A_123 = tpu.memref_squeeze %dma_start3A_122 : memref<1x1x16xi32, #tpu.memory_space<vmem>> -> memref<16xi32, #tpu.memory_space<vmem>>
      %dma_start3A_124 = arith.constant 0 : i32
      %dma_start3A_125 = arith.constant 0 : i32
      %dma_start3A_126 = tpu.memref_slice %arg2[%dma_start3A_124, %dma_start3A_125] : memref<50560x128xf32, #tpu.memory_space<hbm>> -> memref<50560x128xf32, #tpu.memory_space<hbm>>
      tpu.enqueue_indirect_dma source(%dma_start3A_126 : memref<50560x128xf32, #tpu.memory_space<hbm>>) target(%dma_start3A_120 : memref<16x128xf32, #tpu.memory_space<vmem>>) offsets(%dma_start3A_123 : memref<16xi32, #tpu.memory_space<vmem>>) semaphore(%arg15 : memref<!tpu.dma_semaphore, #tpu.memory_space<semaphore_mem>>)
      %dma_start3A_127 = arith.constant 0 : i32
      %dma_start3A_128 = arith.constant 1 : i32
      %dma_start3A_129 = arith.constant 32 : i32
      %dma_start3A_130 = arith.constant 0 : i32
      %dma_start3A_131 = tpu.memref_slice %arg8[%dma_start3A_128, %dma_start3A_129, %dma_start3A_130] : memref<2x64x128xf32, #tpu.memory_space<vmem>> -> memref<1x16x128xf32, #tpu.memory_space<vmem>>
      %dma_start3A_132 = tpu.memref_squeeze %dma_start3A_131 : memref<1x16x128xf32, #tpu.memory_space<vmem>> -> memref<16x128xf32, #tpu.memory_space<vmem>>
      %dma_start3A_133 = arith.constant 32 : i32
      %dma_start3A_134 = tpu.memref_slice %arg7[%add3A_102, %dma_start3A_127, %dma_start3A_133] : memref<120x2x64xi32, #tpu.memory_space<vmem>> -> memref<1x1x16xi32, #tpu.memory_space<vmem>>
      %dma_start3A_135 = tpu.memref_squeeze %dma_start3A_134 : memref<1x1x16xi32, #tpu.memory_space<vmem>> -> memref<16xi32, #tpu.memory_space<vmem>>
      %dma_start3A_136 = arith.constant 0 : i32
      %dma_start3A_137 = arith.constant 0 : i32
      %dma_start3A_138 = tpu.memref_slice %arg2[%dma_start3A_136, %dma_start3A_137] : memref<50560x128xf32, #tpu.memory_space<hbm>> -> memref<50560x128xf32, #tpu.memory_space<hbm>>
      tpu.enqueue_indirect_dma source(%dma_start3A_138 : memref<50560x128xf32, #tpu.memory_space<hbm>>) target(%dma_start3A_132 : memref<16x128xf32, #tpu.memory_space<vmem>>) offsets(%dma_start3A_135 : memref<16xi32, #tpu.memory_space<vmem>>) semaphore(%arg16 : memref<!tpu.dma_semaphore, #tpu.memory_space<semaphore_mem>>)
      %dma_start3A_139 = arith.constant 0 : i32
      %dma_start3A_140 = arith.constant 1 : i32
      %dma_start3A_141 = arith.constant 48 : i32
      %dma_start3A_142 = arith.constant 0 : i32
      %dma_start3A_143 = tpu.memref_slice %arg8[%dma_start3A_140, %dma_start3A_141, %dma_start3A_142] : memref<2x64x128xf32, #tpu.memory_space<vmem>> -> memref<1x16x128xf32, #tpu.memory_space<vmem>>
      %dma_start3A_144 = tpu.memref_squeeze %dma_start3A_143 : memref<1x16x128xf32, #tpu.memory_space<vmem>> -> memref<16x128xf32, #tpu.memory_space<vmem>>
      %dma_start3A_145 = arith.constant 48 : i32
      %dma_start3A_146 = tpu.memref_slice %arg7[%add3A_102, %dma_start3A_139, %dma_start3A_145] : memref<120x2x64xi32, #tpu.memory_space<vmem>> -> memref<1x1x16xi32, #tpu.memory_space<vmem>>
      %dma_start3A_147 = tpu.memref_squeeze %dma_start3A_146 : memref<1x1x16xi32, #tpu.memory_space<vmem>> -> memref<16xi32, #tpu.memory_space<vmem>>
      %dma_start3A_148 = arith.constant 0 : i32
      %dma_start3A_149 = arith.constant 0 : i32
      %dma_start3A_150 = tpu.memref_slice %arg2[%dma_start3A_148, %dma_start3A_149] : memref<50560x128xf32, #tpu.memory_space<hbm>> -> memref<50560x128xf32, #tpu.memory_space<hbm>>
      tpu.enqueue_indirect_dma source(%dma_start3A_150 : memref<50560x128xf32, #tpu.memory_space<hbm>>) target(%dma_start3A_144 : memref<16x128xf32, #tpu.memory_space<vmem>>) offsets(%dma_start3A_147 : memref<16xi32, #tpu.memory_space<vmem>>) semaphore(%arg17 : memref<!tpu.dma_semaphore, #tpu.memory_space<semaphore_mem>>)
      %mul3A_151 = arith.constant 2 : i32
      %mul3A_152 = arith.muli %mul3A_151, %while3A_98 : i32
      %dma_wait3A = arith.constant 0 : i32
      %dma_wait3A_153 = arith.constant 0 : i32
      %dma_wait3A_154 = arith.constant 0 : i32
      %dma_wait3A_155 = arith.constant 0 : i32
      %dma_wait3A_156 = tpu.memref_slice %arg8[%dma_wait3A_153, %dma_wait3A_154, %dma_wait3A_155] : memref<2x64x128xf32, #tpu.memory_space<vmem>> -> memref<1x16x128xf32, #tpu.memory_space<vmem>>
      %dma_wait3A_157 = tpu.memref_squeeze %dma_wait3A_156 : memref<1x16x128xf32, #tpu.memory_space<vmem>> -> memref<16x128xf32, #tpu.memory_space<vmem>>
      %dma_wait3A_158 = arith.constant 0 : i32
      %dma_wait3A_159 = tpu.memref_slice %arg7[%mul3A_152, %dma_wait3A, %dma_wait3A_158] : memref<120x2x64xi32, #tpu.memory_space<vmem>> -> memref<1x1x16xi32, #tpu.memory_space<vmem>>
      %dma_wait3A_160 = tpu.memref_squeeze %dma_wait3A_159 : memref<1x1x16xi32, #tpu.memory_space<vmem>> -> memref<16xi32, #tpu.memory_space<vmem>>
      %dma_wait3A_161 = arith.constant 0 : i32
      %dma_wait3A_162 = arith.constant 0 : i32
      %dma_wait3A_163 = tpu.memref_slice %arg2[%dma_wait3A_161, %dma_wait3A_162] : memref<50560x128xf32, #tpu.memory_space<hbm>> -> memref<50560x128xf32, #tpu.memory_space<hbm>>
      tpu.wait_indirect_dma semaphore(%arg10 : memref<!tpu.dma_semaphore, #tpu.memory_space<semaphore_mem>>) src(%dma_wait3A_163 : memref<50560x128xf32, #tpu.memory_space<hbm>>) dst(%dma_wait3A_157 : memref<16x128xf32, #tpu.memory_space<vmem>>)
      %dma_wait3A_164 = arith.constant 0 : i32
      %dma_wait3A_165 = arith.constant 0 : i32
      %dma_wait3A_166 = arith.constant 16 : i32
      %dma_wait3A_167 = arith.constant 0 : i32
      %dma_wait3A_168 = tpu.memref_slice %arg8[%dma_wait3A_165, %dma_wait3A_166, %dma_wait3A_167] : memref<2x64x128xf32, #tpu.memory_space<vmem>> -> memref<1x16x128xf32, #tpu.memory_space<vmem>>
      %dma_wait3A_169 = tpu.memref_squeeze %dma_wait3A_168 : memref<1x16x128xf32, #tpu.memory_space<vmem>> -> memref<16x128xf32, #tpu.memory_space<vmem>>
      %dma_wait3A_170 = arith.constant 16 : i32
      %dma_wait3A_171 = tpu.memref_slice %arg7[%mul3A_152, %dma_wait3A_164, %dma_wait3A_170] : memref<120x2x64xi32, #tpu.memory_space<vmem>> -> memref<1x1x16xi32, #tpu.memory_space<vmem>>
      %dma_wait3A_172 = tpu.memref_squeeze %dma_wait3A_171 : memref<1x1x16xi32, #tpu.memory_space<vmem>> -> memref<16xi32, #tpu.memory_space<vmem>>
      %dma_wait3A_173 = arith.constant 0 : i32
      %dma_wait3A_174 = arith.constant 0 : i32
      %dma_wait3A_175 = tpu.memref_slice %arg2[%dma_wait3A_173, %dma_wait3A_174] : memref<50560x128xf32, #tpu.memory_space<hbm>> -> memref<50560x128xf32, #tpu.memory_space<hbm>>
      tpu.wait_indirect_dma semaphore(%arg11 : memref<!tpu.dma_semaphore, #tpu.memory_space<semaphore_mem>>) src(%dma_wait3A_175 : memref<50560x128xf32, #tpu.memory_space<hbm>>) dst(%dma_wait3A_169 : memref<16x128xf32, #tpu.memory_space<vmem>>)
      %dma_wait3A_176 = arith.constant 0 : i32
      %dma_wait3A_177 = arith.constant 0 : i32
      %dma_wait3A_178 = arith.constant 32 : i32
      %dma_wait3A_179 = arith.constant 0 : i32
      %dma_wait3A_180 = tpu.memref_slice %arg8[%dma_wait3A_177, %dma_wait3A_178, %dma_wait3A_179] : memref<2x64x128xf32, #tpu.memory_space<vmem>> -> memref<1x16x128xf32, #tpu.memory_space<vmem>>
      %dma_wait3A_181 = tpu.memref_squeeze %dma_wait3A_180 : memref<1x16x128xf32, #tpu.memory_space<vmem>> -> memref<16x128xf32, #tpu.memory_space<vmem>>
      %dma_wait3A_182 = arith.constant 32 : i32
      %dma_wait3A_183 = tpu.memref_slice %arg7[%mul3A_152, %dma_wait3A_176, %dma_wait3A_182] : memref<120x2x64xi32, #tpu.memory_space<vmem>> -> memref<1x1x16xi32, #tpu.memory_space<vmem>>
      %dma_wait3A_184 = tpu.memref_squeeze %dma_wait3A_183 : memref<1x1x16xi32, #tpu.memory_space<vmem>> -> memref<16xi32, #tpu.memory_space<vmem>>
      %dma_wait3A_185 = arith.constant 0 : i32
      %dma_wait3A_186 = arith.constant 0 : i32
      %dma_wait3A_187 = tpu.memref_slice %arg2[%dma_wait3A_185, %dma_wait3A_186] : memref<50560x128xf32, #tpu.memory_space<hbm>> -> memref<50560x128xf32, #tpu.memory_space<hbm>>
      tpu.wait_indirect_dma semaphore(%arg12 : memref<!tpu.dma_semaphore, #tpu.memory_space<semaphore_mem>>) src(%dma_wait3A_187 : memref<50560x128xf32, #tpu.memory_space<hbm>>) dst(%dma_wait3A_181 : memref<16x128xf32, #tpu.memory_space<vmem>>)
      %dma_wait3A_188 = arith.constant 0 : i32
      %dma_wait3A_189 = arith.constant 0 : i32
      %dma_wait3A_190 = arith.constant 48 : i32
      %dma_wait3A_191 = arith.constant 0 : i32
      %dma_wait3A_192 = tpu.memref_slice %arg8[%dma_wait3A_189, %dma_wait3A_190, %dma_wait3A_191] : memref<2x64x128xf32, #tpu.memory_space<vmem>> -> memref<1x16x128xf32, #tpu.memory_space<vmem>>
      %dma_wait3A_193 = tpu.memref_squeeze %dma_wait3A_192 : memref<1x16x128xf32, #tpu.memory_space<vmem>> -> memref<16x128xf32, #tpu.memory_space<vmem>>
      %dma_wait3A_194 = arith.constant 48 : i32
      %dma_wait3A_195 = tpu.memref_slice %arg7[%mul3A_152, %dma_wait3A_188, %dma_wait3A_194] : memref<120x2x64xi32, #tpu.memory_space<vmem>> -> memref<1x1x16xi32, #tpu.memory_space<vmem>>
      %dma_wait3A_196 = tpu.memref_squeeze %dma_wait3A_195 : memref<1x1x16xi32, #tpu.memory_space<vmem>> -> memref<16xi32, #tpu.memory_space<vmem>>
      %dma_wait3A_197 = arith.constant 0 : i32
      %dma_wait3A_198 = arith.constant 0 : i32
      %dma_wait3A_199 = tpu.memref_slice %arg2[%dma_wait3A_197, %dma_wait3A_198] : memref<50560x128xf32, #tpu.memory_space<hbm>> -> memref<50560x128xf32, #tpu.memory_space<hbm>>
      tpu.wait_indirect_dma semaphore(%arg13 : memref<!tpu.dma_semaphore, #tpu.memory_space<semaphore_mem>>) src(%dma_wait3A_199 : memref<50560x128xf32, #tpu.memory_space<hbm>>) dst(%dma_wait3A_193 : memref<16x128xf32, #tpu.memory_space<vmem>>)
      %run_scoped3A = arith.constant 0 : i32
      %run_scoped3A_200 = arith.constant 1 : i32
      "tpu.region"() ({
        %run_scoped3A_260 = tpu.sem_alloc : memref<!tpu.dma_semaphore, #tpu.memory_space<semaphore_mem>>
        %dma_start3A_261 = arith.constant 0 : i32
        %dma_start3A_262 = arith.constant 0 : i32
        %dma_start3A_263 = tpu.memref_slice %arg8[%run_scoped3A, %dma_start3A_261, %dma_start3A_262] : memref<2x64x128xf32, #tpu.memory_space<vmem>> -> memref<1x64x128xf32, #tpu.memory_space<vmem>>
        %dma_start3A_264 = tpu.memref_squeeze %dma_start3A_263 : memref<1x64x128xf32, #tpu.memory_space<vmem>> -> memref<64x128xf32, #tpu.memory_space<vmem>>
        %dma_start3A_265 = arith.constant 0 : i32
        %dma_start3A_266 = tpu.memref_slice %arg7[%mul3A_152, %run_scoped3A_200, %dma_start3A_265] : memref<120x2x64xi32, #tpu.memory_space<vmem>> -> memref<1x1x64xi32, #tpu.memory_space<vmem>>
        %dma_start3A_267 = tpu.memref_squeeze %dma_start3A_266 : memref<1x1x64xi32, #tpu.memory_space<vmem>> -> memref<64xi32, #tpu.memory_space<vmem>>
        %dma_start3A_268 = arith.constant 0 : i32
        %dma_start3A_269 = arith.constant 0 : i32
        %dma_start3A_270 = tpu.memref_slice %arg6[%dma_start3A_268, %dma_start3A_269] : memref<10112x128xf32, #tpu.memory_space<vmem_shared>> -> memref<10112x128xf32, #tpu.memory_space<vmem_shared>>
        tpu.enqueue_indirect_dma source(%dma_start3A_264 : memref<64x128xf32, #tpu.memory_space<vmem>>) target(%dma_start3A_270 : memref<10112x128xf32, #tpu.memory_space<vmem_shared>>) offsets(%dma_start3A_267 : memref<64xi32, #tpu.memory_space<vmem>>) semaphore(%run_scoped3A_260 : memref<!tpu.dma_semaphore, #tpu.memory_space<semaphore_mem>>) {add = true}
        %dma_wait3A_271 = arith.constant 0 : i32
        %dma_wait3A_272 = arith.constant 0 : i32
        %dma_wait3A_273 = tpu.memref_slice %arg8[%run_scoped3A, %dma_wait3A_271, %dma_wait3A_272] : memref<2x64x128xf32, #tpu.memory_space<vmem>> -> memref<1x64x128xf32, #tpu.memory_space<vmem>>
        %dma_wait3A_274 = tpu.memref_squeeze %dma_wait3A_273 : memref<1x64x128xf32, #tpu.memory_space<vmem>> -> memref<64x128xf32, #tpu.memory_space<vmem>>
        %dma_wait3A_275 = arith.constant 0 : i32
        %dma_wait3A_276 = tpu.memref_slice %arg7[%mul3A_152, %run_scoped3A_200, %dma_wait3A_275] : memref<120x2x64xi32, #tpu.memory_space<vmem>> -> memref<1x1x64xi32, #tpu.memory_space<vmem>>
        %dma_wait3A_277 = tpu.memref_squeeze %dma_wait3A_276 : memref<1x1x64xi32, #tpu.memory_space<vmem>> -> memref<64xi32, #tpu.memory_space<vmem>>
        %dma_wait3A_278 = arith.constant 0 : i32
        %dma_wait3A_279 = arith.constant 0 : i32
        %dma_wait3A_280 = tpu.memref_slice %arg6[%dma_wait3A_278, %dma_wait3A_279] : memref<10112x128xf32, #tpu.memory_space<vmem_shared>> -> memref<10112x128xf32, #tpu.memory_space<vmem_shared>>
        tpu.wait_indirect_dma semaphore(%run_scoped3A_260 : memref<!tpu.dma_semaphore, #tpu.memory_space<semaphore_mem>>) src(%dma_wait3A_274 : memref<64x128xf32, #tpu.memory_space<vmem>>) dst(%dma_wait3A_280 : memref<10112x128xf32, #tpu.memory_space<vmem_shared>>)
        tpu.yield
      }) : () -> ()
      %mul3A_201 = arith.constant 2 : i32
      %mul3A_202 = arith.muli %mul3A_201, %while3A_98 : i32
      %add3A_203 = arith.constant 2 : i32
      %add3A_204 = arith.addi %mul3A_202, %add3A_203 : i32
      %lt3A = arith.cmpi slt, %add3A_204, %select_n3A_8 : i32
      %convert_element_type3A = arith.extui %lt3A : i1 to i32
      %cond3A = arith.constant 0 : i32
      %cond3A_205 = arith.cmpi ne, %convert_element_type3A, %cond3A : i32
      scf.if %cond3A_205 {
        %mul3A_260 = arith.constant 2 : i32
        %mul3A_261 = arith.muli %mul3A_260, %while3A_98 : i32
        %add3A_262 = arith.constant 2 : i32
        %add3A_263 = arith.addi %mul3A_261, %add3A_262 : i32
        %dma_start3A_264 = arith.constant 0 : i32
        %dma_start3A_265 = arith.constant 0 : i32
        %dma_start3A_266 = arith.constant 0 : i32
        %dma_start3A_267 = arith.constant 0 : i32
        %dma_start3A_268 = tpu.memref_slice %arg8[%dma_start3A_265, %dma_start3A_266, %dma_start3A_267] : memref<2x64x128xf32, #tpu.memory_space<vmem>> -> memref<1x16x128xf32, #tpu.memory_space<vmem>>
        %dma_start3A_269 = tpu.memref_squeeze %dma_start3A_268 : memref<1x16x128xf32, #tpu.memory_space<vmem>> -> memref<16x128xf32, #tpu.memory_space<vmem>>
        %dma_start3A_270 = arith.constant 0 : i32
        %dma_start3A_271 = tpu.memref_slice %arg7[%add3A_263, %dma_start3A_264, %dma_start3A_270] : memref<120x2x64xi32, #tpu.memory_space<vmem>> -> memref<1x1x16xi32, #tpu.memory_space<vmem>>
        %dma_start3A_272 = tpu.memref_squeeze %dma_start3A_271 : memref<1x1x16xi32, #tpu.memory_space<vmem>> -> memref<16xi32, #tpu.memory_space<vmem>>
        %dma_start3A_273 = arith.constant 0 : i32
        %dma_start3A_274 = arith.constant 0 : i32
        %dma_start3A_275 = tpu.memref_slice %arg2[%dma_start3A_273, %dma_start3A_274] : memref<50560x128xf32, #tpu.memory_space<hbm>> -> memref<50560x128xf32, #tpu.memory_space<hbm>>
        tpu.enqueue_indirect_dma source(%dma_start3A_275 : memref<50560x128xf32, #tpu.memory_space<hbm>>) target(%dma_start3A_269 : memref<16x128xf32, #tpu.memory_space<vmem>>) offsets(%dma_start3A_272 : memref<16xi32, #tpu.memory_space<vmem>>) semaphore(%arg10 : memref<!tpu.dma_semaphore, #tpu.memory_space<semaphore_mem>>)
        %dma_start3A_276 = arith.constant 0 : i32
        %dma_start3A_277 = arith.constant 0 : i32
        %dma_start3A_278 = arith.constant 16 : i32
        %dma_start3A_279 = arith.constant 0 : i32
        %dma_start3A_280 = tpu.memref_slice %arg8[%dma_start3A_277, %dma_start3A_278, %dma_start3A_279] : memref<2x64x128xf32, #tpu.memory_space<vmem>> -> memref<1x16x128xf32, #tpu.memory_space<vmem>>
        %dma_start3A_281 = tpu.memref_squeeze %dma_start3A_280 : memref<1x16x128xf32, #tpu.memory_space<vmem>> -> memref<16x128xf32, #tpu.memory_space<vmem>>
        %dma_start3A_282 = arith.constant 16 : i32
        %dma_start3A_283 = tpu.memref_slice %arg7[%add3A_263, %dma_start3A_276, %dma_start3A_282] : memref<120x2x64xi32, #tpu.memory_space<vmem>> -> memref<1x1x16xi32, #tpu.memory_space<vmem>>
        %dma_start3A_284 = tpu.memref_squeeze %dma_start3A_283 : memref<1x1x16xi32, #tpu.memory_space<vmem>> -> memref<16xi32, #tpu.memory_space<vmem>>
        %dma_start3A_285 = arith.constant 0 : i32
        %dma_start3A_286 = arith.constant 0 : i32
        %dma_start3A_287 = tpu.memref_slice %arg2[%dma_start3A_285, %dma_start3A_286] : memref<50560x128xf32, #tpu.memory_space<hbm>> -> memref<50560x128xf32, #tpu.memory_space<hbm>>
        tpu.enqueue_indirect_dma source(%dma_start3A_287 : memref<50560x128xf32, #tpu.memory_space<hbm>>) target(%dma_start3A_281 : memref<16x128xf32, #tpu.memory_space<vmem>>) offsets(%dma_start3A_284 : memref<16xi32, #tpu.memory_space<vmem>>) semaphore(%arg11 : memref<!tpu.dma_semaphore, #tpu.memory_space<semaphore_mem>>)
        %dma_start3A_288 = arith.constant 0 : i32
        %dma_start3A_289 = arith.constant 0 : i32
        %dma_start3A_290 = arith.constant 32 : i32
        %dma_start3A_291 = arith.constant 0 : i32
        %dma_start3A_292 = tpu.memref_slice %arg8[%dma_start3A_289, %dma_start3A_290, %dma_start3A_291] : memref<2x64x128xf32, #tpu.memory_space<vmem>> -> memref<1x16x128xf32, #tpu.memory_space<vmem>>
        %dma_start3A_293 = tpu.memref_squeeze %dma_start3A_292 : memref<1x16x128xf32, #tpu.memory_space<vmem>> -> memref<16x128xf32, #tpu.memory_space<vmem>>
        %dma_start3A_294 = arith.constant 32 : i32
        %dma_start3A_295 = tpu.memref_slice %arg7[%add3A_263, %dma_start3A_288, %dma_start3A_294] : memref<120x2x64xi32, #tpu.memory_space<vmem>> -> memref<1x1x16xi32, #tpu.memory_space<vmem>>
        %dma_start3A_296 = tpu.memref_squeeze %dma_start3A_295 : memref<1x1x16xi32, #tpu.memory_space<vmem>> -> memref<16xi32, #tpu.memory_space<vmem>>
        %dma_start3A_297 = arith.constant 0 : i32
        %dma_start3A_298 = arith.constant 0 : i32
        %dma_start3A_299 = tpu.memref_slice %arg2[%dma_start3A_297, %dma_start3A_298] : memref<50560x128xf32, #tpu.memory_space<hbm>> -> memref<50560x128xf32, #tpu.memory_space<hbm>>
        tpu.enqueue_indirect_dma source(%dma_start3A_299 : memref<50560x128xf32, #tpu.memory_space<hbm>>) target(%dma_start3A_293 : memref<16x128xf32, #tpu.memory_space<vmem>>) offsets(%dma_start3A_296 : memref<16xi32, #tpu.memory_space<vmem>>) semaphore(%arg12 : memref<!tpu.dma_semaphore, #tpu.memory_space<semaphore_mem>>)
        %dma_start3A_300 = arith.constant 0 : i32
        %dma_start3A_301 = arith.constant 0 : i32
        %dma_start3A_302 = arith.constant 48 : i32
        %dma_start3A_303 = arith.constant 0 : i32
        %dma_start3A_304 = tpu.memref_slice %arg8[%dma_start3A_301, %dma_start3A_302, %dma_start3A_303] : memref<2x64x128xf32, #tpu.memory_space<vmem>> -> memref<1x16x128xf32, #tpu.memory_space<vmem>>
        %dma_start3A_305 = tpu.memref_squeeze %dma_start3A_304 : memref<1x16x128xf32, #tpu.memory_space<vmem>> -> memref<16x128xf32, #tpu.memory_space<vmem>>
        %dma_start3A_306 = arith.constant 48 : i32
        %dma_start3A_307 = tpu.memref_slice %arg7[%add3A_263, %dma_start3A_300, %dma_start3A_306] : memref<120x2x64xi32, #tpu.memory_space<vmem>> -> memref<1x1x16xi32, #tpu.memory_space<vmem>>
        %dma_start3A_308 = tpu.memref_squeeze %dma_start3A_307 : memref<1x1x16xi32, #tpu.memory_space<vmem>> -> memref<16xi32, #tpu.memory_space<vmem>>
        %dma_start3A_309 = arith.constant 0 : i32
        %dma_start3A_310 = arith.constant 0 : i32
        %dma_start3A_311 = tpu.memref_slice %arg2[%dma_start3A_309, %dma_start3A_310] : memref<50560x128xf32, #tpu.memory_space<hbm>> -> memref<50560x128xf32, #tpu.memory_space<hbm>>
        tpu.enqueue_indirect_dma source(%dma_start3A_311 : memref<50560x128xf32, #tpu.memory_space<hbm>>) target(%dma_start3A_305 : memref<16x128xf32, #tpu.memory_space<vmem>>) offsets(%dma_start3A_308 : memref<16xi32, #tpu.memory_space<vmem>>) semaphore(%arg13 : memref<!tpu.dma_semaphore, #tpu.memory_space<semaphore_mem>>)
      } else {
      }
      %mul3A_206 = arith.constant 2 : i32
      %mul3A_207 = arith.muli %mul3A_206, %while3A_98 : i32
      %add3A_208 = arith.constant 1 : i32
      %add3A_209 = arith.addi %mul3A_207, %add3A_208 : i32
      %dma_wait3A_210 = arith.constant 0 : i32
      %dma_wait3A_211 = arith.constant 1 : i32
      %dma_wait3A_212 = arith.constant 0 : i32
      %dma_wait3A_213 = arith.constant 0 : i32
      %dma_wait3A_214 = tpu.memref_slice %arg8[%dma_wait3A_211, %dma_wait3A_212, %dma_wait3A_213] : memref<2x64x128xf32, #tpu.memory_space<vmem>> -> memref<1x16x128xf32, #tpu.memory_space<vmem>>
      %dma_wait3A_215 = tpu.memref_squeeze %dma_wait3A_214 : memref<1x16x128xf32, #tpu.memory_space<vmem>> -> memref<16x128xf32, #tpu.memory_space<vmem>>
      %dma_wait3A_216 = arith.constant 0 : i32
      %dma_wait3A_217 = tpu.memref_slice %arg7[%add3A_209, %dma_wait3A_210, %dma_wait3A_216] : memref<120x2x64xi32, #tpu.memory_space<vmem>> -> memref<1x1x16xi32, #tpu.memory_space<vmem>>
      %dma_wait3A_218 = tpu.memref_squeeze %dma_wait3A_217 : memref<1x1x16xi32, #tpu.memory_space<vmem>> -> memref<16xi32, #tpu.memory_space<vmem>>
      %dma_wait3A_219 = arith.constant 0 : i32
      %dma_wait3A_220 = arith.constant 0 : i32
      %dma_wait3A_221 = tpu.memref_slice %arg2[%dma_wait3A_219, %dma_wait3A_220] : memref<50560x128xf32, #tpu.memory_space<hbm>> -> memref<50560x128xf32, #tpu.memory_space<hbm>>
      tpu.wait_indirect_dma semaphore(%arg14 : memref<!tpu.dma_semaphore, #tpu.memory_space<semaphore_mem>>) src(%dma_wait3A_221 : memref<50560x128xf32, #tpu.memory_space<hbm>>) dst(%dma_wait3A_215 : memref<16x128xf32, #tpu.memory_space<vmem>>)
      %dma_wait3A_222 = arith.constant 0 : i32
      %dma_wait3A_223 = arith.constant 1 : i32
      %dma_wait3A_224 = arith.constant 16 : i32
      %dma_wait3A_225 = arith.constant 0 : i32
      %dma_wait3A_226 = tpu.memref_slice %arg8[%dma_wait3A_223, %dma_wait3A_224, %dma_wait3A_225] : memref<2x64x128xf32, #tpu.memory_space<vmem>> -> memref<1x16x128xf32, #tpu.memory_space<vmem>>
      %dma_wait3A_227 = tpu.memref_squeeze %dma_wait3A_226 : memref<1x16x128xf32, #tpu.memory_space<vmem>> -> memref<16x128xf32, #tpu.memory_space<vmem>>
      %dma_wait3A_228 = arith.constant 16 : i32
      %dma_wait3A_229 = tpu.memref_slice %arg7[%add3A_209, %dma_wait3A_222, %dma_wait3A_228] : memref<120x2x64xi32, #tpu.memory_space<vmem>> -> memref<1x1x16xi32, #tpu.memory_space<vmem>>
      %dma_wait3A_230 = tpu.memref_squeeze %dma_wait3A_229 : memref<1x1x16xi32, #tpu.memory_space<vmem>> -> memref<16xi32, #tpu.memory_space<vmem>>
      %dma_wait3A_231 = arith.constant 0 : i32
      %dma_wait3A_232 = arith.constant 0 : i32
      %dma_wait3A_233 = tpu.memref_slice %arg2[%dma_wait3A_231, %dma_wait3A_232] : memref<50560x128xf32, #tpu.memory_space<hbm>> -> memref<50560x128xf32, #tpu.memory_space<hbm>>
      tpu.wait_indirect_dma semaphore(%arg15 : memref<!tpu.dma_semaphore, #tpu.memory_space<semaphore_mem>>) src(%dma_wait3A_233 : memref<50560x128xf32, #tpu.memory_space<hbm>>) dst(%dma_wait3A_227 : memref<16x128xf32, #tpu.memory_space<vmem>>)
      %dma_wait3A_234 = arith.constant 0 : i32
      %dma_wait3A_235 = arith.constant 1 : i32
      %dma_wait3A_236 = arith.constant 32 : i32
      %dma_wait3A_237 = arith.constant 0 : i32
      %dma_wait3A_238 = tpu.memref_slice %arg8[%dma_wait3A_235, %dma_wait3A_236, %dma_wait3A_237] : memref<2x64x128xf32, #tpu.memory_space<vmem>> -> memref<1x16x128xf32, #tpu.memory_space<vmem>>
      %dma_wait3A_239 = tpu.memref_squeeze %dma_wait3A_238 : memref<1x16x128xf32, #tpu.memory_space<vmem>> -> memref<16x128xf32, #tpu.memory_space<vmem>>
      %dma_wait3A_240 = arith.constant 32 : i32
      %dma_wait3A_241 = tpu.memref_slice %arg7[%add3A_209, %dma_wait3A_234, %dma_wait3A_240] : memref<120x2x64xi32, #tpu.memory_space<vmem>> -> memref<1x1x16xi32, #tpu.memory_space<vmem>>
      %dma_wait3A_242 = tpu.memref_squeeze %dma_wait3A_241 : memref<1x1x16xi32, #tpu.memory_space<vmem>> -> memref<16xi32, #tpu.memory_space<vmem>>
      %dma_wait3A_243 = arith.constant 0 : i32
      %dma_wait3A_244 = arith.constant 0 : i32
      %dma_wait3A_245 = tpu.memref_slice %arg2[%dma_wait3A_243, %dma_wait3A_244] : memref<50560x128xf32, #tpu.memory_space<hbm>> -> memref<50560x128xf32, #tpu.memory_space<hbm>>
      tpu.wait_indirect_dma semaphore(%arg16 : memref<!tpu.dma_semaphore, #tpu.memory_space<semaphore_mem>>) src(%dma_wait3A_245 : memref<50560x128xf32, #tpu.memory_space<hbm>>) dst(%dma_wait3A_239 : memref<16x128xf32, #tpu.memory_space<vmem>>)
      %dma_wait3A_246 = arith.constant 0 : i32
      %dma_wait3A_247 = arith.constant 1 : i32
      %dma_wait3A_248 = arith.constant 48 : i32
      %dma_wait3A_249 = arith.constant 0 : i32
      %dma_wait3A_250 = tpu.memref_slice %arg8[%dma_wait3A_247, %dma_wait3A_248, %dma_wait3A_249] : memref<2x64x128xf32, #tpu.memory_space<vmem>> -> memref<1x16x128xf32, #tpu.memory_space<vmem>>
      %dma_wait3A_251 = tpu.memref_squeeze %dma_wait3A_250 : memref<1x16x128xf32, #tpu.memory_space<vmem>> -> memref<16x128xf32, #tpu.memory_space<vmem>>
      %dma_wait3A_252 = arith.constant 48 : i32
      %dma_wait3A_253 = tpu.memref_slice %arg7[%add3A_209, %dma_wait3A_246, %dma_wait3A_252] : memref<120x2x64xi32, #tpu.memory_space<vmem>> -> memref<1x1x16xi32, #tpu.memory_space<vmem>>
      %dma_wait3A_254 = tpu.memref_squeeze %dma_wait3A_253 : memref<1x1x16xi32, #tpu.memory_space<vmem>> -> memref<16xi32, #tpu.memory_space<vmem>>
      %dma_wait3A_255 = arith.constant 0 : i32
      %dma_wait3A_256 = arith.constant 0 : i32
      %dma_wait3A_257 = tpu.memref_slice %arg2[%dma_wait3A_255, %dma_wait3A_256] : memref<50560x128xf32, #tpu.memory_space<hbm>> -> memref<50560x128xf32, #tpu.memory_space<hbm>>
      tpu.wait_indirect_dma semaphore(%arg17 : memref<!tpu.dma_semaphore, #tpu.memory_space<semaphore_mem>>) src(%dma_wait3A_257 : memref<50560x128xf32, #tpu.memory_space<hbm>>) dst(%dma_wait3A_251 : memref<16x128xf32, #tpu.memory_space<vmem>>)
      %run_scoped3A_258 = arith.constant 1 : i32
      %run_scoped3A_259 = arith.constant 1 : i32
      "tpu.region"() ({
        %run_scoped3A_260 = tpu.sem_alloc : memref<!tpu.dma_semaphore, #tpu.memory_space<semaphore_mem>>
        %dma_start3A_261 = arith.constant 0 : i32
        %dma_start3A_262 = arith.constant 0 : i32
        %dma_start3A_263 = tpu.memref_slice %arg8[%run_scoped3A_258, %dma_start3A_261, %dma_start3A_262] : memref<2x64x128xf32, #tpu.memory_space<vmem>> -> memref<1x64x128xf32, #tpu.memory_space<vmem>>
        %dma_start3A_264 = tpu.memref_squeeze %dma_start3A_263 : memref<1x64x128xf32, #tpu.memory_space<vmem>> -> memref<64x128xf32, #tpu.memory_space<vmem>>
        %dma_start3A_265 = arith.constant 0 : i32
        %dma_start3A_266 = tpu.memref_slice %arg7[%add3A_209, %run_scoped3A_259, %dma_start3A_265] : memref<120x2x64xi32, #tpu.memory_space<vmem>> -> memref<1x1x64xi32, #tpu.memory_space<vmem>>
        %dma_start3A_267 = tpu.memref_squeeze %dma_start3A_266 : memref<1x1x64xi32, #tpu.memory_space<vmem>> -> memref<64xi32, #tpu.memory_space<vmem>>
        %dma_start3A_268 = arith.constant 0 : i32
        %dma_start3A_269 = arith.constant 0 : i32
        %dma_start3A_270 = tpu.memref_slice %arg6[%dma_start3A_268, %dma_start3A_269] : memref<10112x128xf32, #tpu.memory_space<vmem_shared>> -> memref<10112x128xf32, #tpu.memory_space<vmem_shared>>
        tpu.enqueue_indirect_dma source(%dma_start3A_264 : memref<64x128xf32, #tpu.memory_space<vmem>>) target(%dma_start3A_270 : memref<10112x128xf32, #tpu.memory_space<vmem_shared>>) offsets(%dma_start3A_267 : memref<64xi32, #tpu.memory_space<vmem>>) semaphore(%run_scoped3A_260 : memref<!tpu.dma_semaphore, #tpu.memory_space<semaphore_mem>>) {add = true}
        %dma_wait3A_271 = arith.constant 0 : i32
        %dma_wait3A_272 = arith.constant 0 : i32
        %dma_wait3A_273 = tpu.memref_slice %arg8[%run_scoped3A_258, %dma_wait3A_271, %dma_wait3A_272] : memref<2x64x128xf32, #tpu.memory_space<vmem>> -> memref<1x64x128xf32, #tpu.memory_space<vmem>>
        %dma_wait3A_274 = tpu.memref_squeeze %dma_wait3A_273 : memref<1x64x128xf32, #tpu.memory_space<vmem>> -> memref<64x128xf32, #tpu.memory_space<vmem>>
        %dma_wait3A_275 = arith.constant 0 : i32
        %dma_wait3A_276 = tpu.memref_slice %arg7[%add3A_209, %run_scoped3A_259, %dma_wait3A_275] : memref<120x2x64xi32, #tpu.memory_space<vmem>> -> memref<1x1x64xi32, #tpu.memory_space<vmem>>
        %dma_wait3A_277 = tpu.memref_squeeze %dma_wait3A_276 : memref<1x1x64xi32, #tpu.memory_space<vmem>> -> memref<64xi32, #tpu.memory_space<vmem>>
        %dma_wait3A_278 = arith.constant 0 : i32
        %dma_wait3A_279 = arith.constant 0 : i32
        %dma_wait3A_280 = tpu.memref_slice %arg6[%dma_wait3A_278, %dma_wait3A_279] : memref<10112x128xf32, #tpu.memory_space<vmem_shared>> -> memref<10112x128xf32, #tpu.memory_space<vmem_shared>>
        tpu.wait_indirect_dma semaphore(%run_scoped3A_260 : memref<!tpu.dma_semaphore, #tpu.memory_space<semaphore_mem>>) src(%dma_wait3A_274 : memref<64x128xf32, #tpu.memory_space<vmem>>) dst(%dma_wait3A_280 : memref<10112x128xf32, #tpu.memory_space<vmem_shared>>)
        tpu.yield
      }) : () -> ()
    }
    %barrier3A_94 = arith.constant 0 : index
    tpu.barrier barrier_id(%barrier3A_94)
    %mul3A_95 = arith.constant 10112 : i32
    %mul3A_96 = arith.muli %arg0, %mul3A_95 : i32
    %add3A_97 = arith.addi %mul3A_96, %mul3A_10 : i32
    "tpu.region"() ({
      %run_scoped3A = tpu.sem_alloc : memref<!tpu.dma_semaphore, #tpu.memory_space<semaphore_mem>>
      %dma_start3A_98 = arith.constant 0 : i32
      %dma_start3A_99 = tpu.memref_slice %arg5[%add3A_97, %dma_start3A_98] : memref<20224x128xf32, #tpu.memory_space<hbm>> -> memref<632x128xf32, #tpu.memory_space<hbm>>
      %dma_start3A_100 = arith.constant 0 : i32
      %dma_start3A_101 = tpu.memref_slice %arg6[%mul3A_10, %dma_start3A_100] : memref<10112x128xf32, #tpu.memory_space<vmem_shared>> -> memref<632x128xf32, #tpu.memory_space<vmem_shared>>
      tpu.enqueue_dma source(%dma_start3A_101 : memref<632x128xf32, #tpu.memory_space<vmem_shared>>) target(%dma_start3A_99 : memref<632x128xf32, #tpu.memory_space<hbm>>) target_semaphore(%run_scoped3A : memref<!tpu.dma_semaphore, #tpu.memory_space<semaphore_mem>>)
      %dma_wait3A = arith.constant 0 : i32
      %dma_wait3A_102 = tpu.memref_slice %arg5[%add3A_97, %dma_wait3A] : memref<20224x128xf32, #tpu.memory_space<hbm>> -> memref<632x128xf32, #tpu.memory_space<hbm>>
      %dma_wait3A_103 = arith.constant 0 : i32
      %dma_wait3A_104 = tpu.memref_slice %arg6[%mul3A_10, %dma_wait3A_103] : memref<10112x128xf32, #tpu.memory_space<vmem_shared>> -> memref<632x128xf32, #tpu.memory_space<vmem_shared>>
      tpu.wait_dma2 semaphore(%run_scoped3A : memref<!tpu.dma_semaphore, #tpu.memory_space<semaphore_mem>>) src(%dma_wait3A_104 : memref<632x128xf32, #tpu.memory_space<vmem_shared>>) dst(%dma_wait3A_102 : memref<632x128xf32, #tpu.memory_space<hbm>>)
      tpu.yield
    }) : () -> ()
    return
  }
}

module attributes {stable_mosaic.version = 14 : i64} {
  func.func @_mm_body(%arg0: i32, %arg1: memref<1264x128xf32, #tpu.memory_space<vmem>>, %arg2: memref<128x640xf32, #tpu.memory_space<vmem>>, %arg3: memref<1264x640xf32, #tpu.memory_space<vmem>>) attributes {dimension_semantics = [#tpu.dimension_semantics<arbitrary>], iteration_bounds = array<i64: 8>, scalar_prefetch = 0 : i64, scratch_operands = 0 : i64, tpu.core_type = #tpu.core_type<tc>, window_params = [{transform_indices = @transform_0, window_bounds = array<i64: 1264, 128>}, {pipeline_mode = #tpu.pipeline_mode<synchronous>, transform_indices = @transform_1, window_bounds = array<i64: 128, 640>}, {transform_indices = @transform_2, window_bounds = array<i64: 1264, 640>}]} {
    %get3A = arith.constant 0 : index
    %get3A_0 = arith.constant 0 : index
    %get3A_1 = vector.load %arg1[%get3A, %get3A_0] : memref<1264x128xf32, #tpu.memory_space<vmem>>, vector<1264x128xf32>
    %get3A_2 = arith.constant 0 : index
    %get3A_3 = arith.constant 0 : index
    %get3A_4 = vector.load %arg2[%get3A_2, %get3A_3] : memref<128x640xf32, #tpu.memory_space<vmem>>, vector<128x640xf32>
    %dot_general3A = arith.constant dense<0.000000e+00> : vector<1264x640xf32>
    %dot_general3A_5 = tpu.matmul %get3A_1, %get3A_4, %dot_general3A {dimension_numbers = #tpu.dot_dimension_numbers<[1], [0], [0], [1], [0, 0, 1, 1], [], []>, transpose_lhs_hint = false} : vector<1264x128xf32>, vector<128x640xf32>, vector<1264x640xf32> -> vector<1264x640xf32>
    %swap3A = arith.constant 0 : index
    %swap3A_6 = arith.constant 0 : index
    %swap3A_7 = vector.load %arg3[%swap3A, %swap3A_6] : memref<1264x640xf32, #tpu.memory_space<vmem>>, vector<1264x640xf32>
    tpu.vector_store %arg3[%swap3A, %swap3A_6], %dot_general3A_5 {strides = array<i32>} : memref<1264x640xf32, #tpu.memory_space<vmem>>, vector<1264x640xf32>,
    return
  }
  func.func @transform_0(%arg0: i32) -> (i32, i32) {
    %c0_i32 = arith.constant 0 : i32
    %c0_i32_0 = arith.constant 0 : i32
    return %arg0, %c0_i32 : i32, i32
  }
  func.func @transform_1(%arg0: i32) -> (i32, i32) {
    %c0_i32 = arith.constant 0 : i32
    %c0_i32_0 = arith.constant 0 : i32
    %c0_i32_1 = arith.constant 0 : i32
    return %c0_i32, %c0_i32_0 : i32, i32
  }
  func.func @transform_2(%arg0: i32) -> (i32, i32) {
    %c0_i32 = arith.constant 0 : i32
    %c0_i32_0 = arith.constant 0 : i32
    return %arg0, %c0_i32 : i32, i32
  }
}

module attributes {stable_mosaic.version = 14 : i64} {
  func.func @_layer_body(%arg0: i32, %arg1: memref<1264x128xf32, #tpu.memory_space<vmem>>, %arg2: memref<1264x128xf32, #tpu.memory_space<vmem>>, %arg3: memref<1264x128xf32, #tpu.memory_space<vmem>>, %arg4: memref<1264x128xf32, #tpu.memory_space<vmem>>, %arg5: memref<1264x128xf32, #tpu.memory_space<vmem>>, %arg6: memref<128x128xf32, #tpu.memory_space<vmem>>, %arg7: memref<1x128xf32, #tpu.memory_space<vmem>>, %arg8: memref<128x640xf32, #tpu.memory_space<vmem>>, %arg9: memref<1264x128xf32, #tpu.memory_space<vmem>>, %arg10: memref<1264x640xf32, #tpu.memory_space<vmem>>) attributes {dimension_semantics = [#tpu.dimension_semantics<arbitrary>], iteration_bounds = array<i64: 8>, scalar_prefetch = 0 : i64, scratch_operands = 0 : i64, tpu.core_type = #tpu.core_type<tc>, window_params = [{transform_indices = @transform_0, window_bounds = array<i64: 1264, 128>}, {transform_indices = @transform_1, window_bounds = array<i64: 1264, 128>}, {transform_indices = @transform_2, window_bounds = array<i64: 1264, 128>}, {transform_indices = @transform_3, window_bounds = array<i64: 1264, 128>}, {transform_indices = @transform_4, window_bounds = array<i64: 1264, 128>}, {pipeline_mode = #tpu.pipeline_mode<synchronous>, transform_indices = @transform_5, window_bounds = array<i64: 128, 128>}, {pipeline_mode = #tpu.pipeline_mode<synchronous>, transform_indices = @transform_6, window_bounds = array<i64: 1, 128>}, {pipeline_mode = #tpu.pipeline_mode<synchronous>, transform_indices = @transform_7, window_bounds = array<i64: 128, 640>}, {transform_indices = @transform_8, window_bounds = array<i64: 1264, 128>}, {transform_indices = @transform_9, window_bounds = array<i64: 1264, 640>}]} {
    %get3A = arith.constant 0 : index
    %get3A_0 = arith.constant 0 : index
    %get3A_1 = vector.load %arg2[%get3A, %get3A_0] : memref<1264x128xf32, #tpu.memory_space<vmem>>, vector<1264x128xf32>
    %get3A_2 = arith.constant 0 : index
    %get3A_3 = arith.constant 0 : index
    %get3A_4 = vector.load %arg3[%get3A_2, %get3A_3] : memref<1264x128xf32, #tpu.memory_space<vmem>>, vector<1264x128xf32>
    %add3A = arith.addf %get3A_1, %get3A_4 : vector<1264x128xf32>
    %get3A_5 = arith.constant 0 : index
    %get3A_6 = arith.constant 0 : index
    %get3A_7 = vector.load %arg4[%get3A_5, %get3A_6] : memref<1264x128xf32, #tpu.memory_space<vmem>>, vector<1264x1xf32>
    %get3A_8 = arith.constant 0 : index
    %get3A_9 = arith.constant 0 : index
    %get3A_10 = vector.load %arg5[%get3A_8, %get3A_9] : memref<1264x128xf32, #tpu.memory_space<vmem>>, vector<1264x1xf32>
    %add3A_11 = arith.addf %get3A_7, %get3A_10 : vector<1264x1xf32>
    %gt3A = arith.constant 0.000000e+00 : f32
    %gt3A_12 = vector.broadcast %gt3A : f32 to vector<1264x1xf32>
    %gt3A_13 = arith.cmpf ogt, %add3A_11, %gt3A_12 : vector<1264x1xf32>
    %max3A = arith.constant 1.000000e+00 : f32
    %max3A_14 = vector.broadcast %max3A : f32 to vector<1264x1xf32>
    %max3A_15 = arith.maximumf %add3A_11, %max3A_14 : vector<1264x1xf32>
    %div3A = arith.constant 1.000000e+00 : f32
    %div3A_16 = vector.broadcast %div3A : f32 to vector<1264x1xf32>
    %div3A_17 = arith.divf %div3A_16, %max3A_15 : vector<1264x1xf32>
    %jit3A = arith.constant 0.000000e+00 : f32
    %broadcast_in_dim3A = vector.broadcast %jit3A : f32 to vector<1264x1xf32>
    %select_n3A = arith.select %gt3A_13, %div3A_17, %broadcast_in_dim3A : vector<1264x1xi1>, vector<1264x1xf32>
    %mul3A = vector.broadcast %select_n3A : vector<1264x1xf32> to vector<1264x128xf32>
    %mul3A_18 = arith.mulf %add3A, %mul3A : vector<1264x128xf32>
    %get3A_19 = arith.constant 0 : index
    %get3A_20 = arith.constant 0 : index
    %get3A_21 = vector.load %arg1[%get3A_19, %get3A_20] : memref<1264x128xf32, #tpu.memory_space<vmem>>, vector<1264x128xf32>
    %get3A_22 = arith.constant 0 : index
    %get3A_23 = arith.constant 0 : index
    %get3A_24 = vector.load %arg6[%get3A_22, %get3A_23] : memref<128x128xf32, #tpu.memory_space<vmem>>, vector<128x128xf32>
    %dot_general3A = arith.constant dense<0.000000e+00> : vector<1264x128xf32>
    %dot_general3A_25 = tpu.matmul %get3A_21, %get3A_24, %dot_general3A {dimension_numbers = #tpu.dot_dimension_numbers<[1], [0], [0], [1], [0, 0, 1, 1], [], []>, transpose_lhs_hint = false} : vector<1264x128xf32>, vector<128x128xf32>, vector<1264x128xf32> -> vector<1264x128xf32>
    %add3A_26 = arith.addf %mul3A_18, %dot_general3A_25 : vector<1264x128xf32>
    %get3A_27 = arith.constant 0 : index
    %get3A_28 = arith.constant 0 : index
    %get3A_29 = vector.load %arg7[%get3A_27, %get3A_28] : memref<1x128xf32, #tpu.memory_space<vmem>>, vector<1x128xf32>
    %add3A_30 = vector.broadcast %get3A_29 : vector<1x128xf32> to vector<1264x128xf32>
    %add3A_31 = arith.addf %add3A_26, %add3A_30 : vector<1264x128xf32>
    %max3A_32 = arith.constant 0.000000e+00 : f32
    %max3A_33 = vector.broadcast %max3A_32 : f32 to vector<1264x128xf32>
    %max3A_34 = arith.maximumf %add3A_31, %max3A_33 : vector<1264x128xf32>
    %swap3A = arith.constant 0 : index
    %swap3A_35 = arith.constant 0 : index
    %swap3A_36 = vector.load %arg9[%swap3A, %swap3A_35] : memref<1264x128xf32, #tpu.memory_space<vmem>>, vector<1264x128xf32>
    tpu.vector_store %arg9[%swap3A, %swap3A_35], %max3A_34 {strides = array<i32>} : memref<1264x128xf32, #tpu.memory_space<vmem>>, vector<1264x128xf32>,
    %get3A_37 = arith.constant 0 : index
    %get3A_38 = arith.constant 0 : index
    %get3A_39 = vector.load %arg8[%get3A_37, %get3A_38] : memref<128x640xf32, #tpu.memory_space<vmem>>, vector<128x640xf32>
    %dot_general3A_40 = arith.constant dense<0.000000e+00> : vector<1264x640xf32>
    %dot_general3A_41 = tpu.matmul %max3A_34, %get3A_39, %dot_general3A_40 {dimension_numbers = #tpu.dot_dimension_numbers<[1], [0], [0], [1], [0, 0, 1, 1], [], []>, transpose_lhs_hint = false} : vector<1264x128xf32>, vector<128x640xf32>, vector<1264x640xf32> -> vector<1264x640xf32>
    %swap3A_42 = arith.constant 0 : index
    %swap3A_43 = arith.constant 0 : index
    %swap3A_44 = vector.load %arg10[%swap3A_42, %swap3A_43] : memref<1264x640xf32, #tpu.memory_space<vmem>>, vector<1264x640xf32>
    tpu.vector_store %arg10[%swap3A_42, %swap3A_43], %dot_general3A_41 {strides = array<i32>} : memref<1264x640xf32, #tpu.memory_space<vmem>>, vector<1264x640xf32>,
    return
  }
  func.func @transform_0(%arg0: i32) -> (i32, i32) {
    %c0_i32 = arith.constant 0 : i32
    %c0_i32_0 = arith.constant 0 : i32
    return %arg0, %c0_i32 : i32, i32
  }
  func.func @transform_1(%arg0: i32) -> (i32, i32) {
    %c0_i32 = arith.constant 0 : i32
    %c0_i32_0 = arith.constant 0 : i32
    return %arg0, %c0_i32 : i32, i32
  }
  func.func @transform_2(%arg0: i32) -> (i32, i32) {
    %c0_i32 = arith.constant 0 : i32
    %c0_i32_0 = arith.constant 0 : i32
    return %arg0, %c0_i32 : i32, i32
  }
  func.func @transform_3(%arg0: i32) -> (i32, i32) {
    %c0_i32 = arith.constant 0 : i32
    %c0_i32_0 = arith.constant 0 : i32
    return %arg0, %c0_i32 : i32, i32
  }
  func.func @transform_4(%arg0: i32) -> (i32, i32) {
    %c0_i32 = arith.constant 0 : i32
    %c0_i32_0 = arith.constant 0 : i32
    return %arg0, %c0_i32 : i32, i32
  }
  func.func @transform_5(%arg0: i32) -> (i32, i32) {
    %c0_i32 = arith.constant 0 : i32
    %c0_i32_0 = arith.constant 0 : i32
    %c0_i32_1 = arith.constant 0 : i32
    return %c0_i32, %c0_i32_0 : i32, i32
  }
  func.func @transform_6(%arg0: i32) -> (i32, i32) {
    %c0_i32 = arith.constant 0 : i32
    %c0_i32_0 = arith.constant 0 : i32
    %c0_i32_1 = arith.constant 0 : i32
    return %c0_i32, %c0_i32_0 : i32, i32
  }
  func.func @transform_7(%arg0: i32) -> (i32, i32) {
    %c0_i32 = arith.constant 0 : i32
    %c0_i32_0 = arith.constant 0 : i32
    %c0_i32_1 = arith.constant 0 : i32
    return %c0_i32, %c0_i32_0 : i32, i32
  }
  func.func @transform_8(%arg0: i32) -> (i32, i32) {
    %c0_i32 = arith.constant 0 : i32
    %c0_i32_0 = arith.constant 0 : i32
    return %arg0, %c0_i32 : i32, i32
  }
  func.func @transform_9(%arg0: i32) -> (i32, i32) {
    %c0_i32 = arith.constant 0 : i32
    %c0_i32_0 = arith.constant 0 : i32
    return %arg0, %c0_i32 : i32, i32
  }
}

module attributes {stable_mosaic.version = 14 : i64} {
  func.func @_final_body(%arg0: i32, %arg1: memref<1264x128xf32, #tpu.memory_space<vmem>>, %arg2: memref<1264x128xf32, #tpu.memory_space<vmem>>, %arg3: memref<1264x128xf32, #tpu.memory_space<vmem>>, %arg4: memref<1264x128xf32, #tpu.memory_space<vmem>>, %arg5: memref<1264x128xf32, #tpu.memory_space<vmem>>, %arg6: memref<128x128xf32, #tpu.memory_space<vmem>>, %arg7: memref<1x128xf32, #tpu.memory_space<vmem>>, %arg8: memref<1264x128xf32, #tpu.memory_space<vmem>>) attributes {dimension_semantics = [#tpu.dimension_semantics<arbitrary>], iteration_bounds = array<i64: 8>, scalar_prefetch = 0 : i64, scratch_operands = 0 : i64, tpu.core_type = #tpu.core_type<tc>, window_params = [{transform_indices = @transform_0, window_bounds = array<i64: 1264, 128>}, {transform_indices = @transform_1, window_bounds = array<i64: 1264, 128>}, {transform_indices = @transform_2, window_bounds = array<i64: 1264, 128>}, {transform_indices = @transform_3, window_bounds = array<i64: 1264, 128>}, {transform_indices = @transform_4, window_bounds = array<i64: 1264, 128>}, {pipeline_mode = #tpu.pipeline_mode<synchronous>, transform_indices = @transform_5, window_bounds = array<i64: 128, 128>}, {pipeline_mode = #tpu.pipeline_mode<synchronous>, transform_indices = @transform_6, window_bounds = array<i64: 1, 128>}, {transform_indices = @transform_7, window_bounds = array<i64: 1264, 128>}]} {
    %get3A = arith.constant 0 : index
    %get3A_0 = arith.constant 0 : index
    %get3A_1 = vector.load %arg2[%get3A, %get3A_0] : memref<1264x128xf32, #tpu.memory_space<vmem>>, vector<1264x128xf32>
    %get3A_2 = arith.constant 0 : index
    %get3A_3 = arith.constant 0 : index
    %get3A_4 = vector.load %arg3[%get3A_2, %get3A_3] : memref<1264x128xf32, #tpu.memory_space<vmem>>, vector<1264x128xf32>
    %add3A = arith.addf %get3A_1, %get3A_4 : vector<1264x128xf32>
    %get3A_5 = arith.constant 0 : index
    %get3A_6 = arith.constant 0 : index
    %get3A_7 = vector.load %arg4[%get3A_5, %get3A_6] : memref<1264x128xf32, #tpu.memory_space<vmem>>, vector<1264x1xf32>
    %get3A_8 = arith.constant 0 : index
    %get3A_9 = arith.constant 0 : index
    %get3A_10 = vector.load %arg5[%get3A_8, %get3A_9] : memref<1264x128xf32, #tpu.memory_space<vmem>>, vector<1264x1xf32>
    %add3A_11 = arith.addf %get3A_7, %get3A_10 : vector<1264x1xf32>
    %gt3A = arith.constant 0.000000e+00 : f32
    %gt3A_12 = vector.broadcast %gt3A : f32 to vector<1264x1xf32>
    %gt3A_13 = arith.cmpf ogt, %add3A_11, %gt3A_12 : vector<1264x1xf32>
    %max3A = arith.constant 1.000000e+00 : f32
    %max3A_14 = vector.broadcast %max3A : f32 to vector<1264x1xf32>
    %max3A_15 = arith.maximumf %add3A_11, %max3A_14 : vector<1264x1xf32>
    %div3A = arith.constant 1.000000e+00 : f32
    %div3A_16 = vector.broadcast %div3A : f32 to vector<1264x1xf32>
    %div3A_17 = arith.divf %div3A_16, %max3A_15 : vector<1264x1xf32>
    %jit3A = arith.constant 0.000000e+00 : f32
    %broadcast_in_dim3A = vector.broadcast %jit3A : f32 to vector<1264x1xf32>
    %select_n3A = arith.select %gt3A_13, %div3A_17, %broadcast_in_dim3A : vector<1264x1xi1>, vector<1264x1xf32>
    %mul3A = vector.broadcast %select_n3A : vector<1264x1xf32> to vector<1264x128xf32>
    %mul3A_18 = arith.mulf %add3A, %mul3A : vector<1264x128xf32>
    %get3A_19 = arith.constant 0 : index
    %get3A_20 = arith.constant 0 : index
    %get3A_21 = vector.load %arg1[%get3A_19, %get3A_20] : memref<1264x128xf32, #tpu.memory_space<vmem>>, vector<1264x128xf32>
    %get3A_22 = arith.constant 0 : index
    %get3A_23 = arith.constant 0 : index
    %get3A_24 = vector.load %arg6[%get3A_22, %get3A_23] : memref<128x128xf32, #tpu.memory_space<vmem>>, vector<128x128xf32>
    %dot_general3A = arith.constant dense<0.000000e+00> : vector<1264x128xf32>
    %dot_general3A_25 = tpu.matmul %get3A_21, %get3A_24, %dot_general3A {dimension_numbers = #tpu.dot_dimension_numbers<[1], [0], [0], [1], [0, 0, 1, 1], [], []>, transpose_lhs_hint = false} : vector<1264x128xf32>, vector<128x128xf32>, vector<1264x128xf32> -> vector<1264x128xf32>
    %add3A_26 = arith.addf %mul3A_18, %dot_general3A_25 : vector<1264x128xf32>
    %get3A_27 = arith.constant 0 : index
    %get3A_28 = arith.constant 0 : index
    %get3A_29 = vector.load %arg7[%get3A_27, %get3A_28] : memref<1x128xf32, #tpu.memory_space<vmem>>, vector<1x128xf32>
    %add3A_30 = vector.broadcast %get3A_29 : vector<1x128xf32> to vector<1264x128xf32>
    %add3A_31 = arith.addf %add3A_26, %add3A_30 : vector<1264x128xf32>
    %swap3A = arith.constant 0 : index
    %swap3A_32 = arith.constant 0 : index
    %swap3A_33 = vector.load %arg8[%swap3A, %swap3A_32] : memref<1264x128xf32, #tpu.memory_space<vmem>>, vector<1264x128xf32>
    tpu.vector_store %arg8[%swap3A, %swap3A_32], %add3A_31 {strides = array<i32>} : memref<1264x128xf32, #tpu.memory_space<vmem>>, vector<1264x128xf32>,
    return
  }
  func.func @transform_0(%arg0: i32) -> (i32, i32) {
    %c0_i32 = arith.constant 0 : i32
    %c0_i32_0 = arith.constant 0 : i32
    return %arg0, %c0_i32 : i32, i32
  }
  func.func @transform_1(%arg0: i32) -> (i32, i32) {
    %c0_i32 = arith.constant 0 : i32
    %c0_i32_0 = arith.constant 0 : i32
    return %arg0, %c0_i32 : i32, i32
  }
  func.func @transform_2(%arg0: i32) -> (i32, i32) {
    %c0_i32 = arith.constant 0 : i32
    %c0_i32_0 = arith.constant 0 : i32
    return %arg0, %c0_i32 : i32, i32
  }
  func.func @transform_3(%arg0: i32) -> (i32, i32) {
    %c0_i32 = arith.constant 0 : i32
    %c0_i32_0 = arith.constant 0 : i32
    return %arg0, %c0_i32 : i32, i32
  }
  func.func @transform_4(%arg0: i32) -> (i32, i32) {
    %c0_i32 = arith.constant 0 : i32
    %c0_i32_0 = arith.constant 0 : i32
    return %arg0, %c0_i32 : i32, i32
  }
  func.func @transform_5(%arg0: i32) -> (i32, i32) {
    %c0_i32 = arith.constant 0 : i32
    %c0_i32_0 = arith.constant 0 : i32
    %c0_i32_1 = arith.constant 0 : i32
    return %c0_i32, %c0_i32_0 : i32, i32
  }
  func.func @transform_6(%arg0: i32) -> (i32, i32) {
    %c0_i32 = arith.constant 0 : i32
    %c0_i32_0 = arith.constant 0 : i32
    %c0_i32_1 = arith.constant 0 : i32
    return %c0_i32, %c0_i32_0 : i32, i32
  }
  func.func @transform_7(%arg0: i32) -> (i32, i32) {
    %c0_i32 = arith.constant 0 : i32
    %c0_i32_0 = arith.constant 0 : i32
    return %arg0, %c0_i32 : i32, i32
  }
}

</mosaic_0001>

<sc_bundles>
// kernel: kernel.11.cloned.1.call-start
scs
__scs_entry_jumppad:
0x0: {  	(pc) =	sbr.rel $0x88, $3  }
0x1: {  	(tag) =	ssettag $0x0;
	lr =	simm.s32 $0x1  }
0x2: {  	[smem:$0x3F98] =	sst lr;
	_ =	strace $0xD0000000  }
0x3: {  	_ = 	snop  }
0x4: {  	_ = 	snop  }
0x5: {  	_ = 	snop  }
0x6: {  	_ = 	snop  }
0x7: {  	_ = 	snop  }
__scs_overlays_trampoline_lowered:
0x8: {  	[smem:$0x3FA7] =	sst s0  }
0x9: {  	[smem:$0x3FA8] =	sst s1  }
0xa: {  	[smem:$0x3FA9] =	sst s2  }
0xb: {  	[smem:$0x3FAA] =	sst s3  }
0xc: {  	[smem:$0x3FAB] =	sst s4  }
0xd: {  	[smem:$0x3FAC] =	sst s5  }
0xe: {  	[smem:$0x3FAD] =	sst s6  }
0xf: {  	[smem:$0x3FAE] =	sst s7  }
0x10: {  	[smem:$0x3FAF] =	sst s8  }
0x11: {  	[smem:$0x3FB0] =	sst s9;
	s0 =	simm.s32 @!p0 $0x0  }
0x12: {  	s1 =	sld [smem:$0x3F96];
	s0 =	simm.s32 @p0 $0x1  }
0x13: {  	[smem:$0x3FB1] =	sst s0;
	s0 =	simm.s32 @!p1 $0x0  }
0x14: {  	s2 =	sld [smem:$0x3F95];
	s0 =	simm.s32 @p1 $0x1  }
0x15: {  	[smem:$0x3FB2] =	sst s0;
	s0 =	simm.s32 @!p2 $0x0  }
0x16: {  	s3 =	sld [smem:$0x3FDB];
	s0 =	simm.s32 @p2 $0x1  }
0x17: {  	s4 =	simm.s32 $0x1BF5;
	[smem:$0x3FB4] =	sst s0  }
0x18: {  	s0 =	sld [smem:$0x3F97];
	_ =	swait.ge [sflag:s4], $0x0  }
0x19: {  	s7 =	sld [smem:$0x3F98]  }
0x1a: {  	s8 =	sadd.s32 $0xFFFFE003, lr  }
0x1b: {  	s9 =	sadd.s32 $0xFFFFFEF7, lr;
	s5 =	simm.s32 $0xFFFFFFFF;
	p2 =	slt.u32 s8, $0xFFFFF086  }
0x1c: {  	p1 =	slt.u32 s9, $0xF7A;
	s5 =	simm.s32 @!p2 $0x0  }
0x1d: {  	s5 =	simm.s32 @p1 $0x1;
	p0 =	seq.s32 s7, s2  }
0x1e: {  	s7 =	smul.u32 @!p0 $0xF7A, s2;
	p2 =	seq.s32 @!p0 s5, $0x0  }
0x1f: {  	s9 =	smul.u32 $0xF7A, s1;
	s8 =	simm.s32 @!p0 $0x1BF5;
	p2 =	por !p2, p0  }
0x20: {  	[sflag:s8] =	ssyncset.s32 @!p0 $0xFFFFF086;
	s6 =	sadd.s32 @!p0 s3, s7;
	s7 =	simm.s32 @!p0 $0x108  }
0x21: {  	s3 =	sadd.s32 s3, s9;
	s6 =	sadd.s32 @!p0 $0x88, s6;
	s7 =	simm.s32 @p2 $0x1082  }
0x22: {  	[simem:s7], [sflag:s8] =	dma.local @!p0 [hbm:s6], $0xF7A  }
0x23: {  	s9 =	sor.u32 $0xD0000000, s2;
	s6 =	simm.s32 $0x108;
	_ =	swait.ge @!p0 [sflag:s8], $0x0  }
0x24: {  	s3 =	sadd.s32 $0x88, s3;
	s6 =	simm.s32 @!p1 $0x1082;
	[sflag:s4] =	ssyncset.s32 $0xFFFFF086  }
0x25: {  	[simem:s6], [sflag:s4] =	dma.local [hbm:s3], $0xF7A  }
0x26: {  	[smem:$0x3F98] =	sst s1;
	(tag) =	ssettag s2;
	_ =	strace s9  }
0x27: {  	s1 =	sld [smem:$0x3FA8]  }
0x28: {  	s2 =	sld [smem:$0x3FA9]  }
0x29: {  	s4 =	sld [smem:$0x3FAB]  }
0x2a: {  	p0 =	seq.s32 s5, $0x0;
	s5 =	sld [smem:$0x3FAC]  }
0x2b: {  	s6 =	sld [smem:$0x3FAD]  }
0x2c: {  	s7 =	sld [smem:$0x3FAE]  }
0x2d: {  	s3 =	simm.s32 $0x108;
	s8 =	sld [smem:$0x3FAF]  }
0x2e: {  	s3 =	simm.s32 @!p0 $0x1082;
	s9 =	sld [smem:$0x3FB0]  }
0x2f: {  	lr =	sadd.s32 s0, s3;
	s0 =	sld [smem:$0x3FA7]  }
0x30: {  	s3 =	sld [smem:$0x3FAA]  }
0x31: {  	[smem:$0x3FB3] =	sst s10  }
0x32: {  	s10 =	sld [smem:$0x3FB1];
	_ =	sdelay $0x3  }
0x33: {  	p0 =	seq.s32 s10, $0x1;
	s10 =	sld [smem:$0x3FB3];
	_ =	sdelay $0x3  }
0x34: {  	[smem:$0x3FB3] =	sst s10  }
0x35: {  	s10 =	sld [smem:$0x3FB2];
	_ =	sdelay $0x3  }
0x36: {  	p1 =	seq.s32 s10, $0x1;
	s10 =	sld [smem:$0x3FB3];
	_ =	sdelay $0x3  }
0x37: {  	[smem:$0x3FB3] =	sst s10  }
0x38: {  	s10 =	sld [smem:$0x3FB4]  }
0x39: {  	_ = 	snop;
	(pc) =	sbr.ind lr, $3  }
0x3a: {  	_ = 	snop  }
0x3b: {  	_ = 	snop  }
0x3c: {  	p2 =	seq.s32 s10, $0x1;
	s10 =	sld [smem:$0x3FB3]  }
0x3d: {  	_ =	shalt  }
0x3e: {  	_ =	shalt  }
0x3f: {  	_ =	shalt  }
0x40: {  	_ =	shalt  }
0x41: {  	_ =	shalt  }
0x42: {  	_ =	shalt  }
0x43: {  	_ =	shalt  }
0x44: {  	_ =	shalt  }
0x45: {  	_ =	shalt  }
0x46: {  	_ =	shalt  }
0x47: {  	_ =	shalt  }
0x48: {  	_ =	shalt  }
0x49: {  	_ =	shalt  }
0x4a: {  	_ =	shalt  }
0x4b: {  	_ =	shalt  }
0x4c: {  	_ =	shalt  }
0x4d: {  	_ =	shalt  }
0x4e: {  	_ =	shalt  }
0x4f: {  	_ =	shalt  }
0x50: {  	_ =	shalt  }
0x51: {  	_ =	shalt  }
0x52: {  	_ =	shalt  }
0x53: {  	_ =	shalt  }
0x54: {  	_ =	shalt  }
0x55: {  	_ =	shalt  }
0x56: {  	_ =	shalt  }
0x57: {  	_ =	shalt  }
0x58: {  	_ =	shalt  }
0x59: {  	_ =	shalt  }
0x5a: {  	_ =	shalt  }
0x5b: {  	_ =	shalt  }
0x5c: {  	_ =	shalt  }
0x5d: {  	_ =	shalt  }
0x5e: {  	_ =	shalt  }
0x5f: {  	_ =	shalt  }
0x60: {  	_ =	shalt  }
0x61: {  	_ =	shalt  }
0x62: {  	_ =	shalt  }
0x63: {  	_ =	shalt  }
0x64: {  	_ =	shalt  }
0x65: {  	_ =	shalt  }
0x66: {  	_ =	shalt  }
0x67: {  	_ =	shalt  }
0x68: {  	_ =	shalt  }
0x69: {  	_ =	shalt  }
0x6a: {  	_ =	shalt  }
0x6b: {  	_ =	shalt  }
0x6c: {  	_ =	shalt  }
0x6d: {  	_ =	shalt  }
0x6e: {  	_ =	shalt  }
0x6f: {  	_ =	shalt  }
0x70: {  	_ =	shalt  }
0x71: {  	_ =	shalt  }
0x72: {  	_ =	shalt  }
0x73: {  	_ =	shalt  }
0x74: {  	_ =	shalt  }
0x75: {  	_ =	shalt  }
0x76: {  	_ =	shalt  }
0x77: {  	_ =	shalt  }
0x78: {  	_ =	shalt  }
0x79: {  	_ =	shalt  }
0x7a: {  	_ =	shalt  }
0x7b: {  	_ =	shalt  }
0x7c: {  	_ =	shalt  }
0x7d: {  	_ =	shalt  }
0x7e: {  	_ =	shalt  }
0x7f: {  	_ =	shalt  }
0x80: {  	_ =	shalt  }
0x81: {  	_ =	shalt  }
0x82: {  	_ =	shalt  }
0x83: {  	_ =	shalt  }
0x84: {  	_ =	shalt  }
0x85: {  	_ =	shalt  }
0x86: {  	_ =	shalt  }
0x87: {  	_ =	shalt  }
.Lfunc_end0:
.L_simem_size_0:
called_computation.1_lowered:
.L_overlay_start_0:
0x88: {  	s2 =	sld [smem:$0x3FD9]  }
0x89: {  	s3 =	sld [smem:$0x3FFE];
	_ =	sdelay $0x1  }
0x8a: {  	s1 =	srdreg.scid  }
0x8b: {  	s0 =	sand.u32 $0x1, s1  }
0x8c: {  	s17 =	sshll.u32 s0, $0xA;
	s2 =	sadd.s32 s3, s2  }
0x8d: {  	s2 =	sadd.s32 s2, s17  }
0x8e: {  	[smem:$0x3FBF] =	sst s2  }
0x8f: {  	_ = 	snop  }
0x90: {  	s18 =	sld [smem:$0x3FD0];
	(tm) =	ssettm $0x1  }
0x91: {  	s19 =	sld [smem:$0x3FFB];
	_ =	sdelay $0x3  }
0x92: {  	_ =	strace s19  }
0x93: {  	s2 =	sld [smem:$0x3FFC];
	_ =	sdelay $0x3  }
0x94: {  	_ =	strace s2  }
0x95: {  	s2 =	sld [smem:$0x3FFD];
	_ =	sdelay $0x3  }
0x96: {  	_ =	strace s2  }
0x97: {  	_ =	strace $0x8FFFFFFF  }
0x98: {  	s20 =	sld [smem:$0x3FDB];
	_ =	sdelay $0x1  }
0x99: {  	s4 =	simm.s32 $_scs_section_size  }
0x9a: {  	s5 =	simm.s32 $_size__tile_overlayer_lowered;
	s6 =	simm.s32 $_tile_overlayer_lowered  }
0x9b: {  	s7 =	simm.s32 $0x1BFF;
	s21 =	sshll.u32 s6, $0x1;
	s4 =	sadd.s32 s4, s20  }
0x9c: {  	s22 =	simm.s32 $0x0;
	s5 =	sshll.u32 s5, $0x1;
	s6 =	sadd.s32 s21, s4  }
0x9d: {  	[timem:s22], [sflag:s7] =	dma.local [hbm:s6], s5  }
0x9e: {  	_ =	swait.ge [sflag:s7], s5  }
0x9f: {  	s5 =	ssub.s32 $0x0, s5;
	[sflag:s7] =	ssyncset.done $0x0  }
0xa0: {  	[sflag:s7] =	ssyncadd.s32 s5;
	_ =	sdelay $0x1  }
0xa1: {  	s23 =	simm.s32 $0x1B8B  }
0xa2: {  	_ =	swait.ge [sflag:s23], $0x1  }
0xa3: {  	[sflag:s23] =	ssyncset.done $0x0  }
0xa4: {  	[sflag:s23] =	ssyncadd.s32 $0xFFFFFFFF  }
0xa5: {  	s5 =	sld [smem:$0x0]  }
0xa6: {  	s6 =	sand.u32 $0xFFFFFFFE, s1  }
0xa7: {  	p0 =	sne.s32 s1, s6  }
0xa8: {  	s6 =	sshll.u32 @p0 s6, $0xE  }
0xa9: {  	s6 =	sadd.s32 @p0 $0x11B8D, s6;
	s7 =	sshll.u32 @p0 s5, $0x11  }
0xaa: {  	s6 =	sor.u32 @p0 s7, s6  }
0xab: {  	[sflag:s6] =	ssyncadd.remote.s32 @p0 $0x1;
	_ =	sdelay $0x1  }
0xac: {  	s6 =	simm.s32 @p0 $0x1B8D  }
0xad: {  	_ =	swait.eq @p0 [sflag:s6], $0x1  }
0xae: {  	[sflag:s6] =	ssyncadd.s32 @p0 $0xFFFFFFFF  }
0xaf: {  	s7 =	sshll.u32 @!p0 s1, $0xE  }
0xb0: {  	s7 =	sor.u32 @!p0 $0x4000, s7;
	s6 =	simm.s32 @!p0 $0x1B8D  }
0xb1: {  	s5 =	sshll.u32 @!p0 s5, $0x11;
	s7 =	sadd.s32 @!p0 $0x11B8D, s7;
	_ =	swait.eq @!p0 [sflag:s6], $0x1  }
0xb2: {  	s5 =	sor.u32 @!p0 s5, s7;
	[sflag:s6] =	ssyncadd.s32 @!p0 $0xFFFFFFFF  }
0xb3: {  	s25 =	simm.s32 $0x1B8E;
	s24 =	sld [smem:$0x3FFE];
	[sflag:s5] =	ssyncadd.remote.s32 @!p0 $0x1  }
0xb4: {  	s26 =	simm.s32 $execute0_lowered;
	[smem:$0x3FD2] =	sst s25  }
0xb5: {  	s6 =	sshll.u32 s26, $0x1;
	_ =	strace $0x80000049;
	[dreg:$0x1] =	wrdreg $0xFFFFFFFF  }
0xb6: {  	s28 =	simm.s32 $_size_execute0_lowered;
	s4 =	sadd.s32 s4, s6;
	[dreg:$0x0] =	wrdreg $0x0  }
0xb7: {  	s6 =	sshll.u32 s28, $0x1;
	[dreg:$0x2] =	wrdreg s4  }
0xb8: {  	[dreg:$0x3] =	wrdreg s6  }
0xb9: {  	[dreg:$0x4] =	wrdreg $0xC0  }
0xba: {  	_ =	task [dreg:s22], $0x5FFFF  }
0xbb: {  	[dreg:$0x1] =	wrdreg $0xFFFFFFFF  }
0xbc: {  	[dreg:$0x0] =	wrdreg $0x60  }
0xbd: {  	[dreg:$0x2] =	wrdreg s24  }
0xbe: {  	[dreg:$0x3] =	wrdreg s18  }
0xbf: {  	[dreg:$0x4] =	wrdreg $0x0  }
0xc0: {  	[dreg:$0x5] =	wrdreg $0xA  }
0xc1: {  	_ =	task.clear_ibuf [dreg:s22], $0x6FFFF;
	_ =	strace $0x90000049  }
0xc2: {  	s29 =	simm.s32 $0xA;
	_ =	strace $0x8000004B  }
0xc3: {  	_ =	swait.ge [sflag:s29], $0x1  }
0xc4: {  	[sflag:s29] =	ssyncadd.s32 $0xFFFFFFFF  }
0xc5: {  	_ =	strace $0x9000004B  }
0xc6: {  	_ =	sfence  }
0xc7: {  	s30 =	sld [smem:$0x0];
	_ =	sdelay $0x2  }
0xc8: {  	s31 =	sshll.u32 s1, $0xD;
	s1 =	sshrl.u32 s1, $0x2  }
0xc9: {  	s4 =	sand.u32 $0x4000, s31;
	s1 =	sadd.s32 s1, s30  }
0xca: {  	s0 =	sor.u32 s4, s0;
	s1 =	sshll.u32 s1, $0x11  }
0xcb: {  	s0 =	sor.u32 s1, s0  }
0xcc: {  	s0 =	sadd.s32 $0x8F2B, s0  }
0xcd: {  	[sflag:s0] =	ssyncadd.remote.s32 $0x1  }
0xce: {  	_ =	sfence.sel $0xFFFF  }
0xcf: {  	[dreg:$0x0] =	wrdreg $0xFFFFFFFF;
	(pc) =	sbr.abs _section_cstart, $3  }
0xd0: {  	[dreg:$0x1] =	wrdreg $0xFFFFFFFF  }
0xd1: {  	_ =	task.clear_ibuf [dreg:s22], $0x2FFFF;
	_ =	strace $0x9FFFFFFF  }
0xd2: {  	(tm) =	ssettm $0x7FFFFFFF  }
0xd3: {  	_ =	shalt  }
tec
execute0_lowered:
.L_overlay_start_1:
0x0: {  	(tag) =	ssettag $0x1  }
0x1: {  	s0 =	rddreg [dreg:$0x0]  }
0x2: {  	s1 =	rddreg [dreg:$0x1]  }
0x3: {  	s2 =	rddreg [dreg:$0x2]  }
0x4: {  	s4 =	srdreg.scid;
	s3 =	stileid.u32;
	s5 =	simm.s32 $0x0  }
0x5: {  	s12 =	simm.s32 $0x9;
	s13 =	simm.s32 $0x1F400;
	s14 =	simm.s32 $0x10  }
0x6: {  	s15 =	simm.s32 $0x1B400;
	s28 =	simm.s32 $0x2;
	s29 =	simm.s32 $0x3  }
0x7: {  	s30 =	simm.s32 $0x4;
	s31 =	simm.s32 $0x40;
	s7 =	smul.u32 $0x2780, s3  }
0x8: {  	s16 =	simm.s32 $0x7;
	s17 =	simm.s32 $0x8;
	s21 =	smul.u32 $0x28, s3  }
0x9: {  	s18 =	simm.s32 $0x0;
	s6 =	sand.u32 $0x1, s4;
	s9 =	smul.u32 $0x78, s3  }
0xa: {  	[smem:$0x7FF] =	sst s5;
	s4 =	sadd.s32 $0x11C800, s0;
	s23 =	smul.u32 $0x4F000, s3  }
0xb: {  	s20 =	sadd.s32 $0x7600, s0;
	s8 =	smul.u32 $0x27800, s6;
	_ =	strace $0x8000004A  }
0xc: {  	s22 =	ssub.s32 $0x2, s6;
	p0 =	seq.s32 s6, $0x0;
	s6 =	simm.s32 $0x78  }
0xd: {  	[dreg:$0x5] =	wrdreg s20;
	s10 =	sshrl.u32 s22, $0x1;
	s6 =	simm.s32 @!p0 $0x28  }
0xe: {  	s25 =	sshrl.u32 s23, $0x2;
	s23 =	simm.s32 $0x1DC00;
	s7 =	sadd.s32 s7, s8  }
0xf: {  	s8 =	sadd.s32 $0x780, s21;
	s10 =	ssub.s32 s22, s10;
	s11 =	sshll.u32 s6, $0xA  }
0x10: {  	s22 =	simm.s32 $0x1D400;
	s0 =	sadd.s32 s7, s0;
	s8 =	smov.u32 @p0 s9  }
0x11: {  	s26 =	sadd.s32 $0xFFFFF800, s11;
	s10 =	smax.u32 s10, $0x1;
	s11 =	simm.s32 $0x13C00  }
0x12: {  	s24 =	sshll.u32 s8, $0x5;
	s8 =	sadd.s32 s25, s2;
	s0 =	sadd.s32 $0x57000, s0  }
0x13: {  	[dreg:$0x4] =	wrdreg s26;
	s25 =	simm.s32 $0x1EC00;
	s26 =	simm.s32 $0x1  }
0x14: {  	s1 =	sadd.s32 s1, s24;
	[dreg:$0x7] =	wrdreg s0;
	s24 =	simm.s32 $0x1E400  }
0x15: {  	s0 =	simm.s32 $0x5;
	[dreg:$0x6] =	wrdreg s1;
	s1 =	simm.s32 $0x6  }
.LBB2_1:
0x16: {  	s3 =	simm.s32 $0x0;
	s5 =	rddreg [dreg:$0x6]  }
0x17: {  	[tilespmem:s11], [sflag:$0x9] =	stream.linear.gather [hbm4b:s5+s3], $0x7800, $0x38;
	[tilespmem:$0x1F800] =	vst v63  }
0x18: {  	_ =	swait.ge [sflag:s12], $0x7800  }
0x19: {  	[sflag:s12] =	ssyncset.done $0x0  }
0x1a: {  	s21 =	rddreg [dreg:$0x5];
	[sflag:s12] =	ssyncadd.s32 $0xFFFF8800  }
0x1b: {  	[tilespmem:s13], [sflag:$0x9] =	stream.linear.gather [hbm4b:s21+s3], $0x400, $0x38;
	[tilespmem:$0x1F800] =	vst v63  }
0x1c: {  	_ =	swait.ge [sflag:s12], $0x400  }
0x1d: {  	[sflag:s12] =	ssyncset.done $0x0  }
0x1e: {  	s19 =	sadd.s32 $0x0, s8;
	[sflag:s12] =	ssyncadd.s32 $0xFFFFFC00  }
0x1f: {  	[spmem:s19] =	stream.linear.scatter [tilespmem:s13], [sflag:$0x9], $0x400, $0x38;
	[tilespmem:$0x1F800] =	vst v63  }
0x20: {  	s19 =	simm.s32 $0x1000;
	_ =	swait.ge [sflag:s12], $0x400  }
.LBB2_2:
0x21: {  	s20 =	sshra.s32 s19, $0x2;
	[sflag:s12] =	ssyncset.done $0x0;
	p0 =	sne.s32 s19, $0x4E000  }
.Ltmp0:
0x22: {  	s20 =	sadd.s32 s20, s8;
	[sflag:s12] =	ssyncadd.s32 $0xFFFFFC00;
	(pc) =	sbr.rel @p0 .LBB2_2-.Ltmp0, $3  }
0x23: {  	[spmem:s20] =	stream.linear.scatter [tilespmem:s13], [sflag:$0x9], $0x400, $0x38;
	[tilespmem:$0x1F800] =	vst v63  }
0x24: {  	s19 =	sadd.s32 $0x1000, s19;
	_ =	sdelay $0x1  }
0x25: {  	_ =	swait.ge [sflag:s12], $0x400  }
0x26: {  	[sflag:s12] =	ssyncset.done $0x0  }
0x27: {  	[sflag:s12] =	ssyncadd.s32 $0xFFFFFC00  }
0x28: {  	[bflag:$0x0] =	sbarrier.arrive $0xFFFF  }
0x29: {  	[tilespmem:s15], [sflag:$0x1] =	stream.indirect.gather [hbm4b:s4+s14], $0x80, s11, s14, $0xb8;
	[tilespmem:$0x1F800] =	vst v63  }
0x2a: {  	s3 =	simm.s32 $0x13C10;
	s5 =	simm.s32 $0x1BC00  }
0x2b: {  	[tilespmem:s5], [sflag:$0x2] =	stream.indirect.gather [hbm4b:s4+s14], $0x80, s3, s14, $0xb8;
	[tilespmem:$0x1F800] =	vst v63  }
0x2c: {  	s9 =	simm.s32 $0x13C20;
	s19 =	simm.s32 $0x1C400  }
0x2d: {  	[tilespmem:s19], [sflag:$0x3] =	stream.indirect.gather [hbm4b:s4+s14], $0x80, s9, s14, $0xb8;
	[tilespmem:$0x1F800] =	vst v63  }
0x2e: {  	s20 =	simm.s32 $0x13C30;
	s21 =	simm.s32 $0x1CC00  }
0x2f: {  	[tilespmem:s21], [sflag:$0x4] =	stream.indirect.gather [hbm4b:s4+s14], $0x80, s20, s14, $0xb8;
	[tilespmem:$0x1F800] =	vst v63  }
0x30: {  	s19 =	simm.s32 $0x0;
	s20 =	simm.s32 $0x2  }
.LBB2_4:
0x31: {  	s21 =	sshra.s32 s19, $0x2  }
0x32: {  	s3 =	sadd.s32 $0x13D00, s21  }
0x33: {  	[tilespmem:s22], [sflag:$0x5] =	stream.indirect.gather [hbm4b:s4+s14], $0x80, s3, s14, $0xb8;
	[tilespmem:$0x1F800] =	vst v63  }
0x34: {  	s7 =	sadd.s32 $0x13D10, s21  }
0x35: {  	[tilespmem:s23], [sflag:$0x6] =	stream.indirect.gather [hbm4b:s4+s14], $0x80, s7, s14, $0xb8;
	[tilespmem:$0x1F800] =	vst v63  }
0x36: {  	s9 =	sadd.s32 $0x13D20, s21  }
0x37: {  	[tilespmem:s24], [sflag:$0x7] =	stream.indirect.gather [hbm4b:s4+s14], $0x80, s9, s14, $0xb8;
	[tilespmem:$0x1F800] =	vst v63  }
0x38: {  	s5 =	sadd.s32 $0x13D30, s21  }
0x39: {  	[tilespmem:s25], [sflag:$0x8] =	stream.indirect.gather [hbm4b:s4+s14], $0x80, s5, s14, $0xb8;
	[tilespmem:$0x1F800] =	vst v63  }
0x3a: {  	_ =	swait.ge [sflag:s26], $0x800  }
0x3b: {  	[sflag:s26] =	ssyncset.done $0x0  }
0x3c: {  	[sflag:s26] =	ssyncadd.s32 $0xFFFFF800  }
0x3d: {  	_ =	swait.ge [sflag:s28], $0x800  }
0x3e: {  	[sflag:s28] =	ssyncset.done $0x0  }
0x3f: {  	[sflag:s28] =	ssyncadd.s32 $0xFFFFF800  }
0x40: {  	_ =	swait.ge [sflag:s29], $0x800  }
0x41: {  	[sflag:s29] =	ssyncset.done $0x0  }
0x42: {  	[sflag:s29] =	ssyncadd.s32 $0xFFFFF800  }
0x43: {  	_ =	swait.ge [sflag:s30], $0x800  }
0x44: {  	[sflag:s30] =	ssyncset.done $0x0  }
0x45: {  	s7 =	sadd.s32 $0x13C80, s21;
	[sflag:s30] =	ssyncadd.s32 $0xFFFFF800  }
0x46: {  	[spmem:s2] =	stream.indirect.scatter.add.f32 [tilespmem:s15], [sflag:$0x9], $0x80, s7, s31, $0xb8;
	[tilespmem:$0x1F800] =	vst v63  }
0x47: {  	p0 =	sge.u32 s20, s6;
	_ =	swait.ge [sflag:s12], $0x2000  }
0x48: {  	s3 =	sshra.s32 @!p0 s19, $0x2;
	s9 =	simm.s32 @!p0 $0x1B400;
	[sflag:s12] =	ssyncset.done $0x0  }
0x49: {  	s5 =	sadd.s32 @!p0 $0x13E00, s3;
	s7 =	simm.s32 @!p0 $0x10;
	[sflag:s12] =	ssyncadd.s32 $0xFFFFE000  }
0x4a: {  	[tilespmem:s9], [sflag:$0x1] =	stream.indirect.gather @!p0 [hbm4b:s4+s7], $0x80, s5, s7, $0xb8;
	[tilespmem:$0x1F800] =	vst v63  }
0x4b: {  	s5 =	sadd.s32 @!p0 $0x13E10, s3;
	s9 =	simm.s32 @!p0 $0x1BC00  }
0x4c: {  	[tilespmem:s9], [sflag:$0x2] =	stream.indirect.gather @!p0 [hbm4b:s4+s7], $0x80, s5, s7, $0xb8;
	[tilespmem:$0x1F800] =	vst v63  }
0x4d: {  	s5 =	sadd.s32 @!p0 $0x13E20, s3;
	s9 =	simm.s32 @!p0 $0x1C400  }
0x4e: {  	[tilespmem:s9], [sflag:$0x3] =	stream.indirect.gather @!p0 [hbm4b:s4+s7], $0x80, s5, s7, $0xb8;
	[tilespmem:$0x1F800] =	vst v63  }
0x4f: {  	s3 =	sadd.s32 @!p0 $0x13E30, s3;
	s5 =	simm.s32 @!p0 $0x1CC00  }
0x50: {  	[tilespmem:s5], [sflag:$0x4] =	stream.indirect.gather @!p0 [hbm4b:s4+s7], $0x80, s3, s7, $0xb8;
	[tilespmem:$0x1F800] =	vst v63  }
0x51: {  	_ =	swait.ge [sflag:s0], $0x800  }
0x52: {  	[sflag:s0] =	ssyncset.done $0x0  }
0x53: {  	[sflag:s0] =	ssyncadd.s32 $0xFFFFF800  }
0x54: {  	_ =	swait.ge [sflag:s1], $0x800  }
0x55: {  	[sflag:s1] =	ssyncset.done $0x0  }
0x56: {  	[sflag:s1] =	ssyncadd.s32 $0xFFFFF800  }
0x57: {  	_ =	swait.ge [sflag:s16], $0x800  }
0x58: {  	[sflag:s16] =	ssyncset.done $0x0  }
0x59: {  	[sflag:s16] =	ssyncadd.s32 $0xFFFFF800  }
0x5a: {  	_ =	swait.ge [sflag:s17], $0x800  }
0x5b: {  	[sflag:s17] =	ssyncset.done $0x0  }
0x5c: {  	s9 =	sadd.s32 $0x13D80, s21;
	[sflag:s17] =	ssyncadd.s32 $0xFFFFF800  }
0x5d: {  	[spmem:s2] =	stream.indirect.scatter.add.f32 [tilespmem:s22], [sflag:$0x9], $0x80, s9, s31, $0xb8;
	[tilespmem:$0x1F800] =	vst v63  }
0x5e: {  	_ =	swait.ge [sflag:s12], $0x2000  }
0x5f: {  	s19 =	sadd.s32 $0x800, s19;
	s21 =	rddreg [dreg:$0x4]  }
0x60: {  	p0 =	sne.s32 s21, s19  }
.Ltmp1:
0x61: {  	_ = 	snop;
	(pc) =	sbr.rel @p0 .LBB2_4-.Ltmp1, $3  }
0x62: {  	_ =	sdelay $0x1  }
0x63: {  	[sflag:s12] =	ssyncset.done $0x0  }
0x64: {  	s20 =	sadd.s32 $0x2, s20;
	[sflag:s12] =	ssyncadd.s32 $0xFFFFE000  }
0x65: {  	s3 =	sshra.s32 s19, $0x2  }
0x66: {  	s5 =	sadd.s32 $0x13D00, s3  }
0x67: {  	[tilespmem:s22], [sflag:$0x5] =	stream.indirect.gather [hbm4b:s4+s14], $0x80, s5, s14, $0xb8;
	[tilespmem:$0x1F800] =	vst v63  }
0x68: {  	s9 =	sadd.s32 $0x13D10, s3  }
0x69: {  	[tilespmem:s23], [sflag:$0x6] =	stream.indirect.gather [hbm4b:s4+s14], $0x80, s9, s14, $0xb8;
	[tilespmem:$0x1F800] =	vst v63  }
0x6a: {  	s21 =	sadd.s32 $0x13D20, s3  }
0x6b: {  	[tilespmem:s24], [sflag:$0x7] =	stream.indirect.gather [hbm4b:s4+s14], $0x80, s21, s14, $0xb8;
	[tilespmem:$0x1F800] =	vst v63  }
0x6c: {  	s7 =	sadd.s32 $0x13D30, s3  }
0x6d: {  	[tilespmem:s25], [sflag:$0x8] =	stream.indirect.gather [hbm4b:s4+s14], $0x80, s7, s14, $0xb8;
	[tilespmem:$0x1F800] =	vst v63  }
0x6e: {  	_ =	swait.ge [sflag:s26], $0x800  }
0x6f: {  	[sflag:s26] =	ssyncset.done $0x0  }
0x70: {  	[sflag:s26] =	ssyncadd.s32 $0xFFFFF800  }
0x71: {  	_ =	swait.ge [sflag:s28], $0x800  }
0x72: {  	[sflag:s28] =	ssyncset.done $0x0  }
0x73: {  	[sflag:s28] =	ssyncadd.s32 $0xFFFFF800  }
0x74: {  	_ =	swait.ge [sflag:s29], $0x800  }
0x75: {  	[sflag:s29] =	ssyncset.done $0x0  }
0x76: {  	[sflag:s29] =	ssyncadd.s32 $0xFFFFF800  }
0x77: {  	_ =	swait.ge [sflag:s30], $0x800  }
0x78: {  	[sflag:s30] =	ssyncset.done $0x0  }
0x79: {  	s9 =	sadd.s32 $0x13C80, s3;
	[sflag:s30] =	ssyncadd.s32 $0xFFFFF800  }
0x7a: {  	[spmem:s2] =	stream.indirect.scatter.add.f32 [tilespmem:s15], [sflag:$0x9], $0x80, s9, s31, $0xb8;
	[tilespmem:$0x1F800] =	vst v63  }
0x7b: {  	p0 =	sge.u32 s20, s6;
	_ =	swait.ge [sflag:s12], $0x2000  }
0x7c: {  	s5 =	sshra.s32 @!p0 s19, $0x2;
	s19 =	simm.s32 @!p0 $0x1B400;
	[sflag:s12] =	ssyncset.done $0x0  }
0x7d: {  	s7 =	sadd.s32 @!p0 $0x13E00, s5;
	s9 =	simm.s32 @!p0 $0x10;
	[sflag:s12] =	ssyncadd.s32 $0xFFFFE000  }
0x7e: {  	[tilespmem:s19], [sflag:$0x1] =	stream.indirect.gather @!p0 [hbm4b:s4+s9], $0x80, s7, s9, $0xb8;
	[tilespmem:$0x1F800] =	vst v63  }
0x7f: {  	s7 =	sadd.s32 @!p0 $0x13E10, s5;
	s19 =	simm.s32 @!p0 $0x1BC00  }
0x80: {  	[tilespmem:s19], [sflag:$0x2] =	stream.indirect.gather @!p0 [hbm4b:s4+s9], $0x80, s7, s9, $0xb8;
	[tilespmem:$0x1F800] =	vst v63  }
0x81: {  	s7 =	sadd.s32 @!p0 $0x13E20, s5;
	s19 =	simm.s32 @!p0 $0x1C400  }
0x82: {  	[tilespmem:s19], [sflag:$0x3] =	stream.indirect.gather @!p0 [hbm4b:s4+s9], $0x80, s7, s9, $0xb8;
	[tilespmem:$0x1F800] =	vst v63  }
0x83: {  	s5 =	sadd.s32 @!p0 $0x13E30, s5;
	s7 =	simm.s32 @!p0 $0x1CC00  }
0x84: {  	[tilespmem:s7], [sflag:$0x4] =	stream.indirect.gather @!p0 [hbm4b:s4+s9], $0x80, s5, s9, $0xb8;
	[tilespmem:$0x1F800] =	vst v63  }
0x85: {  	_ =	swait.ge [sflag:s0], $0x800  }
0x86: {  	[sflag:s0] =	ssyncset.done $0x0  }
0x87: {  	[sflag:s0] =	ssyncadd.s32 $0xFFFFF800  }
0x88: {  	_ =	swait.ge [sflag:s1], $0x800  }
0x89: {  	[sflag:s1] =	ssyncset.done $0x0  }
0x8a: {  	[sflag:s1] =	ssyncadd.s32 $0xFFFFF800  }
0x8b: {  	_ =	swait.ge [sflag:s16], $0x800  }
0x8c: {  	[sflag:s16] =	ssyncset.done $0x0  }
0x8d: {  	[sflag:s16] =	ssyncadd.s32 $0xFFFFF800  }
0x8e: {  	_ =	swait.ge [sflag:s17], $0x800  }
0x8f: {  	[sflag:s17] =	ssyncset.done $0x0  }
0x90: {  	s3 =	sadd.s32 $0x13D80, s3;
	[sflag:s17] =	ssyncadd.s32 $0xFFFFF800  }
0x91: {  	[spmem:s2] =	stream.indirect.scatter.add.f32 [tilespmem:s22], [sflag:$0x9], $0x80, s3, s31, $0xb8;
	[tilespmem:$0x1F800] =	vst v63  }
0x92: {  	_ =	swait.ge [sflag:s12], $0x2000  }
0x93: {  	s20 =	sshrl.u32 s8, $0x3;
	[sflag:s12] =	ssyncset.done $0x0  }
0x94: {  	s18 =	sadd.s32 $0x1, s18;
	s19 =	stileid.u32;
	[sflag:s12] =	ssyncadd.s32 $0xFFFFE000  }
0x95: {  	p0 =	sne.s32 s18, s10;
	s3 =	sshll.u32 s19, $0x6;
	[bflag:$0x0] =	sbarrier.arrive $0xFFFF  }
.Ltmp2:
0x96: {  	s3 =	sor.u32 $0x1C09, s3;
	s21 =	rddreg [dreg:$0x7];
	(pc) =	sbr.rel @p0 .LBB2_1-.Ltmp2, $4  }
0x97: {  	[hbm:s21], [sflag:s3] =	dma.local [spmem:s20], $0x2780  }
0x98: {  	_ =	swait.ge [sflag:s12], $0x2780  }
0x99: {  	[sflag:s12] =	ssyncset.done $0x0  }
0x9a: {  	[sflag:s12] =	ssyncadd.s32 $0xFFFFD880  }
0x9b: {  	_ =	sfence.sel $0x180000  }
0x9c: {  	[bflag:$0x0] =	sbarrier.arrive $0xFFFF  }
0x9d: {  	_ =	strace $0x9000004A  }
0x9e: {  	s0 =	stileid.u32;
	[bflag:$0x2] =	sbarrier.arrive $0xFFFF  }
0x9f: {  	p0 =	sne.s32 s0, $0x0;
	s0 =	rddreg [dreg:$0x3]  }
0xa0: {  	s0 =	sadd.s32 @!p0 $0x100000, s0  }
0xa1: {  	[sflag:s0] =	ssyncadd.tile.s32 @!p0 $0x1;
	_ =	shalt  }
.Lfunc_end2:
_tile_overlayer_lowered:
.L_overlay_start_2:
0xa2: {  	(tag) =	ssettag $0x2  }
0xa3: {  	s0 =	rddreg [dreg:$0x0];
	s2 =	stileid.u32  }
0xa4: {  	s1 =	rddreg [dreg:$0x1];
	p0 =	sne.s32 s2, $0x0  }
0xa5: {  	s3 =	rddreg [dreg:$0x2];
	[bflag:$0x3] =	sbarrier.arrive $0xFFFF;
	s2 =	simm.s32 @!p0 $0x1C09  }
0xa6: {  	[timem:s3], [sflag:s2] =	dma.local @!p0 [hbm:s0], s1  }
0xa7: {  	s0 =	simm.s32 @!p0 $0x9  }
0xa8: {  	_ =	swait.ge @!p0 [sflag:s0], s1  }
0xa9: {  	s1 =	ssub.s32 @!p0 $0x0, s1;
	[sflag:s0] =	ssyncset.done @!p0 $0x0  }
0xaa: {  	[sflag:s0] =	ssyncadd.s32 @!p0 s1  }
0xab: {  	[bflag:$0x3] =	sbarrier.arrive $0xFFFF  }
0xac: {  	_ =	shalt  }

// kernel: kernel.14.cloned.1.call-start
scs
__scs_entry_jumppad:
0x0: {  	(pc) =	sbr.rel $0x88, $3  }
0x1: {  	(tag) =	ssettag $0x0;
	lr =	simm.s32 $0x1  }
0x2: {  	[smem:$0x3F98] =	sst lr;
	_ =	strace $0xD0000000  }
0x3: {  	_ = 	snop  }
0x4: {  	_ = 	snop  }
0x5: {  	_ = 	snop  }
0x6: {  	_ = 	snop  }
0x7: {  	_ = 	snop  }
__scs_overlays_trampoline_lowered:
0x8: {  	[smem:$0x3FA7] =	sst s0  }
0x9: {  	[smem:$0x3FA8] =	sst s1  }
0xa: {  	[smem:$0x3FA9] =	sst s2  }
0xb: {  	[smem:$0x3FAA] =	sst s3  }
0xc: {  	[smem:$0x3FAB] =	sst s4  }
0xd: {  	[smem:$0x3FAC] =	sst s5  }
0xe: {  	[smem:$0x3FAD] =	sst s6  }
0xf: {  	[smem:$0x3FAE] =	sst s7  }
0x10: {  	[smem:$0x3FAF] =	sst s8  }
0x11: {  	[smem:$0x3FB0] =	sst s9;
	s0 =	simm.s32 @!p0 $0x0  }
0x12: {  	s1 =	sld [smem:$0x3F96];
	s0 =	simm.s32 @p0 $0x1  }
0x13: {  	[smem:$0x3FB1] =	sst s0;
	s0 =	simm.s32 @!p1 $0x0  }
0x14: {  	s2 =	sld [smem:$0x3F95];
	s0 =	simm.s32 @p1 $0x1  }
0x15: {  	[smem:$0x3FB2] =	sst s0;
	s0 =	simm.s32 @!p2 $0x0  }
0x16: {  	s3 =	sld [smem:$0x3FDB];
	s0 =	simm.s32 @p2 $0x1  }
0x17: {  	s4 =	simm.s32 $0x1BF5;
	[smem:$0x3FB4] =	sst s0  }
0x18: {  	s0 =	sld [smem:$0x3F97];
	_ =	swait.ge [sflag:s4], $0x0  }
0x19: {  	s7 =	sld [smem:$0x3F98]  }
0x1a: {  	s8 =	sadd.s32 $0xFFFFE003, lr  }
0x1b: {  	s9 =	sadd.s32 $0xFFFFFEF7, lr;
	s5 =	simm.s32 $0xFFFFFFFF;
	p2 =	slt.u32 s8, $0xFFFFF086  }
0x1c: {  	p1 =	slt.u32 s9, $0xF7A;
	s5 =	simm.s32 @!p2 $0x0  }
0x1d: {  	s5 =	simm.s32 @p1 $0x1;
	p0 =	seq.s32 s7, s2  }
0x1e: {  	s7 =	smul.u32 @!p0 $0xF7A, s2;
	p2 =	seq.s32 @!p0 s5, $0x0  }
0x1f: {  	s9 =	smul.u32 $0xF7A, s1;
	s8 =	simm.s32 @!p0 $0x1BF5;
	p2 =	por !p2, p0  }
0x20: {  	[sflag:s8] =	ssyncset.s32 @!p0 $0xFFFFF086;
	s6 =	sadd.s32 @!p0 s3, s7;
	s7 =	simm.s32 @!p0 $0x108  }
0x21: {  	s3 =	sadd.s32 s3, s9;
	s6 =	sadd.s32 @!p0 $0x88, s6;
	s7 =	simm.s32 @p2 $0x1082  }
0x22: {  	[simem:s7], [sflag:s8] =	dma.local @!p0 [hbm:s6], $0xF7A  }
0x23: {  	s9 =	sor.u32 $0xD0000000, s2;
	s6 =	simm.s32 $0x108;
	_ =	swait.ge @!p0 [sflag:s8], $0x0  }
0x24: {  	s3 =	sadd.s32 $0x88, s3;
	s6 =	simm.s32 @!p1 $0x1082;
	[sflag:s4] =	ssyncset.s32 $0xFFFFF086  }
0x25: {  	[simem:s6], [sflag:s4] =	dma.local [hbm:s3], $0xF7A  }
0x26: {  	[smem:$0x3F98] =	sst s1;
	(tag) =	ssettag s2;
	_ =	strace s9  }
0x27: {  	s1 =	sld [smem:$0x3FA8]  }
0x28: {  	s2 =	sld [smem:$0x3FA9]  }
0x29: {  	s4 =	sld [smem:$0x3FAB]  }
0x2a: {  	p0 =	seq.s32 s5, $0x0;
	s5 =	sld [smem:$0x3FAC]  }
0x2b: {  	s6 =	sld [smem:$0x3FAD]  }
0x2c: {  	s7 =	sld [smem:$0x3FAE]  }
0x2d: {  	s3 =	simm.s32 $0x108;
	s8 =	sld [smem:$0x3FAF]  }
0x2e: {  	s3 =	simm.s32 @!p0 $0x1082;
	s9 =	sld [smem:$0x3FB0]  }
0x2f: {  	lr =	sadd.s32 s0, s3;
	s0 =	sld [smem:$0x3FA7]  }
0x30: {  	s3 =	sld [smem:$0x3FAA]  }
0x31: {  	[smem:$0x3FB3] =	sst s10  }
0x32: {  	s10 =	sld [smem:$0x3FB1];
	_ =	sdelay $0x3  }
0x33: {  	p0 =	seq.s32 s10, $0x1;
	s10 =	sld [smem:$0x3FB3];
	_ =	sdelay $0x3  }
0x34: {  	[smem:$0x3FB3] =	sst s10  }
0x35: {  	s10 =	sld [smem:$0x3FB2];
	_ =	sdelay $0x3  }
0x36: {  	p1 =	seq.s32 s10, $0x1;
	s10 =	sld [smem:$0x3FB3];
	_ =	sdelay $0x3  }
0x37: {  	[smem:$0x3FB3] =	sst s10  }
0x38: {  	s10 =	sld [smem:$0x3FB4]  }
0x39: {  	_ = 	snop;
	(pc) =	sbr.ind lr, $3  }
0x3a: {  	_ = 	snop  }
0x3b: {  	_ = 	snop  }
0x3c: {  	p2 =	seq.s32 s10, $0x1;
	s10 =	sld [smem:$0x3FB3]  }
0x3d: {  	_ =	shalt  }
0x3e: {  	_ =	shalt  }
0x3f: {  	_ =	shalt  }
0x40: {  	_ =	shalt  }
0x41: {  	_ =	shalt  }
0x42: {  	_ =	shalt  }
0x43: {  	_ =	shalt  }
0x44: {  	_ =	shalt  }
0x45: {  	_ =	shalt  }
0x46: {  	_ =	shalt  }
0x47: {  	_ =	shalt  }
0x48: {  	_ =	shalt  }
0x49: {  	_ =	shalt  }
0x4a: {  	_ =	shalt  }
0x4b: {  	_ =	shalt  }
0x4c: {  	_ =	shalt  }
0x4d: {  	_ =	shalt  }
0x4e: {  	_ =	shalt  }
0x4f: {  	_ =	shalt  }
0x50: {  	_ =	shalt  }
0x51: {  	_ =	shalt  }
0x52: {  	_ =	shalt  }
0x53: {  	_ =	shalt  }
0x54: {  	_ =	shalt  }
0x55: {  	_ =	shalt  }
0x56: {  	_ =	shalt  }
0x57: {  	_ =	shalt  }
0x58: {  	_ =	shalt  }
0x59: {  	_ =	shalt  }
0x5a: {  	_ =	shalt  }
0x5b: {  	_ =	shalt  }
0x5c: {  	_ =	shalt  }
0x5d: {  	_ =	shalt  }
0x5e: {  	_ =	shalt  }
0x5f: {  	_ =	shalt  }
0x60: {  	_ =	shalt  }
0x61: {  	_ =	shalt  }
0x62: {  	_ =	shalt  }
0x63: {  	_ =	shalt  }
0x64: {  	_ =	shalt  }
0x65: {  	_ =	shalt  }
0x66: {  	_ =	shalt  }
0x67: {  	_ =	shalt  }
0x68: {  	_ =	shalt  }
0x69: {  	_ =	shalt  }
0x6a: {  	_ =	shalt  }
0x6b: {  	_ =	shalt  }
0x6c: {  	_ =	shalt  }
0x6d: {  	_ =	shalt  }
0x6e: {  	_ =	shalt  }
0x6f: {  	_ =	shalt  }
0x70: {  	_ =	shalt  }
0x71: {  	_ =	shalt  }
0x72: {  	_ =	shalt  }
0x73: {  	_ =	shalt  }
0x74: {  	_ =	shalt  }
0x75: {  	_ =	shalt  }
0x76: {  	_ =	shalt  }
0x77: {  	_ =	shalt  }
0x78: {  	_ =	shalt  }
0x79: {  	_ =	shalt  }
0x7a: {  	_ =	shalt  }
0x7b: {  	_ =	shalt  }
0x7c: {  	_ =	shalt  }
0x7d: {  	_ =	shalt  }
0x7e: {  	_ =	shalt  }
0x7f: {  	_ =	shalt  }
0x80: {  	_ =	shalt  }
0x81: {  	_ =	shalt  }
0x82: {  	_ =	shalt  }
0x83: {  	_ =	shalt  }
0x84: {  	_ =	shalt  }
0x85: {  	_ =	shalt  }
0x86: {  	_ =	shalt  }
0x87: {  	_ =	shalt  }
.Lfunc_end0:
.L_simem_size_0:
called_computation.2_lowered:
.L_overlay_start_0:
0x88: {  	s2 =	sld [smem:$0x3FD9]  }
0x89: {  	s3 =	sld [smem:$0x3FFE];
	_ =	sdelay $0x1  }
0x8a: {  	s1 =	srdreg.scid  }
0x8b: {  	s0 =	sand.u32 $0x1, s1  }
0x8c: {  	s17 =	sshll.u32 s0, $0xA;
	s2 =	sadd.s32 s3, s2  }
0x8d: {  	s2 =	sadd.s32 s2, s17  }
0x8e: {  	[smem:$0x3FBF] =	sst s2  }
0x8f: {  	_ = 	snop  }
0x90: {  	s2 =	sld [smem:$0x3FD0];
	(tm) =	ssettm $0x1  }
0x91: {  	s18 =	sld [smem:$0x3FFB];
	_ =	sdelay $0x3  }
0x92: {  	_ =	strace s18  }
0x93: {  	s3 =	sld [smem:$0x3FFC];
	_ =	sdelay $0x3  }
0x94: {  	_ =	strace s3  }
0x95: {  	s3 =	sld [smem:$0x3FFD];
	_ =	sdelay $0x3  }
0x96: {  	_ =	strace s3  }
0x97: {  	_ =	strace $0x8FFFFFFF  }
0x98: {  	s19 =	sld [smem:$0x3FDB];
	_ =	sdelay $0x1  }
0x99: {  	s4 =	simm.s32 $_scs_section_size  }
0x9a: {  	s5 =	simm.s32 $_size__tile_overlayer_lowered;
	s6 =	simm.s32 $_tile_overlayer_lowered  }
0x9b: {  	s22 =	simm.s32 $0x1BFF;
	s21 =	sshll.u32 s6, $0x1;
	s3 =	sadd.s32 s4, s19  }
0x9c: {  	s7 =	simm.s32 $0x0;
	s20 =	sshll.u32 s5, $0x1;
	s5 =	sadd.s32 s21, s3  }
0x9d: {  	[timem:s7], [sflag:s22] =	dma.local [hbm:s5], s20  }
0x9e: {  	_ =	swait.ge [sflag:s22], s20  }
0x9f: {  	s4 =	ssub.s32 $0x0, s20;
	[sflag:s22] =	ssyncset.done $0x0  }
0xa0: {  	[sflag:s22] =	ssyncadd.s32 s4;
	_ =	sdelay $0x1  }
0xa1: {  	s23 =	simm.s32 $0x1B8B  }
0xa2: {  	_ =	swait.ge [sflag:s23], $0x1  }
0xa3: {  	[sflag:s23] =	ssyncset.done $0x0  }
0xa4: {  	s25 =	simm.s32 $0x1B8E;
	s24 =	sld [smem:$0x3FFE];
	[sflag:s23] =	ssyncadd.s32 $0xFFFFFFFF  }
0xa5: {  	s26 =	simm.s32 $execute0_lowered;
	[smem:$0x3FD2] =	sst s25  }
0xa6: {  	s5 =	sshll.u32 s26, $0x1;
	_ =	strace $0x8000004C;
	[dreg:$0x1] =	wrdreg $0xFFFFFFFF  }
0xa7: {  	s28 =	simm.s32 $_size_execute0_lowered;
	s3 =	sadd.s32 s3, s5;
	[dreg:$0x0] =	wrdreg $0x0  }
0xa8: {  	s5 =	sshll.u32 s28, $0x1;
	[dreg:$0x2] =	wrdreg s3  }
0xa9: {  	[dreg:$0x3] =	wrdreg s5  }
0xaa: {  	[dreg:$0x4] =	wrdreg $0xC0  }
0xab: {  	_ =	task [dreg:s7], $0x5FFFF  }
0xac: {  	[dreg:$0x1] =	wrdreg $0xFFFFFFFF  }
0xad: {  	[dreg:$0x0] =	wrdreg $0x60  }
0xae: {  	[dreg:$0x2] =	wrdreg s24  }
0xaf: {  	[dreg:$0x3] =	wrdreg s2  }
0xb0: {  	[dreg:$0x4] =	wrdreg $0x0  }
0xb1: {  	[dreg:$0x5] =	wrdreg $0x9  }
0xb2: {  	_ =	task.clear_ibuf [dreg:s7], $0x6FFFF;
	_ =	strace $0x9000004C  }
0xb3: {  	s29 =	simm.s32 $0x9;
	_ =	strace $0x8000004E  }
0xb4: {  	_ =	swait.ge [sflag:s29], $0x1  }
0xb5: {  	[sflag:s29] =	ssyncadd.s32 $0xFFFFFFFF  }
0xb6: {  	_ =	strace $0x9000004E  }
0xb7: {  	_ =	sfence  }
0xb8: {  	s30 =	sld [smem:$0x0];
	_ =	sdelay $0x2  }
0xb9: {  	s31 =	sshll.u32 s1, $0xD;
	s1 =	sshrl.u32 s1, $0x2  }
0xba: {  	s3 =	sand.u32 $0x4000, s31;
	s1 =	sadd.s32 s1, s30  }
0xbb: {  	s0 =	sor.u32 s3, s0;
	s1 =	sshll.u32 s1, $0x11  }
0xbc: {  	s0 =	sor.u32 s1, s0  }
0xbd: {  	s0 =	sadd.s32 $0x8F2B, s0  }
0xbe: {  	[sflag:s0] =	ssyncadd.remote.s32 $0x1  }
0xbf: {  	_ =	sfence.sel $0xFFFF  }
0xc0: {  	[dreg:$0x0] =	wrdreg $0xFFFFFFFF;
	(pc) =	sbr.abs _section_cstart, $3  }
0xc1: {  	[dreg:$0x1] =	wrdreg $0xFFFFFFFF  }
0xc2: {  	_ =	task.clear_ibuf [dreg:s7], $0x2FFFF;
	_ =	strace $0x9FFFFFFF  }
0xc3: {  	(tm) =	ssettm $0x7FFFFFFF  }
tec
execute0_lowered:
.L_overlay_start_1:
0x0: {  	(tag) =	ssettag $0x1  }
0x1: {  	s0 =	rddreg [dreg:$0x0]  }
0x2: {  	s1 =	rddreg [dreg:$0x1]  }
0x3: {  	s2 =	rddreg [dreg:$0x2]  }
0x4: {  	s4 =	srdreg.scid;
	s3 =	stileid.u32;
	s5 =	simm.s32 $0x0  }
0x5: {  	s12 =	simm.s32 $0x9;
	s13 =	simm.s32 $0x1F400;
	s14 =	simm.s32 $0x10  }
0x6: {  	s15 =	simm.s32 $0x1B400;
	s28 =	simm.s32 $0x2;
	s29 =	simm.s32 $0x3  }
0x7: {  	s30 =	simm.s32 $0x4;
	s31 =	simm.s32 $0x40;
	s7 =	smul.u32 $0x2780, s3  }
0x8: {  	s16 =	simm.s32 $0x7;
	s17 =	simm.s32 $0x8;
	s21 =	smul.u32 $0x28, s3  }
0x9: {  	s18 =	simm.s32 $0x0;
	s6 =	sand.u32 $0x1, s4;
	s9 =	smul.u32 $0x78, s3  }
0xa: {  	[smem:$0x7FF] =	sst s5;
	s4 =	sadd.s32 $0x1BA800, s0;
	s23 =	smul.u32 $0x4F000, s3  }
0xb: {  	s20 =	sadd.s32 $0x7600, s0;
	s8 =	smul.u32 $0x27800, s6;
	_ =	strace $0x8000004D  }
0xc: {  	s22 =	ssub.s32 $0x2, s6;
	p0 =	seq.s32 s6, $0x0;
	s6 =	simm.s32 $0x78  }
0xd: {  	[dreg:$0x5] =	wrdreg s20;
	s10 =	sshrl.u32 s22, $0x1;
	s6 =	simm.s32 @!p0 $0x28  }
0xe: {  	s25 =	sshrl.u32 s23, $0x2;
	s23 =	simm.s32 $0x1DC00;
	s7 =	sadd.s32 s7, s8  }
0xf: {  	s8 =	sadd.s32 $0x780, s21;
	s10 =	ssub.s32 s22, s10;
	s11 =	sshll.u32 s6, $0xA  }
0x10: {  	s22 =	simm.s32 $0x1D400;
	s0 =	sadd.s32 s7, s0;
	s8 =	smov.u32 @p0 s9  }
0x11: {  	s26 =	sadd.s32 $0xFFFFF800, s11;
	s10 =	smax.u32 s10, $0x1;
	s11 =	simm.s32 $0x13C00  }
0x12: {  	s24 =	sshll.u32 s8, $0x5;
	s8 =	sadd.s32 s25, s2;
	s0 =	sadd.s32 $0x7800, s0  }
0x13: {  	[dreg:$0x4] =	wrdreg s26;
	s25 =	simm.s32 $0x1EC00;
	s26 =	simm.s32 $0x1  }
0x14: {  	s1 =	sadd.s32 s1, s24;
	[dreg:$0x7] =	wrdreg s0;
	s24 =	simm.s32 $0x1E400  }
0x15: {  	s0 =	simm.s32 $0x5;
	[dreg:$0x6] =	wrdreg s1;
	s1 =	simm.s32 $0x6  }
.LBB2_1:
0x16: {  	s3 =	simm.s32 $0x0;
	s5 =	rddreg [dreg:$0x6]  }
0x17: {  	[tilespmem:s11], [sflag:$0x9] =	stream.linear.gather [hbm4b:s5+s3], $0x7800, $0x38;
	[tilespmem:$0x1F800] =	vst v63  }
0x18: {  	_ =	swait.ge [sflag:s12], $0x7800  }
0x19: {  	[sflag:s12] =	ssyncset.done $0x0  }
0x1a: {  	s21 =	rddreg [dreg:$0x5];
	[sflag:s12] =	ssyncadd.s32 $0xFFFF8800  }
0x1b: {  	[tilespmem:s13], [sflag:$0x9] =	stream.linear.gather [hbm4b:s21+s3], $0x400, $0x38;
	[tilespmem:$0x1F800] =	vst v63  }
0x1c: {  	_ =	swait.ge [sflag:s12], $0x400  }
0x1d: {  	[sflag:s12] =	ssyncset.done $0x0  }
0x1e: {  	s19 =	sadd.s32 $0x0, s8;
	[sflag:s12] =	ssyncadd.s32 $0xFFFFFC00  }
0x1f: {  	[spmem:s19] =	stream.linear.scatter [tilespmem:s13], [sflag:$0x9], $0x400, $0x38;
	[tilespmem:$0x1F800] =	vst v63  }
0x20: {  	s19 =	simm.s32 $0x1000;
	_ =	swait.ge [sflag:s12], $0x400  }
.LBB2_2:
0x21: {  	s20 =	sshra.s32 s19, $0x2;
	[sflag:s12] =	ssyncset.done $0x0;
	p0 =	sne.s32 s19, $0x4E000  }
.Ltmp0:
0x22: {  	s20 =	sadd.s32 s20, s8;
	[sflag:s12] =	ssyncadd.s32 $0xFFFFFC00;
	(pc) =	sbr.rel @p0 .LBB2_2-.Ltmp0, $3  }
0x23: {  	[spmem:s20] =	stream.linear.scatter [tilespmem:s13], [sflag:$0x9], $0x400, $0x38;
	[tilespmem:$0x1F800] =	vst v63  }
0x24: {  	s19 =	sadd.s32 $0x1000, s19;
	_ =	sdelay $0x1  }
0x25: {  	_ =	swait.ge [sflag:s12], $0x400  }
0x26: {  	[sflag:s12] =	ssyncset.done $0x0  }
0x27: {  	[sflag:s12] =	ssyncadd.s32 $0xFFFFFC00  }
0x28: {  	[bflag:$0x0] =	sbarrier.arrive $0xFFFF  }
0x29: {  	[tilespmem:s15], [sflag:$0x1] =	stream.indirect.gather [hbm4b:s4+s14], $0x80, s11, s14, $0xb8;
	[tilespmem:$0x1F800] =	vst v63  }
0x2a: {  	s3 =	simm.s32 $0x13C10;
	s5 =	simm.s32 $0x1BC00  }
0x2b: {  	[tilespmem:s5], [sflag:$0x2] =	stream.indirect.gather [hbm4b:s4+s14], $0x80, s3, s14, $0xb8;
	[tilespmem:$0x1F800] =	vst v63  }
0x2c: {  	s9 =	simm.s32 $0x13C20;
	s19 =	simm.s32 $0x1C400  }
0x2d: {  	[tilespmem:s19], [sflag:$0x3] =	stream.indirect.gather [hbm4b:s4+s14], $0x80, s9, s14, $0xb8;
	[tilespmem:$0x1F800] =	vst v63  }
0x2e: {  	s20 =	simm.s32 $0x13C30;
	s21 =	simm.s32 $0x1CC00  }
0x2f: {  	[tilespmem:s21], [sflag:$0x4] =	stream.indirect.gather [hbm4b:s4+s14], $0x80, s20, s14, $0xb8;
	[tilespmem:$0x1F800] =	vst v63  }
0x30: {  	s19 =	simm.s32 $0x0;
	s20 =	simm.s32 $0x2  }
.LBB2_4:
0x31: {  	s21 =	sshra.s32 s19, $0x2  }
0x32: {  	s3 =	sadd.s32 $0x13D00, s21  }
0x33: {  	[tilespmem:s22], [sflag:$0x5] =	stream.indirect.gather [hbm4b:s4+s14], $0x80, s3, s14, $0xb8;
	[tilespmem:$0x1F800] =	vst v63  }
0x34: {  	s7 =	sadd.s32 $0x13D10, s21  }
0x35: {  	[tilespmem:s23], [sflag:$0x6] =	stream.indirect.gather [hbm4b:s4+s14], $0x80, s7, s14, $0xb8;
	[tilespmem:$0x1F800] =	vst v63  }
0x36: {  	s9 =	sadd.s32 $0x13D20, s21  }
0x37: {  	[tilespmem:s24], [sflag:$0x7] =	stream.indirect.gather [hbm4b:s4+s14], $0x80, s9, s14, $0xb8;
	[tilespmem:$0x1F800] =	vst v63  }
0x38: {  	s5 =	sadd.s32 $0x13D30, s21  }
0x39: {  	[tilespmem:s25], [sflag:$0x8] =	stream.indirect.gather [hbm4b:s4+s14], $0x80, s5, s14, $0xb8;
	[tilespmem:$0x1F800] =	vst v63  }
0x3a: {  	_ =	swait.ge [sflag:s26], $0x800  }
0x3b: {  	[sflag:s26] =	ssyncset.done $0x0  }
0x3c: {  	[sflag:s26] =	ssyncadd.s32 $0xFFFFF800  }
0x3d: {  	_ =	swait.ge [sflag:s28], $0x800  }
0x3e: {  	[sflag:s28] =	ssyncset.done $0x0  }
0x3f: {  	[sflag:s28] =	ssyncadd.s32 $0xFFFFF800  }
0x40: {  	_ =	swait.ge [sflag:s29], $0x800  }
0x41: {  	[sflag:s29] =	ssyncset.done $0x0  }
0x42: {  	[sflag:s29] =	ssyncadd.s32 $0xFFFFF800  }
0x43: {  	_ =	swait.ge [sflag:s30], $0x800  }
0x44: {  	[sflag:s30] =	ssyncset.done $0x0  }
0x45: {  	s7 =	sadd.s32 $0x13C80, s21;
	[sflag:s30] =	ssyncadd.s32 $0xFFFFF800  }
0x46: {  	[spmem:s2] =	stream.indirect.scatter.add.f32 [tilespmem:s15], [sflag:$0x9], $0x80, s7, s31, $0xb8;
	[tilespmem:$0x1F800] =	vst v63  }
0x47: {  	p0 =	sge.u32 s20, s6;
	_ =	swait.ge [sflag:s12], $0x2000  }
0x48: {  	s3 =	sshra.s32 @!p0 s19, $0x2;
	s9 =	simm.s32 @!p0 $0x1B400;
	[sflag:s12] =	ssyncset.done $0x0  }
0x49: {  	s5 =	sadd.s32 @!p0 $0x13E00, s3;
	s7 =	simm.s32 @!p0 $0x10;
	[sflag:s12] =	ssyncadd.s32 $0xFFFFE000  }
0x4a: {  	[tilespmem:s9], [sflag:$0x1] =	stream.indirect.gather @!p0 [hbm4b:s4+s7], $0x80, s5, s7, $0xb8;
	[tilespmem:$0x1F800] =	vst v63  }
0x4b: {  	s5 =	sadd.s32 @!p0 $0x13E10, s3;
	s9 =	simm.s32 @!p0 $0x1BC00  }
0x4c: {  	[tilespmem:s9], [sflag:$0x2] =	stream.indirect.gather @!p0 [hbm4b:s4+s7], $0x80, s5, s7, $0xb8;
	[tilespmem:$0x1F800] =	vst v63  }
0x4d: {  	s5 =	sadd.s32 @!p0 $0x13E20, s3;
	s9 =	simm.s32 @!p0 $0x1C400  }
0x4e: {  	[tilespmem:s9], [sflag:$0x3] =	stream.indirect.gather @!p0 [hbm4b:s4+s7], $0x80, s5, s7, $0xb8;
	[tilespmem:$0x1F800] =	vst v63  }
0x4f: {  	s3 =	sadd.s32 @!p0 $0x13E30, s3;
	s5 =	simm.s32 @!p0 $0x1CC00  }
0x50: {  	[tilespmem:s5], [sflag:$0x4] =	stream.indirect.gather @!p0 [hbm4b:s4+s7], $0x80, s3, s7, $0xb8;
	[tilespmem:$0x1F800] =	vst v63  }
0x51: {  	_ =	swait.ge [sflag:s0], $0x800  }
0x52: {  	[sflag:s0] =	ssyncset.done $0x0  }
0x53: {  	[sflag:s0] =	ssyncadd.s32 $0xFFFFF800  }
0x54: {  	_ =	swait.ge [sflag:s1], $0x800  }
0x55: {  	[sflag:s1] =	ssyncset.done $0x0  }
0x56: {  	[sflag:s1] =	ssyncadd.s32 $0xFFFFF800  }
0x57: {  	_ =	swait.ge [sflag:s16], $0x800  }
0x58: {  	[sflag:s16] =	ssyncset.done $0x0  }
0x59: {  	[sflag:s16] =	ssyncadd.s32 $0xFFFFF800  }
0x5a: {  	_ =	swait.ge [sflag:s17], $0x800  }
0x5b: {  	[sflag:s17] =	ssyncset.done $0x0  }
0x5c: {  	s9 =	sadd.s32 $0x13D80, s21;
	[sflag:s17] =	ssyncadd.s32 $0xFFFFF800  }
0x5d: {  	[spmem:s2] =	stream.indirect.scatter.add.f32 [tilespmem:s22], [sflag:$0x9], $0x80, s9, s31, $0xb8;
	[tilespmem:$0x1F800] =	vst v63  }
0x5e: {  	_ =	swait.ge [sflag:s12], $0x2000  }
0x5f: {  	s19 =	sadd.s32 $0x800, s19;
	s21 =	rddreg [dreg:$0x4]  }
0x60: {  	p0 =	sne.s32 s21, s19  }
.Ltmp1:
0x61: {  	_ = 	snop;
	(pc) =	sbr.rel @p0 .LBB2_4-.Ltmp1, $3  }
0x62: {  	_ =	sdelay $0x1  }
0x63: {  	[sflag:s12] =	ssyncset.done $0x0  }
0x64: {  	s20 =	sadd.s32 $0x2, s20;
	[sflag:s12] =	ssyncadd.s32 $0xFFFFE000  }
0x65: {  	s3 =	sshra.s32 s19, $0x2  }
0x66: {  	s5 =	sadd.s32 $0x13D00, s3  }
0x67: {  	[tilespmem:s22], [sflag:$0x5] =	stream.indirect.gather [hbm4b:s4+s14], $0x80, s5, s14, $0xb8;
	[tilespmem:$0x1F800] =	vst v63  }
0x68: {  	s9 =	sadd.s32 $0x13D10, s3  }
0x69: {  	[tilespmem:s23], [sflag:$0x6] =	stream.indirect.gather [hbm4b:s4+s14], $0x80, s9, s14, $0xb8;
	[tilespmem:$0x1F800] =	vst v63  }
0x6a: {  	s21 =	sadd.s32 $0x13D20, s3  }
0x6b: {  	[tilespmem:s24], [sflag:$0x7] =	stream.indirect.gather [hbm4b:s4+s14], $0x80, s21, s14, $0xb8;
	[tilespmem:$0x1F800] =	vst v63  }
0x6c: {  	s7 =	sadd.s32 $0x13D30, s3  }
0x6d: {  	[tilespmem:s25], [sflag:$0x8] =	stream.indirect.gather [hbm4b:s4+s14], $0x80, s7, s14, $0xb8;
	[tilespmem:$0x1F800] =	vst v63  }
0x6e: {  	_ =	swait.ge [sflag:s26], $0x800  }
0x6f: {  	[sflag:s26] =	ssyncset.done $0x0  }
0x70: {  	[sflag:s26] =	ssyncadd.s32 $0xFFFFF800  }
0x71: {  	_ =	swait.ge [sflag:s28], $0x800  }
0x72: {  	[sflag:s28] =	ssyncset.done $0x0  }
0x73: {  	[sflag:s28] =	ssyncadd.s32 $0xFFFFF800  }
0x74: {  	_ =	swait.ge [sflag:s29], $0x800  }
0x75: {  	[sflag:s29] =	ssyncset.done $0x0  }
0x76: {  	[sflag:s29] =	ssyncadd.s32 $0xFFFFF800  }
0x77: {  	_ =	swait.ge [sflag:s30], $0x800  }
0x78: {  	[sflag:s30] =	ssyncset.done $0x0  }
0x79: {  	s9 =	sadd.s32 $0x13C80, s3;
	[sflag:s30] =	ssyncadd.s32 $0xFFFFF800  }
0x7a: {  	[spmem:s2] =	stream.indirect.scatter.add.f32 [tilespmem:s15], [sflag:$0x9], $0x80, s9, s31, $0xb8;
	[tilespmem:$0x1F800] =	vst v63  }
0x7b: {  	p0 =	sge.u32 s20, s6;
	_ =	swait.ge [sflag:s12], $0x2000  }
0x7c: {  	s5 =	sshra.s32 @!p0 s19, $0x2;
	s19 =	simm.s32 @!p0 $0x1B400;
	[sflag:s12] =	ssyncset.done $0x0  }
0x7d: {  	s7 =	sadd.s32 @!p0 $0x13E00, s5;
	s9 =	simm.s32 @!p0 $0x10;
	[sflag:s12] =	ssyncadd.s32 $0xFFFFE000  }
0x7e: {  	[tilespmem:s19], [sflag:$0x1] =	stream.indirect.gather @!p0 [hbm4b:s4+s9], $0x80, s7, s9, $0xb8;
	[tilespmem:$0x1F800] =	vst v63  }
0x7f: {  	s7 =	sadd.s32 @!p0 $0x13E10, s5;
	s19 =	simm.s32 @!p0 $0x1BC00  }
0x80: {  	[tilespmem:s19], [sflag:$0x2] =	stream.indirect.gather @!p0 [hbm4b:s4+s9], $0x80, s7, s9, $0xb8;
	[tilespmem:$0x1F800] =	vst v63  }
0x81: {  	s7 =	sadd.s32 @!p0 $0x13E20, s5;
	s19 =	simm.s32 @!p0 $0x1C400  }
0x82: {  	[tilespmem:s19], [sflag:$0x3] =	stream.indirect.gather @!p0 [hbm4b:s4+s9], $0x80, s7, s9, $0xb8;
	[tilespmem:$0x1F800] =	vst v63  }
0x83: {  	s5 =	sadd.s32 @!p0 $0x13E30, s5;
	s7 =	simm.s32 @!p0 $0x1CC00  }
0x84: {  	[tilespmem:s7], [sflag:$0x4] =	stream.indirect.gather @!p0 [hbm4b:s4+s9], $0x80, s5, s9, $0xb8;
	[tilespmem:$0x1F800] =	vst v63  }
0x85: {  	_ =	swait.ge [sflag:s0], $0x800  }
0x86: {  	[sflag:s0] =	ssyncset.done $0x0  }
0x87: {  	[sflag:s0] =	ssyncadd.s32 $0xFFFFF800  }
0x88: {  	_ =	swait.ge [sflag:s1], $0x800  }
0x89: {  	[sflag:s1] =	ssyncset.done $0x0  }
0x8a: {  	[sflag:s1] =	ssyncadd.s32 $0xFFFFF800  }
0x8b: {  	_ =	swait.ge [sflag:s16], $0x800  }
0x8c: {  	[sflag:s16] =	ssyncset.done $0x0  }
0x8d: {  	[sflag:s16] =	ssyncadd.s32 $0xFFFFF800  }
0x8e: {  	_ =	swait.ge [sflag:s17], $0x800  }
0x8f: {  	[sflag:s17] =	ssyncset.done $0x0  }
0x90: {  	s3 =	sadd.s32 $0x13D80, s3;
	[sflag:s17] =	ssyncadd.s32 $0xFFFFF800  }
0x91: {  	[spmem:s2] =	stream.indirect.scatter.add.f32 [tilespmem:s22], [sflag:$0x9], $0x80, s3, s31, $0xb8;
	[tilespmem:$0x1F800] =	vst v63  }
0x92: {  	_ =	swait.ge [sflag:s12], $0x2000  }
0x93: {  	s20 =	sshrl.u32 s8, $0x3;
	[sflag:s12] =	ssyncset.done $0x0  }
0x94: {  	s18 =	sadd.s32 $0x1, s18;
	s19 =	stileid.u32;
	[sflag:s12] =	ssyncadd.s32 $0xFFFFE000  }
0x95: {  	p0 =	sne.s32 s18, s10;
	s3 =	sshll.u32 s19, $0x6;
	[bflag:$0x0] =	sbarrier.arrive $0xFFFF  }
.Ltmp2:
0x96: {  	s3 =	sor.u32 $0x1C09, s3;
	s21 =	rddreg [dreg:$0x7];
	(pc) =	sbr.rel @p0 .LBB2_1-.Ltmp2, $4  }
0x97: {  	[hbm:s21], [sflag:s3] =	dma.local [spmem:s20], $0x2780  }
0x98: {  	_ =	swait.ge [sflag:s12], $0x2780  }
0x99: {  	[sflag:s12] =	ssyncset.done $0x0  }
0x9a: {  	[sflag:s12] =	ssyncadd.s32 $0xFFFFD880  }
0x9b: {  	_ =	sfence.sel $0x180000  }
0x9c: {  	[bflag:$0x0] =	sbarrier.arrive $0xFFFF  }
0x9d: {  	_ =	strace $0x9000004D  }
0x9e: {  	s0 =	stileid.u32;
	[bflag:$0x2] =	sbarrier.arrive $0xFFFF  }
0x9f: {  	p0 =	sne.s32 s0, $0x0;
	s0 =	rddreg [dreg:$0x3]  }
0xa0: {  	s0 =	sadd.s32 @!p0 $0x100000, s0  }
0xa1: {  	[sflag:s0] =	ssyncadd.tile.s32 @!p0 $0x1;
	_ =	shalt  }
.Lfunc_end2:
_tile_overlayer_lowered:
.L_overlay_start_2:
0xa2: {  	(tag) =	ssettag $0x2  }
0xa3: {  	s0 =	rddreg [dreg:$0x0];
	s2 =	stileid.u32  }
0xa4: {  	s1 =	rddreg [dreg:$0x1];
	p0 =	sne.s32 s2, $0x0  }
0xa5: {  	s3 =	rddreg [dreg:$0x2];
	[bflag:$0x3] =	sbarrier.arrive $0xFFFF;
	s2 =	simm.s32 @!p0 $0x1C09  }
0xa6: {  	[timem:s3], [sflag:s2] =	dma.local @!p0 [hbm:s0], s1  }
0xa7: {  	s0 =	simm.s32 @!p0 $0x9  }
0xa8: {  	_ =	swait.ge @!p0 [sflag:s0], s1  }
0xa9: {  	s1 =	ssub.s32 @!p0 $0x0, s1;
	[sflag:s0] =	ssyncset.done @!p0 $0x0  }
0xaa: {  	[sflag:s0] =	ssyncadd.s32 @!p0 s1  }
0xab: {  	[bflag:$0x3] =	sbarrier.arrive $0xFFFF  }
0xac: {  	_ =	shalt  }

// kernel: kernel.8.cloned.1.call-start
scs
__scs_entry_jumppad:
0x0: {  	(pc) =	sbr.rel $0x88, $3  }
0x1: {  	(tag) =	ssettag $0x0;
	lr =	simm.s32 $0x1  }
0x2: {  	[smem:$0x3F98] =	sst lr;
	_ =	strace $0xD0000000  }
0x3: {  	_ = 	snop  }
0x4: {  	_ = 	snop  }
0x5: {  	_ = 	snop  }
0x6: {  	_ = 	snop  }
0x7: {  	_ = 	snop  }
__scs_overlays_trampoline_lowered:
0x8: {  	[smem:$0x3FA7] =	sst s0  }
0x9: {  	[smem:$0x3FA8] =	sst s1  }
0xa: {  	[smem:$0x3FA9] =	sst s2  }
0xb: {  	[smem:$0x3FAA] =	sst s3  }
0xc: {  	[smem:$0x3FAB] =	sst s4  }
0xd: {  	[smem:$0x3FAC] =	sst s5  }
0xe: {  	[smem:$0x3FAD] =	sst s6  }
0xf: {  	[smem:$0x3FAE] =	sst s7  }
0x10: {  	[smem:$0x3FAF] =	sst s8  }
0x11: {  	[smem:$0x3FB0] =	sst s9;
	s0 =	simm.s32 @!p0 $0x0  }
0x12: {  	s1 =	sld [smem:$0x3F96];
	s0 =	simm.s32 @p0 $0x1  }
0x13: {  	[smem:$0x3FB1] =	sst s0;
	s0 =	simm.s32 @!p1 $0x0  }
0x14: {  	s2 =	sld [smem:$0x3F95];
	s0 =	simm.s32 @p1 $0x1  }
0x15: {  	[smem:$0x3FB2] =	sst s0;
	s0 =	simm.s32 @!p2 $0x0  }
0x16: {  	s3 =	sld [smem:$0x3FDB];
	s0 =	simm.s32 @p2 $0x1  }
0x17: {  	s4 =	simm.s32 $0x1BF5;
	[smem:$0x3FB4] =	sst s0  }
0x18: {  	s0 =	sld [smem:$0x3F97];
	_ =	swait.ge [sflag:s4], $0x0  }
0x19: {  	s7 =	sld [smem:$0x3F98]  }
0x1a: {  	s8 =	sadd.s32 $0xFFFFE003, lr  }
0x1b: {  	s9 =	sadd.s32 $0xFFFFFEF7, lr;
	s5 =	simm.s32 $0xFFFFFFFF;
	p2 =	slt.u32 s8, $0xFFFFF086  }
0x1c: {  	p1 =	slt.u32 s9, $0xF7A;
	s5 =	simm.s32 @!p2 $0x0  }
0x1d: {  	s5 =	simm.s32 @p1 $0x1;
	p0 =	seq.s32 s7, s2  }
0x1e: {  	s7 =	smul.u32 @!p0 $0xF7A, s2;
	p2 =	seq.s32 @!p0 s5, $0x0  }
0x1f: {  	s9 =	smul.u32 $0xF7A, s1;
	s8 =	simm.s32 @!p0 $0x1BF5;
	p2 =	por !p2, p0  }
0x20: {  	[sflag:s8] =	ssyncset.s32 @!p0 $0xFFFFF086;
	s6 =	sadd.s32 @!p0 s3, s7;
	s7 =	simm.s32 @!p0 $0x108  }
0x21: {  	s3 =	sadd.s32 s3, s9;
	s6 =	sadd.s32 @!p0 $0x88, s6;
	s7 =	simm.s32 @p2 $0x1082  }
0x22: {  	[simem:s7], [sflag:s8] =	dma.local @!p0 [hbm:s6], $0xF7A  }
0x23: {  	s9 =	sor.u32 $0xD0000000, s2;
	s6 =	simm.s32 $0x108;
	_ =	swait.ge @!p0 [sflag:s8], $0x0  }
0x24: {  	s3 =	sadd.s32 $0x88, s3;
	s6 =	simm.s32 @!p1 $0x1082;
	[sflag:s4] =	ssyncset.s32 $0xFFFFF086  }
0x25: {  	[simem:s6], [sflag:s4] =	dma.local [hbm:s3], $0xF7A  }
0x26: {  	[smem:$0x3F98] =	sst s1;
	(tag) =	ssettag s2;
	_ =	strace s9  }
0x27: {  	s1 =	sld [smem:$0x3FA8]  }
0x28: {  	s2 =	sld [smem:$0x3FA9]  }
0x29: {  	s4 =	sld [smem:$0x3FAB]  }
0x2a: {  	p0 =	seq.s32 s5, $0x0;
	s5 =	sld [smem:$0x3FAC]  }
0x2b: {  	s6 =	sld [smem:$0x3FAD]  }
0x2c: {  	s7 =	sld [smem:$0x3FAE]  }
0x2d: {  	s3 =	simm.s32 $0x108;
	s8 =	sld [smem:$0x3FAF]  }
0x2e: {  	s3 =	simm.s32 @!p0 $0x1082;
	s9 =	sld [smem:$0x3FB0]  }
0x2f: {  	lr =	sadd.s32 s0, s3;
	s0 =	sld [smem:$0x3FA7]  }
0x30: {  	s3 =	sld [smem:$0x3FAA]  }
0x31: {  	[smem:$0x3FB3] =	sst s10  }
0x32: {  	s10 =	sld [smem:$0x3FB1];
	_ =	sdelay $0x3  }
0x33: {  	p0 =	seq.s32 s10, $0x1;
	s10 =	sld [smem:$0x3FB3];
	_ =	sdelay $0x3  }
0x34: {  	[smem:$0x3FB3] =	sst s10  }
0x35: {  	s10 =	sld [smem:$0x3FB2];
	_ =	sdelay $0x3  }
0x36: {  	p1 =	seq.s32 s10, $0x1;
	s10 =	sld [smem:$0x3FB3];
	_ =	sdelay $0x3  }
0x37: {  	[smem:$0x3FB3] =	sst s10  }
0x38: {  	s10 =	sld [smem:$0x3FB4]  }
0x39: {  	_ = 	snop;
	(pc) =	sbr.ind lr, $3  }
0x3a: {  	_ = 	snop  }
0x3b: {  	_ = 	snop  }
0x3c: {  	p2 =	seq.s32 s10, $0x1;
	s10 =	sld [smem:$0x3FB3]  }
0x3d: {  	_ =	shalt  }
0x3e: {  	_ =	shalt  }
0x3f: {  	_ =	shalt  }
0x40: {  	_ =	shalt  }
0x41: {  	_ =	shalt  }
0x42: {  	_ =	shalt  }
0x43: {  	_ =	shalt  }
0x44: {  	_ =	shalt  }
0x45: {  	_ =	shalt  }
0x46: {  	_ =	shalt  }
0x47: {  	_ =	shalt  }
0x48: {  	_ =	shalt  }
0x49: {  	_ =	shalt  }
0x4a: {  	_ =	shalt  }
0x4b: {  	_ =	shalt  }
0x4c: {  	_ =	shalt  }
0x4d: {  	_ =	shalt  }
0x4e: {  	_ =	shalt  }
0x4f: {  	_ =	shalt  }
0x50: {  	_ =	shalt  }
0x51: {  	_ =	shalt  }
0x52: {  	_ =	shalt  }
0x53: {  	_ =	shalt  }
0x54: {  	_ =	shalt  }
0x55: {  	_ =	shalt  }
0x56: {  	_ =	shalt  }
0x57: {  	_ =	shalt  }
0x58: {  	_ =	shalt  }
0x59: {  	_ =	shalt  }
0x5a: {  	_ =	shalt  }
0x5b: {  	_ =	shalt  }
0x5c: {  	_ =	shalt  }
0x5d: {  	_ =	shalt  }
0x5e: {  	_ =	shalt  }
0x5f: {  	_ =	shalt  }
0x60: {  	_ =	shalt  }
0x61: {  	_ =	shalt  }
0x62: {  	_ =	shalt  }
0x63: {  	_ =	shalt  }
0x64: {  	_ =	shalt  }
0x65: {  	_ =	shalt  }
0x66: {  	_ =	shalt  }
0x67: {  	_ =	shalt  }
0x68: {  	_ =	shalt  }
0x69: {  	_ =	shalt  }
0x6a: {  	_ =	shalt  }
0x6b: {  	_ =	shalt  }
0x6c: {  	_ =	shalt  }
0x6d: {  	_ =	shalt  }
0x6e: {  	_ =	shalt  }
0x6f: {  	_ =	shalt  }
0x70: {  	_ =	shalt  }
0x71: {  	_ =	shalt  }
0x72: {  	_ =	shalt  }
0x73: {  	_ =	shalt  }
0x74: {  	_ =	shalt  }
0x75: {  	_ =	shalt  }
0x76: {  	_ =	shalt  }
0x77: {  	_ =	shalt  }
0x78: {  	_ =	shalt  }
0x79: {  	_ =	shalt  }
0x7a: {  	_ =	shalt  }
0x7b: {  	_ =	shalt  }
0x7c: {  	_ =	shalt  }
0x7d: {  	_ =	shalt  }
0x7e: {  	_ =	shalt  }
0x7f: {  	_ =	shalt  }
0x80: {  	_ =	shalt  }
0x81: {  	_ =	shalt  }
0x82: {  	_ =	shalt  }
0x83: {  	_ =	shalt  }
0x84: {  	_ =	shalt  }
0x85: {  	_ =	shalt  }
0x86: {  	_ =	shalt  }
0x87: {  	_ =	shalt  }
.Lfunc_end0:
.L_simem_size_0:
called_computation_lowered:
.L_overlay_start_0:
0x88: {  	s2 =	sld [smem:$0x3FD9]  }
0x89: {  	s3 =	sld [smem:$0x3FFE];
	_ =	sdelay $0x1  }
0x8a: {  	s1 =	srdreg.scid  }
0x8b: {  	s0 =	sand.u32 $0x1, s1  }
0x8c: {  	s16 =	sshll.u32 s0, $0xA;
	s2 =	sadd.s32 s3, s2  }
0x8d: {  	s2 =	sadd.s32 s2, s16  }
0x8e: {  	[smem:$0x3FBF] =	sst s2  }
0x8f: {  	_ = 	snop  }
0x90: {  	(tm) =	ssettm $0x1  }
0x91: {  	s17 =	sld [smem:$0x3FFB];
	_ =	sdelay $0x3  }
0x92: {  	_ =	strace s17  }
0x93: {  	s2 =	sld [smem:$0x3FFC];
	_ =	sdelay $0x3  }
0x94: {  	_ =	strace s2  }
0x95: {  	s2 =	sld [smem:$0x3FFD];
	_ =	sdelay $0x3  }
0x96: {  	_ =	strace s2  }
0x97: {  	_ =	strace $0x8FFFFFFF  }
0x98: {  	s18 =	sld [smem:$0x3FDB];
	_ =	sdelay $0x1  }
0x99: {  	s19 =	simm.s32 $_scs_section_size  }
0x9a: {  	s4 =	simm.s32 $_size__tile_overlayer_lowered;
	s5 =	simm.s32 $_tile_overlayer_lowered  }
0x9b: {  	s22 =	simm.s32 $0x1BFF;
	s21 =	sshll.u32 s5, $0x1;
	s2 =	sadd.s32 s19, s18  }
0x9c: {  	s6 =	simm.s32 $0x0;
	s20 =	sshll.u32 s4, $0x1;
	s4 =	sadd.s32 s21, s2  }
0x9d: {  	[timem:s6], [sflag:s22] =	dma.local [hbm:s4], s20  }
0x9e: {  	_ =	swait.ge [sflag:s22], s20  }
0x9f: {  	s3 =	ssub.s32 $0x0, s20;
	[sflag:s22] =	ssyncset.done $0x0  }
0xa0: {  	[sflag:s22] =	ssyncadd.s32 s3;
	_ =	sdelay $0x1  }
0xa1: {  	s23 =	simm.s32 $0x1B8B  }
0xa2: {  	_ =	swait.ge [sflag:s23], $0x1  }
0xa3: {  	[sflag:s23] =	ssyncset.done $0x0  }
0xa4: {  	s25 =	simm.s32 $0x1B8E;
	s24 =	sld [smem:$0x3FFE];
	[sflag:s23] =	ssyncadd.s32 $0xFFFFFFFF  }
0xa5: {  	s26 =	simm.s32 $execute0_lowered;
	[smem:$0x3FD2] =	sst s25  }
0xa6: {  	s4 =	sshll.u32 s26, $0x1;
	_ =	strace $0x80000046;
	[dreg:$0x1] =	wrdreg $0xFFFFFFFF  }
0xa7: {  	s28 =	simm.s32 $_size_execute0_lowered;
	s2 =	sadd.s32 s2, s4;
	[dreg:$0x0] =	wrdreg $0x0  }
0xa8: {  	s4 =	sshll.u32 s28, $0x1;
	[dreg:$0x2] =	wrdreg s2  }
0xa9: {  	[dreg:$0x3] =	wrdreg s4  }
0xaa: {  	[dreg:$0x4] =	wrdreg $0xC0  }
0xab: {  	_ =	task [dreg:s6], $0x5FFFF  }
0xac: {  	[dreg:$0x1] =	wrdreg $0xFFFFFFFF  }
0xad: {  	[dreg:$0x0] =	wrdreg $0x60  }
0xae: {  	[dreg:$0x2] =	wrdreg s24  }
0xaf: {  	[dreg:$0x3] =	wrdreg $0x0  }
0xb0: {  	[dreg:$0x4] =	wrdreg $0x9  }
0xb1: {  	_ =	task.clear_ibuf [dreg:s6], $0x5FFFF;
	_ =	strace $0x90000046  }
0xb2: {  	s29 =	simm.s32 $0x9;
	_ =	strace $0x80000048  }
0xb3: {  	_ =	swait.ge [sflag:s29], $0x1  }
0xb4: {  	[sflag:s29] =	ssyncadd.s32 $0xFFFFFFFF  }
0xb5: {  	_ =	strace $0x90000048  }
0xb6: {  	_ =	sfence  }
0xb7: {  	s30 =	sld [smem:$0x0];
	_ =	sdelay $0x2  }
0xb8: {  	s31 =	sshll.u32 s1, $0xD;
	s1 =	sshrl.u32 s1, $0x2  }
0xb9: {  	s3 =	sand.u32 $0x4000, s31;
	s1 =	sadd.s32 s1, s30  }
0xba: {  	s0 =	sor.u32 s3, s0;
	s1 =	sshll.u32 s1, $0x11  }
0xbb: {  	s0 =	sor.u32 s1, s0  }
0xbc: {  	s0 =	sadd.s32 $0x8F2B, s0  }
0xbd: {  	[sflag:s0] =	ssyncadd.remote.s32 $0x1  }
0xbe: {  	_ =	sfence.sel $0xFFFF  }
0xbf: {  	[dreg:$0x0] =	wrdreg $0xFFFFFFFF;
	(pc) =	sbr.abs _section_cstart, $3  }
0xc0: {  	[dreg:$0x1] =	wrdreg $0xFFFFFFFF  }
0xc1: {  	_ =	task.clear_ibuf [dreg:s6], $0x2FFFF;
	_ =	strace $0x9FFFFFFF  }
0xc2: {  	(tm) =	ssettm $0x7FFFFFFF  }
0xc3: {  	_ =	shalt  }
tec
execute0_lowered:
.L_overlay_start_1:
0x0: {  	(tag) =	ssettag $0x1  }
0x1: {  	s6 =	rddreg [dreg:$0x0]  }
0x2: {  	s0 =	srdreg.scid;
	s2 =	rddreg [dreg:$0x1];
	s3 =	simm.s32 $0x0  }
0x3: {  	s13 =	simm.s32 $0x15000;
	s5 =	sand.u32 $0x1, s0;
	s0 =	stileid.u32  }
0x4: {  	s14 =	simm.s32 $0x80;
	s17 =	simm.s32 $0x0;
	s7 =	smul.u32 $0x2780, s0  }
0x5: {  	[smem:$0x7FF] =	sst s3;
	s1 =	sshll.u32 s5, $0x4;
	s8 =	smul.u32 $0x27800, s5  }
0x6: {  	s29 =	ssub.s32 $0x2, s5;
	s10 =	smul.u32 $0x4F000, s0;
	s5 =	sadd.s32 $0x7800, s6  }
0x7: {  	s15 =	sshll.u32 s0, $0x6;
	s1 =	sor.u32 s0, s1;
	s30 =	sshrl.u32 s29, $0x1  }
0x8: {  	s15 =	sor.u32 $0x1C01, s15;
	s4 =	smul.u32 $0x280, s1;
	s1 =	rddreg [dreg:$0x2]  }
0x9: {  	_ =	strace $0x80000047;
	s7 =	sadd.s32 s7, s8;
	s12 =	ssub.s32 s29, s30  }
0xa: {  	s31 =	sshrl.u32 s10, $0x2;
	s10 =	simm.s32 $0x13C00;
	s11 =	sadd.s32 s7, s6  }
0xb: {  	s7 =	sadd.s32 s31, s2;
	s9 =	sadd.s32 s4, s6;
	s4 =	sadd.s32 $0x7600, s6  }
0xc: {  	s8 =	sadd.s32 $0x8000, s11;
	s11 =	simm.s32 $0x1;
	s16 =	sshrl.u32 s7, $0x3  }
0xd: {  	s6 =	sadd.s32 $0x2600, s9;
	s9 =	smax.u32 s12, $0x1;
	s12 =	simm.s32 $0x19000  }
.LBB2_1:
0xe: {  	[tilespmem:s10], [sflag:$0x1] =	stream.linear.gather [hbm4b:s6+s3], $0x1400, $0x38;
	[tilespmem:$0x19400] =	vst v63  }
0xf: {  	_ =	swait.ge [sflag:s11], $0x1400  }
0x10: {  	[sflag:s11] =	ssyncset.done $0x0  }
0x11: {  	[sflag:s11] =	ssyncadd.s32 $0xFFFFEC00  }
0x12: {  	[tilespmem:s12], [sflag:$0x1] =	stream.linear.gather [hbm4b:s4+s3], $0x400, $0x38;
	[tilespmem:$0x19400] =	vst v63  }
0x13: {  	_ =	swait.ge [sflag:s11], $0x400  }
0x14: {  	[sflag:s11] =	ssyncset.done $0x0  }
0x15: {  	[sflag:s11] =	ssyncadd.s32 $0xFFFFFC00  }
0x16: {  	[tilespmem:s13], [sflag:$0x1] =	stream.linear.gather [hbm4b:s5+s3], $0x4000, $0x38;
	[tilespmem:$0x19400] =	vst v63  }
0x17: {  	_ =	swait.ge [sflag:s11], $0x4000  }
0x18: {  	[sflag:s11] =	ssyncset.done $0x0  }
0x19: {  	s18 =	sadd.s32 $0x0, s7;
	[sflag:s11] =	ssyncadd.s32 $0xFFFFC000  }
0x1a: {  	[spmem:s18] =	stream.linear.scatter [tilespmem:s12], [sflag:$0x1], $0x400, $0x38;
	[tilespmem:$0x19400] =	vst v63  }
0x1b: {  	s18 =	simm.s32 $0x1000;
	_ =	swait.ge [sflag:s11], $0x400  }
.LBB2_2:
0x1c: {  	s19 =	sshra.s32 s18, $0x2;
	[sflag:s11] =	ssyncset.done $0x0;
	p0 =	sne.s32 s18, $0x4E000  }
.Ltmp0:
0x1d: {  	s19 =	sadd.s32 s19, s7;
	[sflag:s11] =	ssyncadd.s32 $0xFFFFFC00;
	(pc) =	sbr.rel @p0 .LBB2_2-.Ltmp0, $3  }
0x1e: {  	[spmem:s19] =	stream.linear.scatter [tilespmem:s12], [sflag:$0x1], $0x400, $0x38;
	[tilespmem:$0x19400] =	vst v63  }
0x1f: {  	s18 =	sadd.s32 $0x1000, s18;
	_ =	sdelay $0x1  }
0x20: {  	_ =	swait.ge [sflag:s11], $0x400  }
0x21: {  	[sflag:s11] =	ssyncset.done $0x0  }
0x22: {  	[sflag:s11] =	ssyncadd.s32 $0xFFFFFC00  }
0x23: {  	s18 =	simm.s32 $0x13C00;
	[bflag:$0x0] =	sbarrier.arrive $0xFFFF  }
0x24: {  	[spmem:s2] =	stream.indirect.scatter.add.f32 [tilespmem:s13], [sflag:$0x1], $0x80, s18, s14, $0xb8;
	[tilespmem:$0x19400] =	vst v63  }
0x25: {  	s18 =	simm.s32 $0x200;
	_ =	swait.ge [sflag:s11], $0x4000  }
.LBB2_4:
0x26: {  	s19 =	sshra.s32 s18, $0x2;
	[sflag:s11] =	ssyncset.done $0x0;
	p0 =	sne.s32 s18, $0x4E00  }
.Ltmp1:
0x27: {  	s19 =	sadd.s32 $0x13C00, s19;
	[sflag:s11] =	ssyncadd.s32 $0xFFFFC000;
	(pc) =	sbr.rel @p0 .LBB2_4-.Ltmp1, $3  }
0x28: {  	[spmem:s2] =	stream.indirect.scatter.add.f32 [tilespmem:s13], [sflag:$0x1], $0x80, s19, s14, $0xb8;
	[tilespmem:$0x19400] =	vst v63  }
0x29: {  	s18 =	sadd.s32 $0x200, s18;
	_ =	sdelay $0x1  }
0x2a: {  	_ =	swait.ge [sflag:s11], $0x4000  }
0x2b: {  	[sflag:s11] =	ssyncset.done $0x0;
	s17 =	sadd.s32 $0x1, s17  }
0x2c: {  	[sflag:s11] =	ssyncadd.s32 $0xFFFFC000;
	p0 =	sne.s32 s17, s9  }
.Ltmp2:
0x2d: {  	[bflag:$0x0] =	sbarrier.arrive $0xFFFF;
	(pc) =	sbr.rel @p0 .LBB2_1-.Ltmp2, $4  }
0x2e: {  	[hbm:s8], [sflag:s15] =	dma.local [spmem:s16], $0x2780  }
0x2f: {  	_ =	swait.ge [sflag:s11], $0x2780  }
0x30: {  	[sflag:s11] =	ssyncset.done $0x0  }
0x31: {  	[sflag:s11] =	ssyncadd.s32 $0xFFFFD880  }
0x32: {  	_ =	sfence.sel $0x180000  }
0x33: {  	[bflag:$0x0] =	sbarrier.arrive $0xFFFF  }
0x34: {  	p0 =	sne.s32 s0, $0x0;
	_ =	strace $0x90000047  }
0x35: {  	s0 =	sadd.s32 @!p0 $0x100000, s1;
	[bflag:$0x2] =	sbarrier.arrive $0xFFFF  }
0x36: {  	[sflag:s0] =	ssyncadd.tile.s32 @!p0 $0x1;
	_ =	shalt  }
.Lfunc_end2:
_tile_overlayer_lowered:
.L_overlay_start_2:
0x37: {  	(tag) =	ssettag $0x2  }
0x38: {  	s0 =	rddreg [dreg:$0x0];
	s2 =	stileid.u32  }
0x39: {  	s1 =	rddreg [dreg:$0x1];
	p0 =	sne.s32 s2, $0x0  }
0x3a: {  	s3 =	rddreg [dreg:$0x2];
	[bflag:$0x3] =	sbarrier.arrive $0xFFFF;
	s2 =	simm.s32 @!p0 $0x1C01  }
0x3b: {  	[timem:s3], [sflag:s2] =	dma.local @!p0 [hbm:s0], s1  }
0x3c: {  	s0 =	simm.s32 @!p0 $0x1  }
0x3d: {  	_ =	swait.ge @!p0 [sflag:s0], s1  }
0x3e: {  	s1 =	ssub.s32 @!p0 $0x0, s1;
	[sflag:s0] =	ssyncset.done @!p0 $0x0  }
0x3f: {  	[sflag:s0] =	ssyncadd.s32 @!p0 s1  }
0x40: {  	[bflag:$0x3] =	sbarrier.arrive $0xFFFF  }
0x41: {  	_ =	shalt  }

</sc_bundles>
